<compile_context>
chip_gen: v7x
topology: tpu7x:2x2x1
jax: 0.10.2.dev20260603
libtpu: 0.0.44.dev20260713+nightly
codegen_flags: <defaults>
</compile_context>

<pallas_src>
import jax
import jax.numpy as jnp
from jax import lax
from jax.experimental import pallas as pl
from jax.experimental.pallas import tpu as pltpu
from jax.experimental.pallas import tpu_sc as plsc

_N = 10000
_NP = 10240
_E = 320000
_D = 128
_B = 64
_C = 10

_NC = 2
_NS = 16
_KC = 80
_KG = 40
_EP = _NC * _NS * _KC * 128
_RPS = _NP // _NS

_BLK = 1024
_G = _NP // _BLK


def _sc_agg_body(h_hbm, src_hbm, dst_hbm, zero_hbm, out_hbm,
                 srcv, dstv, rows, acc, gs0, gs1):
    cid = lax.axis_index("c")
    sid = lax.axis_index("s")
    w = sid * _NC + cid
    gs = (gs0, gs1)

    def wait_gather(b):
        pltpu.make_async_copy(h_hbm.at[pl.ds(0, 128)], rows.at[b], gs[b]).wait()

    pltpu.sync_copy(zero_hbm, acc.at[pl.ds(sid * _RPS, _RPS)])
    plsc.subcore_barrier()

    for g in range(_KC // _KG):
        base = w * _KC + g * _KG
        pltpu.sync_copy(src_hbm.at[pl.ds(base, _KG)], srcv)
        pltpu.sync_copy(dst_hbm.at[pl.ds(base, _KG)], dstv)
        pltpu.async_copy(h_hbm.at[srcv.at[0]], rows.at[0], gs[0])

        def pair(j2, carry):
            for b in range(2):
                jj = 2 * j2 + b

                @pl.when(jj + 1 < _KG)
                def _():
                    pltpu.async_copy(h_hbm.at[srcv.at[jj + 1]],
                                     rows.at[1 - b], gs[1 - b])

                wait_gather(b)
                pltpu.sync_copy(rows.at[b], acc.at[dstv.at[jj]], add=True)
            return carry

        lax.fori_loop(0, _KG // 2, pair, 0)

    plsc.subcore_barrier()
    pltpu.sync_copy(acc.at[pl.ds(sid * _RPS, _RPS)],
                    out_hbm.at[cid, pl.ds(sid * _RPS, _RPS)])


def _make_sc_agg():
    return pl.kernel(
        _sc_agg_body,
        out_type=jax.ShapeDtypeStruct((_NC, _NP, _D), jnp.float32),
        mesh=plsc.VectorSubcoreMesh(core_axis_name="c", subcore_axis_name="s"),
        scratch_types=[
            pltpu.VMEM((_KG, 128), jnp.int32),
            pltpu.VMEM((_KG, 128), jnp.int32),
            pltpu.VMEM((2, 128, _D), jnp.float32),
            pltpu.VMEM_SHARED((_NP, _D), jnp.float32),
            pltpu.SemaphoreType.DMA,
            pltpu.SemaphoreType.DMA,
        ],
    )


def _mlp_body(eps_ref, agg_ref, h_ref, w1_ref, b1_ref, w2_ref, b2_ref,
              z2_ref, ssum_ref, ssq_ref, sacc, qacc):
    i = pl.program_id(0)
    out = agg_ref[0] + agg_ref[1] + (1.0 + eps_ref[0]) * h_ref[...]
    z1 = jnp.maximum(
        jnp.dot(out, w1_ref[...], preferred_element_type=jnp.float32)
        + b1_ref[...], 0.0)
    z2 = jnp.maximum(
        jnp.dot(z1, w2_ref[...], preferred_element_type=jnp.float32)
        + b2_ref[...], 0.0)
    z2_ref[...] = z2

    row = i * _BLK + lax.broadcasted_iota(jnp.int32, (_BLK, 1), 0)
    z2m = jnp.where(row < _N, z2, 0.0)

    @pl.when(i == 0)
    def _():
        sacc[...] = jnp.zeros_like(sacc)
        qacc[...] = jnp.zeros_like(qacc)

    sacc[...] += jnp.sum(z2m, axis=0, keepdims=True)
    qacc[...] += jnp.sum(z2m * z2m, axis=0, keepdims=True)

    @pl.when(i == pl.num_programs(0) - 1)
    def _():
        ssum_ref[...] = sacc[...]
        ssq_ref[...] = qacc[...]


_mlp_call = pl.pallas_call(
    _mlp_body,
    grid=(_G,),
    in_specs=[
        pl.BlockSpec(memory_space=pltpu.SMEM),
        pl.BlockSpec((_NC, _BLK, _D), lambda i: (0, i, 0)),
        pl.BlockSpec((_BLK, _D), lambda i: (i, 0)),
        pl.BlockSpec((_D, _D), lambda i: (0, 0)),
        pl.BlockSpec((1, _D), lambda i: (0, 0)),
        pl.BlockSpec((_D, _D), lambda i: (0, 0)),
        pl.BlockSpec((1, _D), lambda i: (0, 0)),
    ],
    out_specs=[
        pl.BlockSpec((_BLK, _D), lambda i: (i, 0)),
        pl.BlockSpec((1, _D), lambda i: (0, 0)),
        pl.BlockSpec((1, _D), lambda i: (0, 0)),
    ],
    out_shape=[
        jax.ShapeDtypeStruct((_NP, _D), jnp.float32),
        jax.ShapeDtypeStruct((1, _D), jnp.float32),
        jax.ShapeDtypeStruct((1, _D), jnp.float32),
    ],
    scratch_shapes=[
        pltpu.VMEM((1, _D), jnp.float32),
        pltpu.VMEM((1, _D), jnp.float32),
    ],
)


def _norm_body(z2_ref, ssum_ref, ssq_ref, gamma_ref, beta_ref, h_ref):
    m = ssum_ref[...] * (1.0 / _N)
    v = ssq_ref[...] * (1.0 / _N) - m * m
    g = gamma_ref[...] * lax.rsqrt(v + 1e-5)
    h_ref[...] = (z2_ref[...] - m) * g + beta_ref[...]


_norm_call = pl.pallas_call(
    _norm_body,
    grid=(_G,),
    in_specs=[
        pl.BlockSpec((_BLK, _D), lambda i: (i, 0)),
        pl.BlockSpec((1, _D), lambda i: (0, 0)),
        pl.BlockSpec((1, _D), lambda i: (0, 0)),
        pl.BlockSpec((1, _D), lambda i: (0, 0)),
        pl.BlockSpec((1, _D), lambda i: (0, 0)),
    ],
    out_specs=pl.BlockSpec((_BLK, _D), lambda i: (i, 0)),
    out_shape=jax.ShapeDtypeStruct((_NP, _D), jnp.float32),
)


def _pool_body(z2_ref, ssum_ref, ssq_ref, gamma_ref, beta_ref,
               batch_ref, w1_ref, b1_ref, w2_ref, b2_ref,
               hp_ref, lg_ref, hacc, cacc):
    i = pl.program_id(0)

    @pl.when(i == 0)
    def _():
        hacc[...] = jnp.zeros_like(hacc)
        cacc[...] = jnp.zeros_like(cacc)

    m = ssum_ref[...] * (1.0 / _N)
    v = ssq_ref[...] * (1.0 / _N) - m * m
    g = gamma_ref[...] * lax.rsqrt(v + 1e-5)
    h = (z2_ref[...] - m) * g + beta_ref[...]
    bt = batch_ref[0]
    gid = lax.broadcasted_iota(jnp.int32, (_B, _BLK), 0)
    oh = (gid == bt).astype(jnp.float32)
    hacc[...] += jnp.dot(oh, h, preferred_element_type=jnp.float32)
    cacc[...] += jnp.dot(oh, jnp.ones((_BLK, _D), jnp.float32),
                         preferred_element_type=jnp.float32)

    @pl.when(i == pl.num_programs(0) - 1)
    def _():
        hp = hacc[...] / jnp.maximum(cacc[...], 1.0)
        hp_ref[...] = hp
        z = jnp.maximum(
            jnp.dot(hp, w1_ref[...], preferred_element_type=jnp.float32)
            + b1_ref[...], 0.0)
        lg_ref[...] = jnp.dot(z, w2_ref[...],
                              preferred_element_type=jnp.float32) + b2_ref[...]


_pool_call = pl.pallas_call(
    _pool_body,
    grid=(_G,),
    in_specs=[
        pl.BlockSpec((_BLK, _D), lambda i: (i, 0)),
        pl.BlockSpec((1, _D), lambda i: (0, 0)),
        pl.BlockSpec((1, _D), lambda i: (0, 0)),
        pl.BlockSpec((1, _D), lambda i: (0, 0)),
        pl.BlockSpec((1, _D), lambda i: (0, 0)),
        pl.BlockSpec((1, 1, _BLK), lambda i: (i, 0, 0)),
        pl.BlockSpec((_D, _D), lambda i: (0, 0)),
        pl.BlockSpec((1, _D), lambda i: (0, 0)),
        pl.BlockSpec((_D, _D), lambda i: (0, 0)),
        pl.BlockSpec((1, _D), lambda i: (0, 0)),
    ],
    out_specs=[
        pl.BlockSpec((_B, _D), lambda i: (0, 0)),
        pl.BlockSpec((_B, _D), lambda i: (0, 0)),
    ],
    out_shape=[
        jax.ShapeDtypeStruct((_B, _D), jnp.float32),
        jax.ShapeDtypeStruct((_B, _D), jnp.float32),
    ],
    scratch_shapes=[
        pltpu.VMEM((_B, _D), jnp.float32),
        pltpu.VMEM((_B, _D), jnp.float32),
    ],
)




def _mlpn_body(eps_ref, agg_ref, h_ref, w1_ref, b1_ref, w2_ref, b2_ref,
               gamma_ref, beta_ref, h_out_ref, z2buf, sacc, qacc):
    i = pl.program_id(0)
    blk = lax.rem(i, _G)

    @pl.when(i == 0)
    def _():
        sacc[...] = jnp.zeros_like(sacc)
        qacc[...] = jnp.zeros_like(qacc)

    @pl.when(i < _G)
    def _():
        out = agg_ref[0] + agg_ref[1] + (1.0 + eps_ref[0]) * h_ref[...]
        z1 = jnp.maximum(
            jnp.dot(out, w1_ref[...], preferred_element_type=jnp.float32)
            + b1_ref[...], 0.0)
        z2 = jnp.maximum(
            jnp.dot(z1, w2_ref[...], preferred_element_type=jnp.float32)
            + b2_ref[...], 0.0)
        z2buf[pl.ds(blk * _BLK, _BLK), :] = z2
        row = blk * _BLK + lax.broadcasted_iota(jnp.int32, (_BLK, 1), 0)
        z2m = jnp.where(row < _N, z2, 0.0)
        sacc[...] += jnp.sum(z2m, axis=0, keepdims=True)
        qacc[...] += jnp.sum(z2m * z2m, axis=0, keepdims=True)

    @pl.when(i >= _G)
    def _():
        m = sacc[...] * (1.0 / _N)
        v = qacc[...] * (1.0 / _N) - m * m
        g = gamma_ref[...] * lax.rsqrt(v + 1e-5)
        z2 = z2buf[pl.ds(blk * _BLK, _BLK), :]
        h_out_ref[...] = (z2 - m) * g + beta_ref[...]


_mlpn_call = pl.pallas_call(
    _mlpn_body,
    grid=(2 * _G,),
    in_specs=[
        pl.BlockSpec(memory_space=pltpu.SMEM),
        pl.BlockSpec((_NC, _BLK, _D), lambda i: (0, i % _G, 0)),
        pl.BlockSpec((_BLK, _D), lambda i: (i % _G, 0)),
        pl.BlockSpec((_D, _D), lambda i: (0, 0)),
        pl.BlockSpec((1, _D), lambda i: (0, 0)),
        pl.BlockSpec((_D, _D), lambda i: (0, 0)),
        pl.BlockSpec((1, _D), lambda i: (0, 0)),
        pl.BlockSpec((1, _D), lambda i: (0, 0)),
        pl.BlockSpec((1, _D), lambda i: (0, 0)),
    ],
    out_specs=pl.BlockSpec((_BLK, _D), lambda i: (i % _G, 0)),
    out_shape=jax.ShapeDtypeStruct((_NP, _D), jnp.float32),
    scratch_shapes=[
        pltpu.VMEM((_NP, _D), jnp.float32),
        pltpu.VMEM((1, _D), jnp.float32),
        pltpu.VMEM((1, _D), jnp.float32),
    ],
)


def kernel(x, edge_index, batch, params):
    f32 = jnp.float32
    src = edge_index[0]
    dst = edge_index[1]
    pad_e = _EP - _E
    srcp = jnp.concatenate([src, jnp.zeros((pad_e,), jnp.int32)]).reshape(-1, 128)
    dst_pad = _N + (jnp.arange(pad_e, dtype=jnp.int32) % (_NP - _N))
    dstp = jnp.concatenate([dst, dst_pad]).reshape(-1, 128)
    zeros_slab = jnp.zeros((_RPS, _D), f32)
    batchp = jnp.concatenate(
        [batch, jnp.full((_NP - _N,), _B, jnp.int32)]).reshape(_G, 1, _BLK)

    sc_agg = _make_sc_agg()
    h = jnp.pad(x, ((0, _NP - _N), (0, 0)))
    for li, lp in enumerate(params['layers']):
        aggs = sc_agg(h, srcp, dstp, zeros_slab)
        if li < 2:
            h = _mlpn_call(
                lp['eps'].reshape(1), aggs, h,
                lp['W1'], lp['b1'].reshape(1, _D),
                lp['W2'], lp['b2'].reshape(1, _D),
                lp['gamma'].reshape(1, _D), lp['beta'].reshape(1, _D))
        else:
            z2, ssum, ssq = _mlp_call(
                lp['eps'].reshape(1), aggs, h,
                lp['W1'], lp['b1'].reshape(1, _D),
                lp['W2'], lp['b2'].reshape(1, _D))

    lp3 = params['layers'][2]
    w2p = jnp.pad(params['lin2_W'], ((0, 0), (0, _D - _C)))
    b2p = jnp.pad(params['lin2_b'], (0, _D - _C)).reshape(1, _D)
    hp, lg = _pool_call(z2, ssum, ssq, lp3['gamma'].reshape(1, _D),
                        lp3['beta'].reshape(1, _D), batchp, params['lin1_W'],
                        params['lin1_b'].reshape(1, _D), w2p, b2p)
    return hp, lg[:, :_C]

# --- scband reference (transcript-rebuilt; emitter-appended) ---
"""Pipeline reference for scband-gin-71038759076227 (READ-ONLY COPY).

The authoritative reference and input builder live on the scoring server;
editing this copy changes nothing except your own understanding.
"""

import jax, jax.numpy as jnp
import numpy as np

N = 10000
E = 320000
D = 128
H = 128
C = 10
B = 64


def _lin(k, fan_in, fan_out):
    W = jax.random.normal(k, (fan_in, fan_out), dtype=jnp.float32) * (1.0 / np.sqrt(fan_in))
    b = jnp.zeros((fan_out,), dtype=jnp.float32)
    return W, b


def setup_inputs(seed: int = 0) -> dict:
    key = jax.random.key(seed)
    ks = jax.random.split(key, 16)
    x = jax.random.normal(ks[0], (N, D), dtype=jnp.float32)
    edge_index = jax.random.randint(ks[1], (2, E), 0, N, dtype=jnp.int32)
    batch = jnp.sort(jax.random.randint(ks[2], (N,), 0, B, dtype=jnp.int32))
    layers = []
    kidx = 3
    for L in range(3):
        din = D if L == 0 else H
        W1, b1 = _lin(ks[kidx], din, H); kidx += 1
        W2, b2 = _lin(ks[kidx], H, H); kidx += 1
        layers.append({
            'eps': jnp.zeros((), dtype=jnp.float32),
            'W1': W1, 'b1': b1, 'W2': W2, 'b2': b2,
            'gamma': jnp.ones((H,), dtype=jnp.float32),
            'beta': jnp.zeros((H,), dtype=jnp.float32),
        })
    lin1_W, lin1_b = _lin(ks[kidx], H, H); kidx += 1
    lin2_W, lin2_b = _lin(ks[kidx], H, C); kidx += 1
    params = {'layers': layers, 'lin1_W': lin1_W, 'lin1_b': lin1_b,
              'lin2_W': lin2_W, 'lin2_b': lin2_b}
    return {'x': x, 'edge_index': edge_index, 'batch': batch, 'params': params}


def gin_forward(x, edge_index, batch, params):
    src = edge_index[0]
    dst = edge_index[1]
    h = x
    for lp in params['layers']:
        # message + aggregate (sum over neighbors): gather x_j then scatter-add to dst
        agg = jax.ops.segment_sum(h[src], dst, num_segments=h.shape[0])
        out = agg + (1.0 + lp['eps']) * h
        # MLP: Linear -> ReLU -> Linear -> ReLU -> BatchNorm (training-mode batch stats)
        out = jax.nn.relu(out @ lp['W1'] + lp['b1'])
        out = jax.nn.relu(out @ lp['W2'] + lp['b2'])
        m = out.mean(axis=0)
        v = out.var(axis=0)
        h = (out - m) / jnp.sqrt(v + 1e-5) * lp['gamma'] + lp['beta']
    # global mean pool over graph-batch ids
    ones = jnp.ones((h.shape[0],), dtype=h.dtype)
    cnt = jax.ops.segment_sum(ones, batch, num_segments=B)
    hp = jax.ops.segment_sum(h, batch, num_segments=B) / jnp.clip(cnt, 1.0)[:, None]
    z = jax.nn.relu(hp @ params['lin1_W'] + params['lin1_b'])
    # dropout is identity in eval mode
    logits = z @ params['lin2_W'] + params['lin2_b']
    return hp, logits


def reference(x, edge_index, batch, params):
    return gin_forward(x, edge_index, batch, params)

if __name__ == "__main__":
    import jax
    _d = setup_inputs()
    print(jax.jit(kernel)(*tuple(_d.values())))

</pallas_src>

<mosaic_0001>
#map = affine_map<(d0, d1) -> (0, 0)>
#map1 = affine_map<(d0, d1) -> (0, 0, 0)>
module attributes {stable_mosaic.version = 14 : i64} {
  func.func @_sc_agg_body(%arg0: i32, %arg1: i32, %arg2: memref<10240x128xf32, #tpu.memory_space<hbm>>, %arg3: memref<2560x128xi32, #tpu.memory_space<hbm>>, %arg4: memref<2560x128xi32, #tpu.memory_space<hbm>>, %arg5: memref<640x128xf32, #tpu.memory_space<hbm>>, %arg6: memref<2x10240x128xf32, #tpu.memory_space<hbm>>, %arg7: memref<40x128xi32, #tpu.memory_space<vmem>>, %arg8: memref<40x128xi32, #tpu.memory_space<vmem>>, %arg9: memref<2x128x128xf32, #tpu.memory_space<vmem>>, %arg10: memref<10240x128xf32, #tpu.memory_space<vmem_shared>>, %arg11: memref<!tpu.dma_semaphore, #tpu.memory_space<semaphore_mem>>, %arg12: memref<!tpu.dma_semaphore, #tpu.memory_space<semaphore_mem>>) attributes {dimension_semantics = [#tpu.dimension_semantics<core_parallel>, #tpu.dimension_semantics<subcore_parallel>], iteration_bounds = array<i64: 2, 16>, scalar_prefetch = 0 : i64, scratch_operands = 6 : i64, tpu.core_type = #tpu.core_type<sc_vector_subcore>, window_params = [{transform_indices = #map}, {transform_indices = #map}, {transform_indices = #map}, {transform_indices = #map}, {transform_indices = #map1}]} {
    %mul3A = arith.constant 2 : i32
    %mul3A_0 = arith.muli %arg1, %mul3A : i32
    %add3A = arith.addi %mul3A_0, %arg0 : i32
    %mul3A_1 = arith.constant 640 : i32
    %mul3A_2 = arith.muli %arg1, %mul3A_1 : i32
    "tpu.region"() ({
      %run_scoped3A = tpu.sem_alloc : memref<!tpu.dma_semaphore, #tpu.memory_space<semaphore_mem>>
      %dma_start3A_50 = arith.constant 0 : i32
      %dma_start3A_51 = tpu.memref_slice %arg10[%mul3A_2, %dma_start3A_50] : memref<10240x128xf32, #tpu.memory_space<vmem_shared>> -> memref<640x128xf32, #tpu.memory_space<vmem_shared>>
      tpu.enqueue_dma source(%arg5 : memref<640x128xf32, #tpu.memory_space<hbm>>) target(%dma_start3A_51 : memref<640x128xf32, #tpu.memory_space<vmem_shared>>) target_semaphore(%run_scoped3A : memref<!tpu.dma_semaphore, #tpu.memory_space<semaphore_mem>>)
      %dma_wait3A = arith.constant 0 : i32
      %dma_wait3A_52 = tpu.memref_slice %arg10[%mul3A_2, %dma_wait3A] : memref<10240x128xf32, #tpu.memory_space<vmem_shared>> -> memref<640x128xf32, #tpu.memory_space<vmem_shared>>
      tpu.wait_dma2 semaphore(%run_scoped3A : memref<!tpu.dma_semaphore, #tpu.memory_space<semaphore_mem>>) src(%arg5 : memref<640x128xf32, #tpu.memory_space<hbm>>) dst(%dma_wait3A_52 : memref<640x128xf32, #tpu.memory_space<vmem_shared>>)
      tpu.yield
    }) : () -> ()
    %barrier3A = arith.constant 0 : index
    tpu.barrier barrier_id(%barrier3A)
    %mul3A_3 = arith.constant 80 : i32
    %mul3A_4 = arith.muli %add3A, %mul3A_3 : i32
    %add3A_5 = arith.constant 0 : i32
    %add3A_6 = arith.addi %mul3A_4, %add3A_5 : i32
    "tpu.region"() ({
      %run_scoped3A = tpu.sem_alloc : memref<!tpu.dma_semaphore, #tpu.memory_space<semaphore_mem>>
      %dma_start3A_50 = arith.constant 0 : i32
      %dma_start3A_51 = tpu.memref_slice %arg3[%add3A_6, %dma_start3A_50] : memref<2560x128xi32, #tpu.memory_space<hbm>> -> memref<40x128xi32, #tpu.memory_space<hbm>>
      %dma_start3A_52 = arith.constant 0 : i32
      %dma_start3A_53 = tpu.memref_slice %arg3[%add3A_6, %dma_start3A_52] : memref<2560x128xi32, #tpu.memory_space<hbm>> -> memref<40x128xi32, #tpu.memory_space<hbm>>
      tpu.enqueue_dma source(%dma_start3A_53 : memref<40x128xi32, #tpu.memory_space<hbm>>) target(%arg7 : memref<40x128xi32, #tpu.memory_space<vmem>>) target_semaphore(%run_scoped3A : memref<!tpu.dma_semaphore, #tpu.memory_space<semaphore_mem>>)
      %dma_wait3A = arith.constant 0 : i32
      %dma_wait3A_54 = tpu.memref_slice %arg3[%add3A_6, %dma_wait3A] : memref<2560x128xi32, #tpu.memory_space<hbm>> -> memref<40x128xi32, #tpu.memory_space<hbm>>
      %dma_wait3A_55 = arith.constant 0 : i32
      %dma_wait3A_56 = tpu.memref_slice %arg3[%add3A_6, %dma_wait3A_55] : memref<2560x128xi32, #tpu.memory_space<hbm>> -> memref<40x128xi32, #tpu.memory_space<hbm>>
      tpu.wait_dma2 semaphore(%run_scoped3A : memref<!tpu.dma_semaphore, #tpu.memory_space<semaphore_mem>>) src(%dma_wait3A_56 : memref<40x128xi32, #tpu.memory_space<hbm>>) dst(%arg7 : memref<40x128xi32, #tpu.memory_space<vmem>>)
      tpu.yield
    }) : () -> ()
    "tpu.region"() ({
      %run_scoped3A = tpu.sem_alloc : memref<!tpu.dma_semaphore, #tpu.memory_space<semaphore_mem>>
      %dma_start3A_50 = arith.constant 0 : i32
      %dma_start3A_51 = tpu.memref_slice %arg4[%add3A_6, %dma_start3A_50] : memref<2560x128xi32, #tpu.memory_space<hbm>> -> memref<40x128xi32, #tpu.memory_space<hbm>>
      %dma_start3A_52 = arith.constant 0 : i32
      %dma_start3A_53 = tpu.memref_slice %arg4[%add3A_6, %dma_start3A_52] : memref<2560x128xi32, #tpu.memory_space<hbm>> -> memref<40x128xi32, #tpu.memory_space<hbm>>
      tpu.enqueue_dma source(%dma_start3A_53 : memref<40x128xi32, #tpu.memory_space<hbm>>) target(%arg8 : memref<40x128xi32, #tpu.memory_space<vmem>>) target_semaphore(%run_scoped3A : memref<!tpu.dma_semaphore, #tpu.memory_space<semaphore_mem>>)
      %dma_wait3A = arith.constant 0 : i32
      %dma_wait3A_54 = tpu.memref_slice %arg4[%add3A_6, %dma_wait3A] : memref<2560x128xi32, #tpu.memory_space<hbm>> -> memref<40x128xi32, #tpu.memory_space<hbm>>
      %dma_wait3A_55 = arith.constant 0 : i32
      %dma_wait3A_56 = tpu.memref_slice %arg4[%add3A_6, %dma_wait3A_55] : memref<2560x128xi32, #tpu.memory_space<hbm>> -> memref<40x128xi32, #tpu.memory_space<hbm>>
      tpu.wait_dma2 semaphore(%run_scoped3A : memref<!tpu.dma_semaphore, #tpu.memory_space<semaphore_mem>>) src(%dma_wait3A_56 : memref<40x128xi32, #tpu.memory_space<hbm>>) dst(%arg8 : memref<40x128xi32, #tpu.memory_space<vmem>>)
      tpu.yield
    }) : () -> ()
    %dma_start3A = arith.constant 0 : i32
    %dma_start3A_7 = arith.constant 0 : i32
    %dma_start3A_8 = arith.constant 0 : i32
    %dma_start3A_9 = arith.constant 0 : i32
    %dma_start3A_10 = tpu.memref_slice %arg9[%dma_start3A_7, %dma_start3A_8, %dma_start3A_9] : memref<2x128x128xf32, #tpu.memory_space<vmem>> -> memref<1x128x128xf32, #tpu.memory_space<vmem>>
    %dma_start3A_11 = tpu.memref_squeeze %dma_start3A_10 : memref<1x128x128xf32, #tpu.memory_space<vmem>> -> memref<128x128xf32, #tpu.memory_space<vmem>>
    %dma_start3A_12 = arith.constant 0 : i32
    %dma_start3A_13 = tpu.memref_slice %arg7[%dma_start3A, %dma_start3A_12] : memref<40x128xi32, #tpu.memory_space<vmem>> -> memref<1x128xi32, #tpu.memory_space<vmem>>
    %dma_start3A_14 = tpu.memref_squeeze %dma_start3A_13 : memref<1x128xi32, #tpu.memory_space<vmem>> -> memref<128xi32, #tpu.memory_space<vmem>>
    %dma_start3A_15 = arith.constant 0 : i32
    %dma_start3A_16 = arith.constant 0 : i32
    %dma_start3A_17 = tpu.memref_slice %arg2[%dma_start3A_15, %dma_start3A_16] : memref<10240x128xf32, #tpu.memory_space<hbm>> -> memref<10240x128xf32, #tpu.memory_space<hbm>>
    tpu.enqueue_indirect_dma source(%dma_start3A_17 : memref<10240x128xf32, #tpu.memory_space<hbm>>) target(%dma_start3A_11 : memref<128x128xf32, #tpu.memory_space<vmem>>) offsets(%dma_start3A_14 : memref<128xi32, #tpu.memory_space<vmem>>) semaphore(%arg11 : memref<!tpu.dma_semaphore, #tpu.memory_space<semaphore_mem>>)
    %scan3A = arith.constant 0 : i32
    %scan3A_18 = arith.constant 0 : i32
    %scan3A_19 = arith.constant 20 : i32
    %scan3A_20 = arith.addi %scan3A_18, %scan3A_19 : i32
    %scan3A_21 = arith.constant 1 : i32
    scf.for %scan3A_50 = %scan3A_18 to %scan3A_20 step %scan3A_21  : i32 {
      %mul3A_51 = arith.constant 2 : i32
      %mul3A_52 = arith.muli %mul3A_51, %scan3A_50 : i32
      %add3A_53 = arith.constant 0 : i32
      %add3A_54 = arith.addi %mul3A_52, %add3A_53 : i32
      %add3A_55 = arith.constant 1 : i32
      %add3A_56 = arith.addi %add3A_54, %add3A_55 : i32
      %lt3A = arith.constant 40 : i32
      %lt3A_57 = arith.cmpi slt, %add3A_56, %lt3A : i32
      %convert_element_type3A = arith.extui %lt3A_57 : i1 to i32
      %cond3A = arith.constant 0 : i32
      %cond3A_58 = arith.cmpi ne, %convert_element_type3A, %cond3A : i32
      scf.if %cond3A_58 {
        %add3A_100 = arith.constant 1 : i32
        %add3A_101 = arith.addi %add3A_54, %add3A_100 : i32
        %dma_start3A_102 = arith.constant 1 : i32
        %dma_start3A_103 = arith.constant 0 : i32
        %dma_start3A_104 = arith.constant 0 : i32
        %dma_start3A_105 = tpu.memref_slice %arg9[%dma_start3A_102, %dma_start3A_103, %dma_start3A_104] : memref<2x128x128xf32, #tpu.memory_space<vmem>> -> memref<1x128x128xf32, #tpu.memory_space<vmem>>
        %dma_start3A_106 = tpu.memref_squeeze %dma_start3A_105 : memref<1x128x128xf32, #tpu.memory_space<vmem>> -> memref<128x128xf32, #tpu.memory_space<vmem>>
        %dma_start3A_107 = arith.constant 0 : i32
        %dma_start3A_108 = tpu.memref_slice %arg7[%add3A_101, %dma_start3A_107] : memref<40x128xi32, #tpu.memory_space<vmem>> -> memref<1x128xi32, #tpu.memory_space<vmem>>
        %dma_start3A_109 = tpu.memref_squeeze %dma_start3A_108 : memref<1x128xi32, #tpu.memory_space<vmem>> -> memref<128xi32, #tpu.memory_space<vmem>>
        %dma_start3A_110 = arith.constant 0 : i32
        %dma_start3A_111 = arith.constant 0 : i32
        %dma_start3A_112 = tpu.memref_slice %arg2[%dma_start3A_110, %dma_start3A_111] : memref<10240x128xf32, #tpu.memory_space<hbm>> -> memref<10240x128xf32, #tpu.memory_space<hbm>>
        tpu.enqueue_indirect_dma source(%dma_start3A_112 : memref<10240x128xf32, #tpu.memory_space<hbm>>) target(%dma_start3A_106 : memref<128x128xf32, #tpu.memory_space<vmem>>) offsets(%dma_start3A_109 : memref<128xi32, #tpu.memory_space<vmem>>) semaphore(%arg12 : memref<!tpu.dma_semaphore, #tpu.memory_space<semaphore_mem>>)
      } else {
      }
      %dma_wait3A = arith.constant 0 : i32
      %dma_wait3A_59 = arith.constant 0 : i32
      %dma_wait3A_60 = arith.constant 0 : i32
      %dma_wait3A_61 = tpu.memref_slice %arg9[%dma_wait3A, %dma_wait3A_59, %dma_wait3A_60] : memref<2x128x128xf32, #tpu.memory_space<vmem>> -> memref<1x128x128xf32, #tpu.memory_space<vmem>>
      %dma_wait3A_62 = tpu.memref_squeeze %dma_wait3A_61 : memref<1x128x128xf32, #tpu.memory_space<vmem>> -> memref<128x128xf32, #tpu.memory_space<vmem>>
      %dma_wait3A_63 = arith.constant 0 : i32
      %dma_wait3A_64 = arith.constant 0 : i32
      %dma_wait3A_65 = tpu.memref_slice %arg2[%dma_wait3A_63, %dma_wait3A_64] : memref<10240x128xf32, #tpu.memory_space<hbm>> -> memref<128x128xf32, #tpu.memory_space<hbm>>
      %dma_wait3A_66 = arith.constant 0 : i32
      %dma_wait3A_67 = arith.constant 0 : i32
      %dma_wait3A_68 = tpu.memref_slice %arg9[%dma_wait3A, %dma_wait3A_66, %dma_wait3A_67] : memref<2x128x128xf32, #tpu.memory_space<vmem>> -> memref<1x128x128xf32, #tpu.memory_space<vmem>>
      %dma_wait3A_69 = tpu.memref_squeeze %dma_wait3A_68 : memref<1x128x128xf32, #tpu.memory_space<vmem>> -> memref<128x128xf32, #tpu.memory_space<vmem>>
      %dma_wait3A_70 = arith.constant 0 : i32
      %dma_wait3A_71 = arith.constant 0 : i32
      %dma_wait3A_72 = tpu.memref_slice %arg2[%dma_wait3A_70, %dma_wait3A_71] : memref<10240x128xf32, #tpu.memory_space<hbm>> -> memref<128x128xf32, #tpu.memory_space<hbm>>
      tpu.wait_dma2 semaphore(%arg11 : memref<!tpu.dma_semaphore, #tpu.memory_space<semaphore_mem>>) src(%dma_wait3A_72 : memref<128x128xf32, #tpu.memory_space<hbm>>) dst(%dma_wait3A_69 : memref<128x128xf32, #tpu.memory_space<vmem>>)
      %run_scoped3A = arith.constant 0 : i32
      "tpu.region"() ({
        %run_scoped3A_100 = tpu.sem_alloc : memref<!tpu.dma_semaphore, #tpu.memory_space<semaphore_mem>>
        %dma_start3A_101 = arith.constant 0 : i32
        %dma_start3A_102 = arith.constant 0 : i32
        %dma_start3A_103 = tpu.memref_slice %arg9[%run_scoped3A, %dma_start3A_101, %dma_start3A_102] : memref<2x128x128xf32, #tpu.memory_space<vmem>> -> memref<1x128x128xf32, #tpu.memory_space<vmem>>
        %dma_start3A_104 = tpu.memref_squeeze %dma_start3A_103 : memref<1x128x128xf32, #tpu.memory_space<vmem>> -> memref<128x128xf32, #tpu.memory_space<vmem>>
        %dma_start3A_105 = arith.constant 0 : i32
        %dma_start3A_106 = tpu.memref_slice %arg8[%add3A_54, %dma_start3A_105] : memref<40x128xi32, #tpu.memory_space<vmem>> -> memref<1x128xi32, #tpu.memory_space<vmem>>
        %dma_start3A_107 = tpu.memref_squeeze %dma_start3A_106 : memref<1x128xi32, #tpu.memory_space<vmem>> -> memref<128xi32, #tpu.memory_space<vmem>>
        %dma_start3A_108 = arith.constant 0 : i32
        %dma_start3A_109 = arith.constant 0 : i32
        %dma_start3A_110 = tpu.memref_slice %arg10[%dma_start3A_108, %dma_start3A_109] : memref<10240x128xf32, #tpu.memory_space<vmem_shared>> -> memref<10240x128xf32, #tpu.memory_space<vmem_shared>>
        tpu.enqueue_indirect_dma source(%dma_start3A_104 : memref<128x128xf32, #tpu.memory_space<vmem>>) target(%dma_start3A_110 : memref<10240x128xf32, #tpu.memory_space<vmem_shared>>) offsets(%dma_start3A_107 : memref<128xi32, #tpu.memory_space<vmem>>) semaphore(%run_scoped3A_100 : memref<!tpu.dma_semaphore, #tpu.memory_space<semaphore_mem>>) {add = true}
        %dma_wait3A_111 = arith.constant 0 : i32
        %dma_wait3A_112 = arith.constant 0 : i32
        %dma_wait3A_113 = tpu.memref_slice %arg9[%run_scoped3A, %dma_wait3A_111, %dma_wait3A_112] : memref<2x128x128xf32, #tpu.memory_space<vmem>> -> memref<1x128x128xf32, #tpu.memory_space<vmem>>
        %dma_wait3A_114 = tpu.memref_squeeze %dma_wait3A_113 : memref<1x128x128xf32, #tpu.memory_space<vmem>> -> memref<128x128xf32, #tpu.memory_space<vmem>>
        %dma_wait3A_115 = arith.constant 0 : i32
        %dma_wait3A_116 = tpu.memref_slice %arg8[%add3A_54, %dma_wait3A_115] : memref<40x128xi32, #tpu.memory_space<vmem>> -> memref<1x128xi32, #tpu.memory_space<vmem>>
        %dma_wait3A_117 = tpu.memref_squeeze %dma_wait3A_116 : memref<1x128xi32, #tpu.memory_space<vmem>> -> memref<128xi32, #tpu.memory_space<vmem>>
        %dma_wait3A_118 = arith.constant 0 : i32
        %dma_wait3A_119 = arith.constant 0 : i32
        %dma_wait3A_120 = tpu.memref_slice %arg10[%dma_wait3A_118, %dma_wait3A_119] : memref<10240x128xf32, #tpu.memory_space<vmem_shared>> -> memref<10240x128xf32, #tpu.memory_space<vmem_shared>>
        tpu.wait_indirect_dma semaphore(%run_scoped3A_100 : memref<!tpu.dma_semaphore, #tpu.memory_space<semaphore_mem>>) src(%dma_wait3A_114 : memref<128x128xf32, #tpu.memory_space<vmem>>) dst(%dma_wait3A_120 : memref<10240x128xf32, #tpu.memory_space<vmem_shared>>)
        tpu.yield
      }) : () -> ()
      %mul3A_73 = arith.constant 2 : i32
      %mul3A_74 = arith.muli %mul3A_73, %scan3A_50 : i32
      %add3A_75 = arith.constant 1 : i32
      %add3A_76 = arith.addi %mul3A_74, %add3A_75 : i32
      %add3A_77 = arith.constant 1 : i32
      %add3A_78 = arith.addi %add3A_76, %add3A_77 : i32
      %lt3A_79 = arith.constant 40 : i32
      %lt3A_80 = arith.cmpi slt, %add3A_78, %lt3A_79 : i32
      %convert_element_type3A_81 = arith.extui %lt3A_80 : i1 to i32
      %cond3A_82 = arith.constant 0 : i32
      %cond3A_83 = arith.cmpi ne, %convert_element_type3A_81, %cond3A_82 : i32
      scf.if %cond3A_83 {
        %add3A_100 = arith.constant 1 : i32
        %add3A_101 = arith.addi %add3A_76, %add3A_100 : i32
        %dma_start3A_102 = arith.constant 0 : i32
        %dma_start3A_103 = arith.constant 0 : i32
        %dma_start3A_104 = arith.constant 0 : i32
        %dma_start3A_105 = tpu.memref_slice %arg9[%dma_start3A_102, %dma_start3A_103, %dma_start3A_104] : memref<2x128x128xf32, #tpu.memory_space<vmem>> -> memref<1x128x128xf32, #tpu.memory_space<vmem>>
        %dma_start3A_106 = tpu.memref_squeeze %dma_start3A_105 : memref<1x128x128xf32, #tpu.memory_space<vmem>> -> memref<128x128xf32, #tpu.memory_space<vmem>>
        %dma_start3A_107 = arith.constant 0 : i32
        %dma_start3A_108 = tpu.memref_slice %arg7[%add3A_101, %dma_start3A_107] : memref<40x128xi32, #tpu.memory_space<vmem>> -> memref<1x128xi32, #tpu.memory_space<vmem>>
        %dma_start3A_109 = tpu.memref_squeeze %dma_start3A_108 : memref<1x128xi32, #tpu.memory_space<vmem>> -> memref<128xi32, #tpu.memory_space<vmem>>
        %dma_start3A_110 = arith.constant 0 : i32
        %dma_start3A_111 = arith.constant 0 : i32
        %dma_start3A_112 = tpu.memref_slice %arg2[%dma_start3A_110, %dma_start3A_111] : memref<10240x128xf32, #tpu.memory_space<hbm>> -> memref<10240x128xf32, #tpu.memory_space<hbm>>
        tpu.enqueue_indirect_dma source(%dma_start3A_112 : memref<10240x128xf32, #tpu.memory_space<hbm>>) target(%dma_start3A_106 : memref<128x128xf32, #tpu.memory_space<vmem>>) offsets(%dma_start3A_109 : memref<128xi32, #tpu.memory_space<vmem>>) semaphore(%arg11 : memref<!tpu.dma_semaphore, #tpu.memory_space<semaphore_mem>>)
      } else {
      }
      %dma_wait3A_84 = arith.constant 1 : i32
      %dma_wait3A_85 = arith.constant 0 : i32
      %dma_wait3A_86 = arith.constant 0 : i32
      %dma_wait3A_87 = tpu.memref_slice %arg9[%dma_wait3A_84, %dma_wait3A_85, %dma_wait3A_86] : memref<2x128x128xf32, #tpu.memory_space<vmem>> -> memref<1x128x128xf32, #tpu.memory_space<vmem>>
      %dma_wait3A_88 = tpu.memref_squeeze %dma_wait3A_87 : memref<1x128x128xf32, #tpu.memory_space<vmem>> -> memref<128x128xf32, #tpu.memory_space<vmem>>
      %dma_wait3A_89 = arith.constant 0 : i32
      %dma_wait3A_90 = arith.constant 0 : i32
      %dma_wait3A_91 = tpu.memref_slice %arg2[%dma_wait3A_89, %dma_wait3A_90] : memref<10240x128xf32, #tpu.memory_space<hbm>> -> memref<128x128xf32, #tpu.memory_space<hbm>>
      %dma_wait3A_92 = arith.constant 0 : i32
      %dma_wait3A_93 = arith.constant 0 : i32
      %dma_wait3A_94 = tpu.memref_slice %arg9[%dma_wait3A_84, %dma_wait3A_92, %dma_wait3A_93] : memref<2x128x128xf32, #tpu.memory_space<vmem>> -> memref<1x128x128xf32, #tpu.memory_space<vmem>>
      %dma_wait3A_95 = tpu.memref_squeeze %dma_wait3A_94 : memref<1x128x128xf32, #tpu.memory_space<vmem>> -> memref<128x128xf32, #tpu.memory_space<vmem>>
      %dma_wait3A_96 = arith.constant 0 : i32
      %dma_wait3A_97 = arith.constant 0 : i32
      %dma_wait3A_98 = tpu.memref_slice %arg2[%dma_wait3A_96, %dma_wait3A_97] : memref<10240x128xf32, #tpu.memory_space<hbm>> -> memref<128x128xf32, #tpu.memory_space<hbm>>
      tpu.wait_dma2 semaphore(%arg12 : memref<!tpu.dma_semaphore, #tpu.memory_space<semaphore_mem>>) src(%dma_wait3A_98 : memref<128x128xf32, #tpu.memory_space<hbm>>) dst(%dma_wait3A_95 : memref<128x128xf32, #tpu.memory_space<vmem>>)
      %run_scoped3A_99 = arith.constant 1 : i32
      "tpu.region"() ({
        %run_scoped3A_100 = tpu.sem_alloc : memref<!tpu.dma_semaphore, #tpu.memory_space<semaphore_mem>>
        %dma_start3A_101 = arith.constant 0 : i32
        %dma_start3A_102 = arith.constant 0 : i32
        %dma_start3A_103 = tpu.memref_slice %arg9[%run_scoped3A_99, %dma_start3A_101, %dma_start3A_102] : memref<2x128x128xf32, #tpu.memory_space<vmem>> -> memref<1x128x128xf32, #tpu.memory_space<vmem>>
        %dma_start3A_104 = tpu.memref_squeeze %dma_start3A_103 : memref<1x128x128xf32, #tpu.memory_space<vmem>> -> memref<128x128xf32, #tpu.memory_space<vmem>>
        %dma_start3A_105 = arith.constant 0 : i32
        %dma_start3A_106 = tpu.memref_slice %arg8[%add3A_76, %dma_start3A_105] : memref<40x128xi32, #tpu.memory_space<vmem>> -> memref<1x128xi32, #tpu.memory_space<vmem>>
        %dma_start3A_107 = tpu.memref_squeeze %dma_start3A_106 : memref<1x128xi32, #tpu.memory_space<vmem>> -> memref<128xi32, #tpu.memory_space<vmem>>
        %dma_start3A_108 = arith.constant 0 : i32
        %dma_start3A_109 = arith.constant 0 : i32
        %dma_start3A_110 = tpu.memref_slice %arg10[%dma_start3A_108, %dma_start3A_109] : memref<10240x128xf32, #tpu.memory_space<vmem_shared>> -> memref<10240x128xf32, #tpu.memory_space<vmem_shared>>
        tpu.enqueue_indirect_dma source(%dma_start3A_104 : memref<128x128xf32, #tpu.memory_space<vmem>>) target(%dma_start3A_110 : memref<10240x128xf32, #tpu.memory_space<vmem_shared>>) offsets(%dma_start3A_107 : memref<128xi32, #tpu.memory_space<vmem>>) semaphore(%run_scoped3A_100 : memref<!tpu.dma_semaphore, #tpu.memory_space<semaphore_mem>>) {add = true}
        %dma_wait3A_111 = arith.constant 0 : i32
        %dma_wait3A_112 = arith.constant 0 : i32
        %dma_wait3A_113 = tpu.memref_slice %arg9[%run_scoped3A_99, %dma_wait3A_111, %dma_wait3A_112] : memref<2x128x128xf32, #tpu.memory_space<vmem>> -> memref<1x128x128xf32, #tpu.memory_space<vmem>>
        %dma_wait3A_114 = tpu.memref_squeeze %dma_wait3A_113 : memref<1x128x128xf32, #tpu.memory_space<vmem>> -> memref<128x128xf32, #tpu.memory_space<vmem>>
        %dma_wait3A_115 = arith.constant 0 : i32
        %dma_wait3A_116 = tpu.memref_slice %arg8[%add3A_76, %dma_wait3A_115] : memref<40x128xi32, #tpu.memory_space<vmem>> -> memref<1x128xi32, #tpu.memory_space<vmem>>
        %dma_wait3A_117 = tpu.memref_squeeze %dma_wait3A_116 : memref<1x128xi32, #tpu.memory_space<vmem>> -> memref<128xi32, #tpu.memory_space<vmem>>
        %dma_wait3A_118 = arith.constant 0 : i32
        %dma_wait3A_119 = arith.constant 0 : i32
        %dma_wait3A_120 = tpu.memref_slice %arg10[%dma_wait3A_118, %dma_wait3A_119] : memref<10240x128xf32, #tpu.memory_space<vmem_shared>> -> memref<10240x128xf32, #tpu.memory_space<vmem_shared>>
        tpu.wait_indirect_dma semaphore(%run_scoped3A_100 : memref<!tpu.dma_semaphore, #tpu.memory_space<semaphore_mem>>) src(%dma_wait3A_114 : memref<128x128xf32, #tpu.memory_space<vmem>>) dst(%dma_wait3A_120 : memref<10240x128xf32, #tpu.memory_space<vmem_shared>>)
        tpu.yield
      }) : () -> ()
    }
    %scan3A_22 = arith.constant 20 : i32
    %mul3A_23 = arith.constant 80 : i32
    %mul3A_24 = arith.muli %add3A, %mul3A_23 : i32
    %add3A_25 = arith.constant 40 : i32
    %add3A_26 = arith.addi %mul3A_24, %add3A_25 : i32
    "tpu.region"() ({
      %run_scoped3A = tpu.sem_alloc : memref<!tpu.dma_semaphore, #tpu.memory_space<semaphore_mem>>
      %dma_start3A_50 = arith.constant 0 : i32
      %dma_start3A_51 = tpu.memref_slice %arg3[%add3A_26, %dma_start3A_50] : memref<2560x128xi32, #tpu.memory_space<hbm>> -> memref<40x128xi32, #tpu.memory_space<hbm>>
      %dma_start3A_52 = arith.constant 0 : i32
      %dma_start3A_53 = tpu.memref_slice %arg3[%add3A_26, %dma_start3A_52] : memref<2560x128xi32, #tpu.memory_space<hbm>> -> memref<40x128xi32, #tpu.memory_space<hbm>>
      tpu.enqueue_dma source(%dma_start3A_53 : memref<40x128xi32, #tpu.memory_space<hbm>>) target(%arg7 : memref<40x128xi32, #tpu.memory_space<vmem>>) target_semaphore(%run_scoped3A : memref<!tpu.dma_semaphore, #tpu.memory_space<semaphore_mem>>)
      %dma_wait3A = arith.constant 0 : i32
      %dma_wait3A_54 = tpu.memref_slice %arg3[%add3A_26, %dma_wait3A] : memref<2560x128xi32, #tpu.memory_space<hbm>> -> memref<40x128xi32, #tpu.memory_space<hbm>>
      %dma_wait3A_55 = arith.constant 0 : i32
      %dma_wait3A_56 = tpu.memref_slice %arg3[%add3A_26, %dma_wait3A_55] : memref<2560x128xi32, #tpu.memory_space<hbm>> -> memref<40x128xi32, #tpu.memory_space<hbm>>
      tpu.wait_dma2 semaphore(%run_scoped3A : memref<!tpu.dma_semaphore, #tpu.memory_space<semaphore_mem>>) src(%dma_wait3A_56 : memref<40x128xi32, #tpu.memory_space<hbm>>) dst(%arg7 : memref<40x128xi32, #tpu.memory_space<vmem>>)
      tpu.yield
    }) : () -> ()
    "tpu.region"() ({
      %run_scoped3A = tpu.sem_alloc : memref<!tpu.dma_semaphore, #tpu.memory_space<semaphore_mem>>
      %dma_start3A_50 = arith.constant 0 : i32
      %dma_start3A_51 = tpu.memref_slice %arg4[%add3A_26, %dma_start3A_50] : memref<2560x128xi32, #tpu.memory_space<hbm>> -> memref<40x128xi32, #tpu.memory_space<hbm>>
      %dma_start3A_52 = arith.constant 0 : i32
      %dma_start3A_53 = tpu.memref_slice %arg4[%add3A_26, %dma_start3A_52] : memref<2560x128xi32, #tpu.memory_space<hbm>> -> memref<40x128xi32, #tpu.memory_space<hbm>>
      tpu.enqueue_dma source(%dma_start3A_53 : memref<40x128xi32, #tpu.memory_space<hbm>>) target(%arg8 : memref<40x128xi32, #tpu.memory_space<vmem>>) target_semaphore(%run_scoped3A : memref<!tpu.dma_semaphore, #tpu.memory_space<semaphore_mem>>)
      %dma_wait3A = arith.constant 0 : i32
      %dma_wait3A_54 = tpu.memref_slice %arg4[%add3A_26, %dma_wait3A] : memref<2560x128xi32, #tpu.memory_space<hbm>> -> memref<40x128xi32, #tpu.memory_space<hbm>>
      %dma_wait3A_55 = arith.constant 0 : i32
      %dma_wait3A_56 = tpu.memref_slice %arg4[%add3A_26, %dma_wait3A_55] : memref<2560x128xi32, #tpu.memory_space<hbm>> -> memref<40x128xi32, #tpu.memory_space<hbm>>
      tpu.wait_dma2 semaphore(%run_scoped3A : memref<!tpu.dma_semaphore, #tpu.memory_space<semaphore_mem>>) src(%dma_wait3A_56 : memref<40x128xi32, #tpu.memory_space<hbm>>) dst(%arg8 : memref<40x128xi32, #tpu.memory_space<vmem>>)
      tpu.yield
    }) : () -> ()
    %dma_start3A_27 = arith.constant 0 : i32
    %dma_start3A_28 = arith.constant 0 : i32
    %dma_start3A_29 = arith.constant 0 : i32
    %dma_start3A_30 = arith.constant 0 : i32
    %dma_start3A_31 = tpu.memref_slice %arg9[%dma_start3A_28, %dma_start3A_29, %dma_start3A_30] : memref<2x128x128xf32, #tpu.memory_space<vmem>> -> memref<1x128x128xf32, #tpu.memory_space<vmem>>
    %dma_start3A_32 = tpu.memref_squeeze %dma_start3A_31 : memref<1x128x128xf32, #tpu.memory_space<vmem>> -> memref<128x128xf32, #tpu.memory_space<vmem>>
    %dma_start3A_33 = arith.constant 0 : i32
    %dma_start3A_34 = tpu.memref_slice %arg7[%dma_start3A_27, %dma_start3A_33] : memref<40x128xi32, #tpu.memory_space<vmem>> -> memref<1x128xi32, #tpu.memory_space<vmem>>
    %dma_start3A_35 = tpu.memref_squeeze %dma_start3A_34 : memref<1x128xi32, #tpu.memory_space<vmem>> -> memref<128xi32, #tpu.memory_space<vmem>>
    %dma_start3A_36 = arith.constant 0 : i32
    %dma_start3A_37 = arith.constant 0 : i32
    %dma_start3A_38 = tpu.memref_slice %arg2[%dma_start3A_36, %dma_start3A_37] : memref<10240x128xf32, #tpu.memory_space<hbm>> -> memref<10240x128xf32, #tpu.memory_space<hbm>>
    tpu.enqueue_indirect_dma source(%dma_start3A_38 : memref<10240x128xf32, #tpu.memory_space<hbm>>) target(%dma_start3A_32 : memref<128x128xf32, #tpu.memory_space<vmem>>) offsets(%dma_start3A_35 : memref<128xi32, #tpu.memory_space<vmem>>) semaphore(%arg11 : memref<!tpu.dma_semaphore, #tpu.memory_space<semaphore_mem>>)
    %scan3A_39 = arith.constant 0 : i32
    %scan3A_40 = arith.constant 0 : i32
    %scan3A_41 = arith.constant 20 : i32
    %scan3A_42 = arith.addi %scan3A_40, %scan3A_41 : i32
    %scan3A_43 = arith.constant 1 : i32
    scf.for %scan3A_50 = %scan3A_40 to %scan3A_42 step %scan3A_43  : i32 {
      %mul3A_51 = arith.constant 2 : i32
      %mul3A_52 = arith.muli %mul3A_51, %scan3A_50 : i32
      %add3A_53 = arith.constant 0 : i32
      %add3A_54 = arith.addi %mul3A_52, %add3A_53 : i32
      %add3A_55 = arith.constant 1 : i32
      %add3A_56 = arith.addi %add3A_54, %add3A_55 : i32
      %lt3A = arith.constant 40 : i32
      %lt3A_57 = arith.cmpi slt, %add3A_56, %lt3A : i32
      %convert_element_type3A = arith.extui %lt3A_57 : i1 to i32
      %cond3A = arith.constant 0 : i32
      %cond3A_58 = arith.cmpi ne, %convert_element_type3A, %cond3A : i32
      scf.if %cond3A_58 {
        %add3A_100 = arith.constant 1 : i32
        %add3A_101 = arith.addi %add3A_54, %add3A_100 : i32
        %dma_start3A_102 = arith.constant 1 : i32
        %dma_start3A_103 = arith.constant 0 : i32
        %dma_start3A_104 = arith.constant 0 : i32
        %dma_start3A_105 = tpu.memref_slice %arg9[%dma_start3A_102, %dma_start3A_103, %dma_start3A_104] : memref<2x128x128xf32, #tpu.memory_space<vmem>> -> memref<1x128x128xf32, #tpu.memory_space<vmem>>
        %dma_start3A_106 = tpu.memref_squeeze %dma_start3A_105 : memref<1x128x128xf32, #tpu.memory_space<vmem>> -> memref<128x128xf32, #tpu.memory_space<vmem>>
        %dma_start3A_107 = arith.constant 0 : i32
        %dma_start3A_108 = tpu.memref_slice %arg7[%add3A_101, %dma_start3A_107] : memref<40x128xi32, #tpu.memory_space<vmem>> -> memref<1x128xi32, #tpu.memory_space<vmem>>
        %dma_start3A_109 = tpu.memref_squeeze %dma_start3A_108 : memref<1x128xi32, #tpu.memory_space<vmem>> -> memref<128xi32, #tpu.memory_space<vmem>>
        %dma_start3A_110 = arith.constant 0 : i32
        %dma_start3A_111 = arith.constant 0 : i32
        %dma_start3A_112 = tpu.memref_slice %arg2[%dma_start3A_110, %dma_start3A_111] : memref<10240x128xf32, #tpu.memory_space<hbm>> -> memref<10240x128xf32, #tpu.memory_space<hbm>>
        tpu.enqueue_indirect_dma source(%dma_start3A_112 : memref<10240x128xf32, #tpu.memory_space<hbm>>) target(%dma_start3A_106 : memref<128x128xf32, #tpu.memory_space<vmem>>) offsets(%dma_start3A_109 : memref<128xi32, #tpu.memory_space<vmem>>) semaphore(%arg12 : memref<!tpu.dma_semaphore, #tpu.memory_space<semaphore_mem>>)
      } else {
      }
      %dma_wait3A = arith.constant 0 : i32
      %dma_wait3A_59 = arith.constant 0 : i32
      %dma_wait3A_60 = arith.constant 0 : i32
      %dma_wait3A_61 = tpu.memref_slice %arg9[%dma_wait3A, %dma_wait3A_59, %dma_wait3A_60] : memref<2x128x128xf32, #tpu.memory_space<vmem>> -> memref<1x128x128xf32, #tpu.memory_space<vmem>>
      %dma_wait3A_62 = tpu.memref_squeeze %dma_wait3A_61 : memref<1x128x128xf32, #tpu.memory_space<vmem>> -> memref<128x128xf32, #tpu.memory_space<vmem>>
      %dma_wait3A_63 = arith.constant 0 : i32
      %dma_wait3A_64 = arith.constant 0 : i32
      %dma_wait3A_65 = tpu.memref_slice %arg2[%dma_wait3A_63, %dma_wait3A_64] : memref<10240x128xf32, #tpu.memory_space<hbm>> -> memref<128x128xf32, #tpu.memory_space<hbm>>
      %dma_wait3A_66 = arith.constant 0 : i32
      %dma_wait3A_67 = arith.constant 0 : i32
      %dma_wait3A_68 = tpu.memref_slice %arg9[%dma_wait3A, %dma_wait3A_66, %dma_wait3A_67] : memref<2x128x128xf32, #tpu.memory_space<vmem>> -> memref<1x128x128xf32, #tpu.memory_space<vmem>>
      %dma_wait3A_69 = tpu.memref_squeeze %dma_wait3A_68 : memref<1x128x128xf32, #tpu.memory_space<vmem>> -> memref<128x128xf32, #tpu.memory_space<vmem>>
      %dma_wait3A_70 = arith.constant 0 : i32
      %dma_wait3A_71 = arith.constant 0 : i32
      %dma_wait3A_72 = tpu.memref_slice %arg2[%dma_wait3A_70, %dma_wait3A_71] : memref<10240x128xf32, #tpu.memory_space<hbm>> -> memref<128x128xf32, #tpu.memory_space<hbm>>
      tpu.wait_dma2 semaphore(%arg11 : memref<!tpu.dma_semaphore, #tpu.memory_space<semaphore_mem>>) src(%dma_wait3A_72 : memref<128x128xf32, #tpu.memory_space<hbm>>) dst(%dma_wait3A_69 : memref<128x128xf32, #tpu.memory_space<vmem>>)
      %run_scoped3A = arith.constant 0 : i32
      "tpu.region"() ({
        %run_scoped3A_100 = tpu.sem_alloc : memref<!tpu.dma_semaphore, #tpu.memory_space<semaphore_mem>>
        %dma_start3A_101 = arith.constant 0 : i32
        %dma_start3A_102 = arith.constant 0 : i32
        %dma_start3A_103 = tpu.memref_slice %arg9[%run_scoped3A, %dma_start3A_101, %dma_start3A_102] : memref<2x128x128xf32, #tpu.memory_space<vmem>> -> memref<1x128x128xf32, #tpu.memory_space<vmem>>
        %dma_start3A_104 = tpu.memref_squeeze %dma_start3A_103 : memref<1x128x128xf32, #tpu.memory_space<vmem>> -> memref<128x128xf32, #tpu.memory_space<vmem>>
        %dma_start3A_105 = arith.constant 0 : i32
        %dma_start3A_106 = tpu.memref_slice %arg8[%add3A_54, %dma_start3A_105] : memref<40x128xi32, #tpu.memory_space<vmem>> -> memref<1x128xi32, #tpu.memory_space<vmem>>
        %dma_start3A_107 = tpu.memref_squeeze %dma_start3A_106 : memref<1x128xi32, #tpu.memory_space<vmem>> -> memref<128xi32, #tpu.memory_space<vmem>>
        %dma_start3A_108 = arith.constant 0 : i32
        %dma_start3A_109 = arith.constant 0 : i32
        %dma_start3A_110 = tpu.memref_slice %arg10[%dma_start3A_108, %dma_start3A_109] : memref<10240x128xf32, #tpu.memory_space<vmem_shared>> -> memref<10240x128xf32, #tpu.memory_space<vmem_shared>>
        tpu.enqueue_indirect_dma source(%dma_start3A_104 : memref<128x128xf32, #tpu.memory_space<vmem>>) target(%dma_start3A_110 : memref<10240x128xf32, #tpu.memory_space<vmem_shared>>) offsets(%dma_start3A_107 : memref<128xi32, #tpu.memory_space<vmem>>) semaphore(%run_scoped3A_100 : memref<!tpu.dma_semaphore, #tpu.memory_space<semaphore_mem>>) {add = true}
        %dma_wait3A_111 = arith.constant 0 : i32
        %dma_wait3A_112 = arith.constant 0 : i32
        %dma_wait3A_113 = tpu.memref_slice %arg9[%run_scoped3A, %dma_wait3A_111, %dma_wait3A_112] : memref<2x128x128xf32, #tpu.memory_space<vmem>> -> memref<1x128x128xf32, #tpu.memory_space<vmem>>
        %dma_wait3A_114 = tpu.memref_squeeze %dma_wait3A_113 : memref<1x128x128xf32, #tpu.memory_space<vmem>> -> memref<128x128xf32, #tpu.memory_space<vmem>>
        %dma_wait3A_115 = arith.constant 0 : i32
        %dma_wait3A_116 = tpu.memref_slice %arg8[%add3A_54, %dma_wait3A_115] : memref<40x128xi32, #tpu.memory_space<vmem>> -> memref<1x128xi32, #tpu.memory_space<vmem>>
        %dma_wait3A_117 = tpu.memref_squeeze %dma_wait3A_116 : memref<1x128xi32, #tpu.memory_space<vmem>> -> memref<128xi32, #tpu.memory_space<vmem>>
        %dma_wait3A_118 = arith.constant 0 : i32
        %dma_wait3A_119 = arith.constant 0 : i32
        %dma_wait3A_120 = tpu.memref_slice %arg10[%dma_wait3A_118, %dma_wait3A_119] : memref<10240x128xf32, #tpu.memory_space<vmem_shared>> -> memref<10240x128xf32, #tpu.memory_space<vmem_shared>>
        tpu.wait_indirect_dma semaphore(%run_scoped3A_100 : memref<!tpu.dma_semaphore, #tpu.memory_space<semaphore_mem>>) src(%dma_wait3A_114 : memref<128x128xf32, #tpu.memory_space<vmem>>) dst(%dma_wait3A_120 : memref<10240x128xf32, #tpu.memory_space<vmem_shared>>)
        tpu.yield
      }) : () -> ()
      %mul3A_73 = arith.constant 2 : i32
      %mul3A_74 = arith.muli %mul3A_73, %scan3A_50 : i32
      %add3A_75 = arith.constant 1 : i32
      %add3A_76 = arith.addi %mul3A_74, %add3A_75 : i32
      %add3A_77 = arith.constant 1 : i32
      %add3A_78 = arith.addi %add3A_76, %add3A_77 : i32
      %lt3A_79 = arith.constant 40 : i32
      %lt3A_80 = arith.cmpi slt, %add3A_78, %lt3A_79 : i32
      %convert_element_type3A_81 = arith.extui %lt3A_80 : i1 to i32
      %cond3A_82 = arith.constant 0 : i32
      %cond3A_83 = arith.cmpi ne, %convert_element_type3A_81, %cond3A_82 : i32
      scf.if %cond3A_83 {
        %add3A_100 = arith.constant 1 : i32
        %add3A_101 = arith.addi %add3A_76, %add3A_100 : i32
        %dma_start3A_102 = arith.constant 0 : i32
        %dma_start3A_103 = arith.constant 0 : i32
        %dma_start3A_104 = arith.constant 0 : i32
        %dma_start3A_105 = tpu.memref_slice %arg9[%dma_start3A_102, %dma_start3A_103, %dma_start3A_104] : memref<2x128x128xf32, #tpu.memory_space<vmem>> -> memref<1x128x128xf32, #tpu.memory_space<vmem>>
        %dma_start3A_106 = tpu.memref_squeeze %dma_start3A_105 : memref<1x128x128xf32, #tpu.memory_space<vmem>> -> memref<128x128xf32, #tpu.memory_space<vmem>>
        %dma_start3A_107 = arith.constant 0 : i32
        %dma_start3A_108 = tpu.memref_slice %arg7[%add3A_101, %dma_start3A_107] : memref<40x128xi32, #tpu.memory_space<vmem>> -> memref<1x128xi32, #tpu.memory_space<vmem>>
        %dma_start3A_109 = tpu.memref_squeeze %dma_start3A_108 : memref<1x128xi32, #tpu.memory_space<vmem>> -> memref<128xi32, #tpu.memory_space<vmem>>
        %dma_start3A_110 = arith.constant 0 : i32
        %dma_start3A_111 = arith.constant 0 : i32
        %dma_start3A_112 = tpu.memref_slice %arg2[%dma_start3A_110, %dma_start3A_111] : memref<10240x128xf32, #tpu.memory_space<hbm>> -> memref<10240x128xf32, #tpu.memory_space<hbm>>
        tpu.enqueue_indirect_dma source(%dma_start3A_112 : memref<10240x128xf32, #tpu.memory_space<hbm>>) target(%dma_start3A_106 : memref<128x128xf32, #tpu.memory_space<vmem>>) offsets(%dma_start3A_109 : memref<128xi32, #tpu.memory_space<vmem>>) semaphore(%arg11 : memref<!tpu.dma_semaphore, #tpu.memory_space<semaphore_mem>>)
      } else {
      }
      %dma_wait3A_84 = arith.constant 1 : i32
      %dma_wait3A_85 = arith.constant 0 : i32
      %dma_wait3A_86 = arith.constant 0 : i32
      %dma_wait3A_87 = tpu.memref_slice %arg9[%dma_wait3A_84, %dma_wait3A_85, %dma_wait3A_86] : memref<2x128x128xf32, #tpu.memory_space<vmem>> -> memref<1x128x128xf32, #tpu.memory_space<vmem>>
      %dma_wait3A_88 = tpu.memref_squeeze %dma_wait3A_87 : memref<1x128x128xf32, #tpu.memory_space<vmem>> -> memref<128x128xf32, #tpu.memory_space<vmem>>
      %dma_wait3A_89 = arith.constant 0 : i32
      %dma_wait3A_90 = arith.constant 0 : i32
      %dma_wait3A_91 = tpu.memref_slice %arg2[%dma_wait3A_89, %dma_wait3A_90] : memref<10240x128xf32, #tpu.memory_space<hbm>> -> memref<128x128xf32, #tpu.memory_space<hbm>>
      %dma_wait3A_92 = arith.constant 0 : i32
      %dma_wait3A_93 = arith.constant 0 : i32
      %dma_wait3A_94 = tpu.memref_slice %arg9[%dma_wait3A_84, %dma_wait3A_92, %dma_wait3A_93] : memref<2x128x128xf32, #tpu.memory_space<vmem>> -> memref<1x128x128xf32, #tpu.memory_space<vmem>>
      %dma_wait3A_95 = tpu.memref_squeeze %dma_wait3A_94 : memref<1x128x128xf32, #tpu.memory_space<vmem>> -> memref<128x128xf32, #tpu.memory_space<vmem>>
      %dma_wait3A_96 = arith.constant 0 : i32
      %dma_wait3A_97 = arith.constant 0 : i32
      %dma_wait3A_98 = tpu.memref_slice %arg2[%dma_wait3A_96, %dma_wait3A_97] : memref<10240x128xf32, #tpu.memory_space<hbm>> -> memref<128x128xf32, #tpu.memory_space<hbm>>
      tpu.wait_dma2 semaphore(%arg12 : memref<!tpu.dma_semaphore, #tpu.memory_space<semaphore_mem>>) src(%dma_wait3A_98 : memref<128x128xf32, #tpu.memory_space<hbm>>) dst(%dma_wait3A_95 : memref<128x128xf32, #tpu.memory_space<vmem>>)
      %run_scoped3A_99 = arith.constant 1 : i32
      "tpu.region"() ({
        %run_scoped3A_100 = tpu.sem_alloc : memref<!tpu.dma_semaphore, #tpu.memory_space<semaphore_mem>>
        %dma_start3A_101 = arith.constant 0 : i32
        %dma_start3A_102 = arith.constant 0 : i32
        %dma_start3A_103 = tpu.memref_slice %arg9[%run_scoped3A_99, %dma_start3A_101, %dma_start3A_102] : memref<2x128x128xf32, #tpu.memory_space<vmem>> -> memref<1x128x128xf32, #tpu.memory_space<vmem>>
        %dma_start3A_104 = tpu.memref_squeeze %dma_start3A_103 : memref<1x128x128xf32, #tpu.memory_space<vmem>> -> memref<128x128xf32, #tpu.memory_space<vmem>>
        %dma_start3A_105 = arith.constant 0 : i32
        %dma_start3A_106 = tpu.memref_slice %arg8[%add3A_76, %dma_start3A_105] : memref<40x128xi32, #tpu.memory_space<vmem>> -> memref<1x128xi32, #tpu.memory_space<vmem>>
        %dma_start3A_107 = tpu.memref_squeeze %dma_start3A_106 : memref<1x128xi32, #tpu.memory_space<vmem>> -> memref<128xi32, #tpu.memory_space<vmem>>
        %dma_start3A_108 = arith.constant 0 : i32
        %dma_start3A_109 = arith.constant 0 : i32
        %dma_start3A_110 = tpu.memref_slice %arg10[%dma_start3A_108, %dma_start3A_109] : memref<10240x128xf32, #tpu.memory_space<vmem_shared>> -> memref<10240x128xf32, #tpu.memory_space<vmem_shared>>
        tpu.enqueue_indirect_dma source(%dma_start3A_104 : memref<128x128xf32, #tpu.memory_space<vmem>>) target(%dma_start3A_110 : memref<10240x128xf32, #tpu.memory_space<vmem_shared>>) offsets(%dma_start3A_107 : memref<128xi32, #tpu.memory_space<vmem>>) semaphore(%run_scoped3A_100 : memref<!tpu.dma_semaphore, #tpu.memory_space<semaphore_mem>>) {add = true}
        %dma_wait3A_111 = arith.constant 0 : i32
        %dma_wait3A_112 = arith.constant 0 : i32
        %dma_wait3A_113 = tpu.memref_slice %arg9[%run_scoped3A_99, %dma_wait3A_111, %dma_wait3A_112] : memref<2x128x128xf32, #tpu.memory_space<vmem>> -> memref<1x128x128xf32, #tpu.memory_space<vmem>>
        %dma_wait3A_114 = tpu.memref_squeeze %dma_wait3A_113 : memref<1x128x128xf32, #tpu.memory_space<vmem>> -> memref<128x128xf32, #tpu.memory_space<vmem>>
        %dma_wait3A_115 = arith.constant 0 : i32
        %dma_wait3A_116 = tpu.memref_slice %arg8[%add3A_76, %dma_wait3A_115] : memref<40x128xi32, #tpu.memory_space<vmem>> -> memref<1x128xi32, #tpu.memory_space<vmem>>
        %dma_wait3A_117 = tpu.memref_squeeze %dma_wait3A_116 : memref<1x128xi32, #tpu.memory_space<vmem>> -> memref<128xi32, #tpu.memory_space<vmem>>
        %dma_wait3A_118 = arith.constant 0 : i32
        %dma_wait3A_119 = arith.constant 0 : i32
        %dma_wait3A_120 = tpu.memref_slice %arg10[%dma_wait3A_118, %dma_wait3A_119] : memref<10240x128xf32, #tpu.memory_space<vmem_shared>> -> memref<10240x128xf32, #tpu.memory_space<vmem_shared>>
        tpu.wait_indirect_dma semaphore(%run_scoped3A_100 : memref<!tpu.dma_semaphore, #tpu.memory_space<semaphore_mem>>) src(%dma_wait3A_114 : memref<128x128xf32, #tpu.memory_space<vmem>>) dst(%dma_wait3A_120 : memref<10240x128xf32, #tpu.memory_space<vmem_shared>>)
        tpu.yield
      }) : () -> ()
    }
    %scan3A_44 = arith.constant 20 : i32
    %barrier3A_45 = arith.constant 0 : index
    tpu.barrier barrier_id(%barrier3A_45)
    %mul3A_46 = arith.constant 640 : i32
    %mul3A_47 = arith.muli %arg1, %mul3A_46 : i32
    %mul3A_48 = arith.constant 640 : i32
    %mul3A_49 = arith.muli %arg1, %mul3A_48 : i32
    "tpu.region"() ({
      %run_scoped3A = tpu.sem_alloc : memref<!tpu.dma_semaphore, #tpu.memory_space<semaphore_mem>>
      %dma_start3A_50 = arith.constant 0 : i32
      %dma_start3A_51 = tpu.memref_slice %arg6[%arg0, %mul3A_49, %dma_start3A_50] : memref<2x10240x128xf32, #tpu.memory_space<hbm>> -> memref<1x640x128xf32, #tpu.memory_space<hbm>>
      %dma_start3A_52 = tpu.memref_squeeze %dma_start3A_51 : memref<1x640x128xf32, #tpu.memory_space<hbm>> -> memref<640x128xf32, #tpu.memory_space<hbm>>
      %dma_start3A_53 = arith.constant 0 : i32
      %dma_start3A_54 = tpu.memref_slice %arg10[%mul3A_47, %dma_start3A_53] : memref<10240x128xf32, #tpu.memory_space<vmem_shared>> -> memref<640x128xf32, #tpu.memory_space<vmem_shared>>
      tpu.enqueue_dma source(%dma_start3A_54 : memref<640x128xf32, #tpu.memory_space<vmem_shared>>) target(%dma_start3A_52 : memref<640x128xf32, #tpu.memory_space<hbm>>) target_semaphore(%run_scoped3A : memref<!tpu.dma_semaphore, #tpu.memory_space<semaphore_mem>>)
      %dma_wait3A = arith.constant 0 : i32
      %dma_wait3A_55 = tpu.memref_slice %arg6[%arg0, %mul3A_49, %dma_wait3A] : memref<2x10240x128xf32, #tpu.memory_space<hbm>> -> memref<1x640x128xf32, #tpu.memory_space<hbm>>
      %dma_wait3A_56 = tpu.memref_squeeze %dma_wait3A_55 : memref<1x640x128xf32, #tpu.memory_space<hbm>> -> memref<640x128xf32, #tpu.memory_space<hbm>>
      %dma_wait3A_57 = arith.constant 0 : i32
      %dma_wait3A_58 = tpu.memref_slice %arg10[%mul3A_47, %dma_wait3A_57] : memref<10240x128xf32, #tpu.memory_space<vmem_shared>> -> memref<640x128xf32, #tpu.memory_space<vmem_shared>>
      tpu.wait_dma2 semaphore(%run_scoped3A : memref<!tpu.dma_semaphore, #tpu.memory_space<semaphore_mem>>) src(%dma_wait3A_58 : memref<640x128xf32, #tpu.memory_space<vmem_shared>>) dst(%dma_wait3A_56 : memref<640x128xf32, #tpu.memory_space<hbm>>)
      tpu.yield
    }) : () -> ()
    return
  }
}

#map = affine_map<(d0, d1) -> (0, 0)>
#map1 = affine_map<(d0, d1) -> (0, 0, 0)>
module attributes {stable_mosaic.version = 14 : i64} {
  func.func @_sc_agg_body(%arg0: i32, %arg1: i32, %arg2: memref<10240x128xf32, #tpu.memory_space<hbm>>, %arg3: memref<2560x128xi32, #tpu.memory_space<hbm>>, %arg4: memref<2560x128xi32, #tpu.memory_space<hbm>>, %arg5: memref<640x128xf32, #tpu.memory_space<hbm>>, %arg6: memref<2x10240x128xf32, #tpu.memory_space<hbm>>, %arg7: memref<40x128xi32, #tpu.memory_space<vmem>>, %arg8: memref<40x128xi32, #tpu.memory_space<vmem>>, %arg9: memref<2x128x128xf32, #tpu.memory_space<vmem>>, %arg10: memref<10240x128xf32, #tpu.memory_space<vmem_shared>>, %arg11: memref<!tpu.dma_semaphore, #tpu.memory_space<semaphore_mem>>, %arg12: memref<!tpu.dma_semaphore, #tpu.memory_space<semaphore_mem>>) attributes {dimension_semantics = [#tpu.dimension_semantics<core_parallel>, #tpu.dimension_semantics<subcore_parallel>], iteration_bounds = array<i64: 2, 16>, scalar_prefetch = 0 : i64, scratch_operands = 6 : i64, tpu.core_type = #tpu.core_type<sc_vector_subcore>, window_params = [{transform_indices = #map}, {transform_indices = #map}, {transform_indices = #map}, {transform_indices = #map}, {transform_indices = #map1}]} {
    %mul3A = arith.constant 2 : i32
    %mul3A_0 = arith.muli %arg1, %mul3A : i32
    %add3A = arith.addi %mul3A_0, %arg0 : i32
    %mul3A_1 = arith.constant 640 : i32
    %mul3A_2 = arith.muli %arg1, %mul3A_1 : i32
    "tpu.region"() ({
      %run_scoped3A = tpu.sem_alloc : memref<!tpu.dma_semaphore, #tpu.memory_space<semaphore_mem>>
      %dma_start3A_50 = arith.constant 0 : i32
      %dma_start3A_51 = tpu.memref_slice %arg10[%mul3A_2, %dma_start3A_50] : memref<10240x128xf32, #tpu.memory_space<vmem_shared>> -> memref<640x128xf32, #tpu.memory_space<vmem_shared>>
      tpu.enqueue_dma source(%arg5 : memref<640x128xf32, #tpu.memory_space<hbm>>) target(%dma_start3A_51 : memref<640x128xf32, #tpu.memory_space<vmem_shared>>) target_semaphore(%run_scoped3A : memref<!tpu.dma_semaphore, #tpu.memory_space<semaphore_mem>>)
      %dma_wait3A = arith.constant 0 : i32
      %dma_wait3A_52 = tpu.memref_slice %arg10[%mul3A_2, %dma_wait3A] : memref<10240x128xf32, #tpu.memory_space<vmem_shared>> -> memref<640x128xf32, #tpu.memory_space<vmem_shared>>
      tpu.wait_dma2 semaphore(%run_scoped3A : memref<!tpu.dma_semaphore, #tpu.memory_space<semaphore_mem>>) src(%arg5 : memref<640x128xf32, #tpu.memory_space<hbm>>) dst(%dma_wait3A_52 : memref<640x128xf32, #tpu.memory_space<vmem_shared>>)
      tpu.yield
    }) : () -> ()
    %barrier3A = arith.constant 0 : index
    tpu.barrier barrier_id(%barrier3A)
    %mul3A_3 = arith.constant 80 : i32
    %mul3A_4 = arith.muli %add3A, %mul3A_3 : i32
    %add3A_5 = arith.constant 0 : i32
    %add3A_6 = arith.addi %mul3A_4, %add3A_5 : i32
    "tpu.region"() ({
      %run_scoped3A = tpu.sem_alloc : memref<!tpu.dma_semaphore, #tpu.memory_space<semaphore_mem>>
      %dma_start3A_50 = arith.constant 0 : i32
      %dma_start3A_51 = tpu.memref_slice %arg3[%add3A_6, %dma_start3A_50] : memref<2560x128xi32, #tpu.memory_space<hbm>> -> memref<40x128xi32, #tpu.memory_space<hbm>>
      %dma_start3A_52 = arith.constant 0 : i32
      %dma_start3A_53 = tpu.memref_slice %arg3[%add3A_6, %dma_start3A_52] : memref<2560x128xi32, #tpu.memory_space<hbm>> -> memref<40x128xi32, #tpu.memory_space<hbm>>
      tpu.enqueue_dma source(%dma_start3A_53 : memref<40x128xi32, #tpu.memory_space<hbm>>) target(%arg7 : memref<40x128xi32, #tpu.memory_space<vmem>>) target_semaphore(%run_scoped3A : memref<!tpu.dma_semaphore, #tpu.memory_space<semaphore_mem>>)
      %dma_wait3A = arith.constant 0 : i32
      %dma_wait3A_54 = tpu.memref_slice %arg3[%add3A_6, %dma_wait3A] : memref<2560x128xi32, #tpu.memory_space<hbm>> -> memref<40x128xi32, #tpu.memory_space<hbm>>
      %dma_wait3A_55 = arith.constant 0 : i32
      %dma_wait3A_56 = tpu.memref_slice %arg3[%add3A_6, %dma_wait3A_55] : memref<2560x128xi32, #tpu.memory_space<hbm>> -> memref<40x128xi32, #tpu.memory_space<hbm>>
      tpu.wait_dma2 semaphore(%run_scoped3A : memref<!tpu.dma_semaphore, #tpu.memory_space<semaphore_mem>>) src(%dma_wait3A_56 : memref<40x128xi32, #tpu.memory_space<hbm>>) dst(%arg7 : memref<40x128xi32, #tpu.memory_space<vmem>>)
      tpu.yield
    }) : () -> ()
    "tpu.region"() ({
      %run_scoped3A = tpu.sem_alloc : memref<!tpu.dma_semaphore, #tpu.memory_space<semaphore_mem>>
      %dma_start3A_50 = arith.constant 0 : i32
      %dma_start3A_51 = tpu.memref_slice %arg4[%add3A_6, %dma_start3A_50] : memref<2560x128xi32, #tpu.memory_space<hbm>> -> memref<40x128xi32, #tpu.memory_space<hbm>>
      %dma_start3A_52 = arith.constant 0 : i32
      %dma_start3A_53 = tpu.memref_slice %arg4[%add3A_6, %dma_start3A_52] : memref<2560x128xi32, #tpu.memory_space<hbm>> -> memref<40x128xi32, #tpu.memory_space<hbm>>
      tpu.enqueue_dma source(%dma_start3A_53 : memref<40x128xi32, #tpu.memory_space<hbm>>) target(%arg8 : memref<40x128xi32, #tpu.memory_space<vmem>>) target_semaphore(%run_scoped3A : memref<!tpu.dma_semaphore, #tpu.memory_space<semaphore_mem>>)
      %dma_wait3A = arith.constant 0 : i32
      %dma_wait3A_54 = tpu.memref_slice %arg4[%add3A_6, %dma_wait3A] : memref<2560x128xi32, #tpu.memory_space<hbm>> -> memref<40x128xi32, #tpu.memory_space<hbm>>
      %dma_wait3A_55 = arith.constant 0 : i32
      %dma_wait3A_56 = tpu.memref_slice %arg4[%add3A_6, %dma_wait3A_55] : memref<2560x128xi32, #tpu.memory_space<hbm>> -> memref<40x128xi32, #tpu.memory_space<hbm>>
      tpu.wait_dma2 semaphore(%run_scoped3A : memref<!tpu.dma_semaphore, #tpu.memory_space<semaphore_mem>>) src(%dma_wait3A_56 : memref<40x128xi32, #tpu.memory_space<hbm>>) dst(%arg8 : memref<40x128xi32, #tpu.memory_space<vmem>>)
      tpu.yield
    }) : () -> ()
    %dma_start3A = arith.constant 0 : i32
    %dma_start3A_7 = arith.constant 0 : i32
    %dma_start3A_8 = arith.constant 0 : i32
    %dma_start3A_9 = arith.constant 0 : i32
    %dma_start3A_10 = tpu.memref_slice %arg9[%dma_start3A_7, %dma_start3A_8, %dma_start3A_9] : memref<2x128x128xf32, #tpu.memory_space<vmem>> -> memref<1x128x128xf32, #tpu.memory_space<vmem>>
    %dma_start3A_11 = tpu.memref_squeeze %dma_start3A_10 : memref<1x128x128xf32, #tpu.memory_space<vmem>> -> memref<128x128xf32, #tpu.memory_space<vmem>>
    %dma_start3A_12 = arith.constant 0 : i32
    %dma_start3A_13 = tpu.memref_slice %arg7[%dma_start3A, %dma_start3A_12] : memref<40x128xi32, #tpu.memory_space<vmem>> -> memref<1x128xi32, #tpu.memory_space<vmem>>
    %dma_start3A_14 = tpu.memref_squeeze %dma_start3A_13 : memref<1x128xi32, #tpu.memory_space<vmem>> -> memref<128xi32, #tpu.memory_space<vmem>>
    %dma_start3A_15 = arith.constant 0 : i32
    %dma_start3A_16 = arith.constant 0 : i32
    %dma_start3A_17 = tpu.memref_slice %arg2[%dma_start3A_15, %dma_start3A_16] : memref<10240x128xf32, #tpu.memory_space<hbm>> -> memref<10240x128xf32, #tpu.memory_space<hbm>>
    tpu.enqueue_indirect_dma source(%dma_start3A_17 : memref<10240x128xf32, #tpu.memory_space<hbm>>) target(%dma_start3A_11 : memref<128x128xf32, #tpu.memory_space<vmem>>) offsets(%dma_start3A_14 : memref<128xi32, #tpu.memory_space<vmem>>) semaphore(%arg11 : memref<!tpu.dma_semaphore, #tpu.memory_space<semaphore_mem>>)
    %scan3A = arith.constant 0 : i32
    %scan3A_18 = arith.constant 0 : i32
    %scan3A_19 = arith.constant 20 : i32
    %scan3A_20 = arith.addi %scan3A_18, %scan3A_19 : i32
    %scan3A_21 = arith.constant 1 : i32
    scf.for %scan3A_50 = %scan3A_18 to %scan3A_20 step %scan3A_21  : i32 {
      %mul3A_51 = arith.constant 2 : i32
      %mul3A_52 = arith.muli %mul3A_51, %scan3A_50 : i32
      %add3A_53 = arith.constant 0 : i32
      %add3A_54 = arith.addi %mul3A_52, %add3A_53 : i32
      %add3A_55 = arith.constant 1 : i32
      %add3A_56 = arith.addi %add3A_54, %add3A_55 : i32
      %lt3A = arith.constant 40 : i32
      %lt3A_57 = arith.cmpi slt, %add3A_56, %lt3A : i32
      %convert_element_type3A = arith.extui %lt3A_57 : i1 to i32
      %cond3A = arith.constant 0 : i32
      %cond3A_58 = arith.cmpi ne, %convert_element_type3A, %cond3A : i32
      scf.if %cond3A_58 {
        %add3A_100 = arith.constant 1 : i32
        %add3A_101 = arith.addi %add3A_54, %add3A_100 : i32
        %dma_start3A_102 = arith.constant 1 : i32
        %dma_start3A_103 = arith.constant 0 : i32
        %dma_start3A_104 = arith.constant 0 : i32
        %dma_start3A_105 = tpu.memref_slice %arg9[%dma_start3A_102, %dma_start3A_103, %dma_start3A_104] : memref<2x128x128xf32, #tpu.memory_space<vmem>> -> memref<1x128x128xf32, #tpu.memory_space<vmem>>
        %dma_start3A_106 = tpu.memref_squeeze %dma_start3A_105 : memref<1x128x128xf32, #tpu.memory_space<vmem>> -> memref<128x128xf32, #tpu.memory_space<vmem>>
        %dma_start3A_107 = arith.constant 0 : i32
        %dma_start3A_108 = tpu.memref_slice %arg7[%add3A_101, %dma_start3A_107] : memref<40x128xi32, #tpu.memory_space<vmem>> -> memref<1x128xi32, #tpu.memory_space<vmem>>
        %dma_start3A_109 = tpu.memref_squeeze %dma_start3A_108 : memref<1x128xi32, #tpu.memory_space<vmem>> -> memref<128xi32, #tpu.memory_space<vmem>>
        %dma_start3A_110 = arith.constant 0 : i32
        %dma_start3A_111 = arith.constant 0 : i32
        %dma_start3A_112 = tpu.memref_slice %arg2[%dma_start3A_110, %dma_start3A_111] : memref<10240x128xf32, #tpu.memory_space<hbm>> -> memref<10240x128xf32, #tpu.memory_space<hbm>>
        tpu.enqueue_indirect_dma source(%dma_start3A_112 : memref<10240x128xf32, #tpu.memory_space<hbm>>) target(%dma_start3A_106 : memref<128x128xf32, #tpu.memory_space<vmem>>) offsets(%dma_start3A_109 : memref<128xi32, #tpu.memory_space<vmem>>) semaphore(%arg12 : memref<!tpu.dma_semaphore, #tpu.memory_space<semaphore_mem>>)
      } else {
      }
      %dma_wait3A = arith.constant 0 : i32
      %dma_wait3A_59 = arith.constant 0 : i32
      %dma_wait3A_60 = arith.constant 0 : i32
      %dma_wait3A_61 = tpu.memref_slice %arg9[%dma_wait3A, %dma_wait3A_59, %dma_wait3A_60] : memref<2x128x128xf32, #tpu.memory_space<vmem>> -> memref<1x128x128xf32, #tpu.memory_space<vmem>>
      %dma_wait3A_62 = tpu.memref_squeeze %dma_wait3A_61 : memref<1x128x128xf32, #tpu.memory_space<vmem>> -> memref<128x128xf32, #tpu.memory_space<vmem>>
      %dma_wait3A_63 = arith.constant 0 : i32
      %dma_wait3A_64 = arith.constant 0 : i32
      %dma_wait3A_65 = tpu.memref_slice %arg2[%dma_wait3A_63, %dma_wait3A_64] : memref<10240x128xf32, #tpu.memory_space<hbm>> -> memref<128x128xf32, #tpu.memory_space<hbm>>
      %dma_wait3A_66 = arith.constant 0 : i32
      %dma_wait3A_67 = arith.constant 0 : i32
      %dma_wait3A_68 = tpu.memref_slice %arg9[%dma_wait3A, %dma_wait3A_66, %dma_wait3A_67] : memref<2x128x128xf32, #tpu.memory_space<vmem>> -> memref<1x128x128xf32, #tpu.memory_space<vmem>>
      %dma_wait3A_69 = tpu.memref_squeeze %dma_wait3A_68 : memref<1x128x128xf32, #tpu.memory_space<vmem>> -> memref<128x128xf32, #tpu.memory_space<vmem>>
      %dma_wait3A_70 = arith.constant 0 : i32
      %dma_wait3A_71 = arith.constant 0 : i32
      %dma_wait3A_72 = tpu.memref_slice %arg2[%dma_wait3A_70, %dma_wait3A_71] : memref<10240x128xf32, #tpu.memory_space<hbm>> -> memref<128x128xf32, #tpu.memory_space<hbm>>
      tpu.wait_dma2 semaphore(%arg11 : memref<!tpu.dma_semaphore, #tpu.memory_space<semaphore_mem>>) src(%dma_wait3A_72 : memref<128x128xf32, #tpu.memory_space<hbm>>) dst(%dma_wait3A_69 : memref<128x128xf32, #tpu.memory_space<vmem>>)
      %run_scoped3A = arith.constant 0 : i32
      "tpu.region"() ({
        %run_scoped3A_100 = tpu.sem_alloc : memref<!tpu.dma_semaphore, #tpu.memory_space<semaphore_mem>>
        %dma_start3A_101 = arith.constant 0 : i32
        %dma_start3A_102 = arith.constant 0 : i32
        %dma_start3A_103 = tpu.memref_slice %arg9[%run_scoped3A, %dma_start3A_101, %dma_start3A_102] : memref<2x128x128xf32, #tpu.memory_space<vmem>> -> memref<1x128x128xf32, #tpu.memory_space<vmem>>
        %dma_start3A_104 = tpu.memref_squeeze %dma_start3A_103 : memref<1x128x128xf32, #tpu.memory_space<vmem>> -> memref<128x128xf32, #tpu.memory_space<vmem>>
        %dma_start3A_105 = arith.constant 0 : i32
        %dma_start3A_106 = tpu.memref_slice %arg8[%add3A_54, %dma_start3A_105] : memref<40x128xi32, #tpu.memory_space<vmem>> -> memref<1x128xi32, #tpu.memory_space<vmem>>
        %dma_start3A_107 = tpu.memref_squeeze %dma_start3A_106 : memref<1x128xi32, #tpu.memory_space<vmem>> -> memref<128xi32, #tpu.memory_space<vmem>>
        %dma_start3A_108 = arith.constant 0 : i32
        %dma_start3A_109 = arith.constant 0 : i32
        %dma_start3A_110 = tpu.memref_slice %arg10[%dma_start3A_108, %dma_start3A_109] : memref<10240x128xf32, #tpu.memory_space<vmem_shared>> -> memref<10240x128xf32, #tpu.memory_space<vmem_shared>>
        tpu.enqueue_indirect_dma source(%dma_start3A_104 : memref<128x128xf32, #tpu.memory_space<vmem>>) target(%dma_start3A_110 : memref<10240x128xf32, #tpu.memory_space<vmem_shared>>) offsets(%dma_start3A_107 : memref<128xi32, #tpu.memory_space<vmem>>) semaphore(%run_scoped3A_100 : memref<!tpu.dma_semaphore, #tpu.memory_space<semaphore_mem>>) {add = true}
        %dma_wait3A_111 = arith.constant 0 : i32
        %dma_wait3A_112 = arith.constant 0 : i32
        %dma_wait3A_113 = tpu.memref_slice %arg9[%run_scoped3A, %dma_wait3A_111, %dma_wait3A_112] : memref<2x128x128xf32, #tpu.memory_space<vmem>> -> memref<1x128x128xf32, #tpu.memory_space<vmem>>
        %dma_wait3A_114 = tpu.memref_squeeze %dma_wait3A_113 : memref<1x128x128xf32, #tpu.memory_space<vmem>> -> memref<128x128xf32, #tpu.memory_space<vmem>>
        %dma_wait3A_115 = arith.constant 0 : i32
        %dma_wait3A_116 = tpu.memref_slice %arg8[%add3A_54, %dma_wait3A_115] : memref<40x128xi32, #tpu.memory_space<vmem>> -> memref<1x128xi32, #tpu.memory_space<vmem>>
        %dma_wait3A_117 = tpu.memref_squeeze %dma_wait3A_116 : memref<1x128xi32, #tpu.memory_space<vmem>> -> memref<128xi32, #tpu.memory_space<vmem>>
        %dma_wait3A_118 = arith.constant 0 : i32
        %dma_wait3A_119 = arith.constant 0 : i32
        %dma_wait3A_120 = tpu.memref_slice %arg10[%dma_wait3A_118, %dma_wait3A_119] : memref<10240x128xf32, #tpu.memory_space<vmem_shared>> -> memref<10240x128xf32, #tpu.memory_space<vmem_shared>>
        tpu.wait_indirect_dma semaphore(%run_scoped3A_100 : memref<!tpu.dma_semaphore, #tpu.memory_space<semaphore_mem>>) src(%dma_wait3A_114 : memref<128x128xf32, #tpu.memory_space<vmem>>) dst(%dma_wait3A_120 : memref<10240x128xf32, #tpu.memory_space<vmem_shared>>)
        tpu.yield
      }) : () -> ()
      %mul3A_73 = arith.constant 2 : i32
      %mul3A_74 = arith.muli %mul3A_73, %scan3A_50 : i32
      %add3A_75 = arith.constant 1 : i32
      %add3A_76 = arith.addi %mul3A_74, %add3A_75 : i32
      %add3A_77 = arith.constant 1 : i32
      %add3A_78 = arith.addi %add3A_76, %add3A_77 : i32
      %lt3A_79 = arith.constant 40 : i32
      %lt3A_80 = arith.cmpi slt, %add3A_78, %lt3A_79 : i32
      %convert_element_type3A_81 = arith.extui %lt3A_80 : i1 to i32
      %cond3A_82 = arith.constant 0 : i32
      %cond3A_83 = arith.cmpi ne, %convert_element_type3A_81, %cond3A_82 : i32
      scf.if %cond3A_83 {
        %add3A_100 = arith.constant 1 : i32
        %add3A_101 = arith.addi %add3A_76, %add3A_100 : i32
        %dma_start3A_102 = arith.constant 0 : i32
        %dma_start3A_103 = arith.constant 0 : i32
        %dma_start3A_104 = arith.constant 0 : i32
        %dma_start3A_105 = tpu.memref_slice %arg9[%dma_start3A_102, %dma_start3A_103, %dma_start3A_104] : memref<2x128x128xf32, #tpu.memory_space<vmem>> -> memref<1x128x128xf32, #tpu.memory_space<vmem>>
        %dma_start3A_106 = tpu.memref_squeeze %dma_start3A_105 : memref<1x128x128xf32, #tpu.memory_space<vmem>> -> memref<128x128xf32, #tpu.memory_space<vmem>>
        %dma_start3A_107 = arith.constant 0 : i32
        %dma_start3A_108 = tpu.memref_slice %arg7[%add3A_101, %dma_start3A_107] : memref<40x128xi32, #tpu.memory_space<vmem>> -> memref<1x128xi32, #tpu.memory_space<vmem>>
        %dma_start3A_109 = tpu.memref_squeeze %dma_start3A_108 : memref<1x128xi32, #tpu.memory_space<vmem>> -> memref<128xi32, #tpu.memory_space<vmem>>
        %dma_start3A_110 = arith.constant 0 : i32
        %dma_start3A_111 = arith.constant 0 : i32
        %dma_start3A_112 = tpu.memref_slice %arg2[%dma_start3A_110, %dma_start3A_111] : memref<10240x128xf32, #tpu.memory_space<hbm>> -> memref<10240x128xf32, #tpu.memory_space<hbm>>
        tpu.enqueue_indirect_dma source(%dma_start3A_112 : memref<10240x128xf32, #tpu.memory_space<hbm>>) target(%dma_start3A_106 : memref<128x128xf32, #tpu.memory_space<vmem>>) offsets(%dma_start3A_109 : memref<128xi32, #tpu.memory_space<vmem>>) semaphore(%arg11 : memref<!tpu.dma_semaphore, #tpu.memory_space<semaphore_mem>>)
      } else {
      }
      %dma_wait3A_84 = arith.constant 1 : i32
      %dma_wait3A_85 = arith.constant 0 : i32
      %dma_wait3A_86 = arith.constant 0 : i32
      %dma_wait3A_87 = tpu.memref_slice %arg9[%dma_wait3A_84, %dma_wait3A_85, %dma_wait3A_86] : memref<2x128x128xf32, #tpu.memory_space<vmem>> -> memref<1x128x128xf32, #tpu.memory_space<vmem>>
      %dma_wait3A_88 = tpu.memref_squeeze %dma_wait3A_87 : memref<1x128x128xf32, #tpu.memory_space<vmem>> -> memref<128x128xf32, #tpu.memory_space<vmem>>
      %dma_wait3A_89 = arith.constant 0 : i32
      %dma_wait3A_90 = arith.constant 0 : i32
      %dma_wait3A_91 = tpu.memref_slice %arg2[%dma_wait3A_89, %dma_wait3A_90] : memref<10240x128xf32, #tpu.memory_space<hbm>> -> memref<128x128xf32, #tpu.memory_space<hbm>>
      %dma_wait3A_92 = arith.constant 0 : i32
      %dma_wait3A_93 = arith.constant 0 : i32
      %dma_wait3A_94 = tpu.memref_slice %arg9[%dma_wait3A_84, %dma_wait3A_92, %dma_wait3A_93] : memref<2x128x128xf32, #tpu.memory_space<vmem>> -> memref<1x128x128xf32, #tpu.memory_space<vmem>>
      %dma_wait3A_95 = tpu.memref_squeeze %dma_wait3A_94 : memref<1x128x128xf32, #tpu.memory_space<vmem>> -> memref<128x128xf32, #tpu.memory_space<vmem>>
      %dma_wait3A_96 = arith.constant 0 : i32
      %dma_wait3A_97 = arith.constant 0 : i32
      %dma_wait3A_98 = tpu.memref_slice %arg2[%dma_wait3A_96, %dma_wait3A_97] : memref<10240x128xf32, #tpu.memory_space<hbm>> -> memref<128x128xf32, #tpu.memory_space<hbm>>
      tpu.wait_dma2 semaphore(%arg12 : memref<!tpu.dma_semaphore, #tpu.memory_space<semaphore_mem>>) src(%dma_wait3A_98 : memref<128x128xf32, #tpu.memory_space<hbm>>) dst(%dma_wait3A_95 : memref<128x128xf32, #tpu.memory_space<vmem>>)
      %run_scoped3A_99 = arith.constant 1 : i32
      "tpu.region"() ({
        %run_scoped3A_100 = tpu.sem_alloc : memref<!tpu.dma_semaphore, #tpu.memory_space<semaphore_mem>>
        %dma_start3A_101 = arith.constant 0 : i32
        %dma_start3A_102 = arith.constant 0 : i32
        %dma_start3A_103 = tpu.memref_slice %arg9[%run_scoped3A_99, %dma_start3A_101, %dma_start3A_102] : memref<2x128x128xf32, #tpu.memory_space<vmem>> -> memref<1x128x128xf32, #tpu.memory_space<vmem>>
        %dma_start3A_104 = tpu.memref_squeeze %dma_start3A_103 : memref<1x128x128xf32, #tpu.memory_space<vmem>> -> memref<128x128xf32, #tpu.memory_space<vmem>>
        %dma_start3A_105 = arith.constant 0 : i32
        %dma_start3A_106 = tpu.memref_slice %arg8[%add3A_76, %dma_start3A_105] : memref<40x128xi32, #tpu.memory_space<vmem>> -> memref<1x128xi32, #tpu.memory_space<vmem>>
        %dma_start3A_107 = tpu.memref_squeeze %dma_start3A_106 : memref<1x128xi32, #tpu.memory_space<vmem>> -> memref<128xi32, #tpu.memory_space<vmem>>
        %dma_start3A_108 = arith.constant 0 : i32
        %dma_start3A_109 = arith.constant 0 : i32
        %dma_start3A_110 = tpu.memref_slice %arg10[%dma_start3A_108, %dma_start3A_109] : memref<10240x128xf32, #tpu.memory_space<vmem_shared>> -> memref<10240x128xf32, #tpu.memory_space<vmem_shared>>
        tpu.enqueue_indirect_dma source(%dma_start3A_104 : memref<128x128xf32, #tpu.memory_space<vmem>>) target(%dma_start3A_110 : memref<10240x128xf32, #tpu.memory_space<vmem_shared>>) offsets(%dma_start3A_107 : memref<128xi32, #tpu.memory_space<vmem>>) semaphore(%run_scoped3A_100 : memref<!tpu.dma_semaphore, #tpu.memory_space<semaphore_mem>>) {add = true}
        %dma_wait3A_111 = arith.constant 0 : i32
        %dma_wait3A_112 = arith.constant 0 : i32
        %dma_wait3A_113 = tpu.memref_slice %arg9[%run_scoped3A_99, %dma_wait3A_111, %dma_wait3A_112] : memref<2x128x128xf32, #tpu.memory_space<vmem>> -> memref<1x128x128xf32, #tpu.memory_space<vmem>>
        %dma_wait3A_114 = tpu.memref_squeeze %dma_wait3A_113 : memref<1x128x128xf32, #tpu.memory_space<vmem>> -> memref<128x128xf32, #tpu.memory_space<vmem>>
        %dma_wait3A_115 = arith.constant 0 : i32
        %dma_wait3A_116 = tpu.memref_slice %arg8[%add3A_76, %dma_wait3A_115] : memref<40x128xi32, #tpu.memory_space<vmem>> -> memref<1x128xi32, #tpu.memory_space<vmem>>
        %dma_wait3A_117 = tpu.memref_squeeze %dma_wait3A_116 : memref<1x128xi32, #tpu.memory_space<vmem>> -> memref<128xi32, #tpu.memory_space<vmem>>
        %dma_wait3A_118 = arith.constant 0 : i32
        %dma_wait3A_119 = arith.constant 0 : i32
        %dma_wait3A_120 = tpu.memref_slice %arg10[%dma_wait3A_118, %dma_wait3A_119] : memref<10240x128xf32, #tpu.memory_space<vmem_shared>> -> memref<10240x128xf32, #tpu.memory_space<vmem_shared>>
        tpu.wait_indirect_dma semaphore(%run_scoped3A_100 : memref<!tpu.dma_semaphore, #tpu.memory_space<semaphore_mem>>) src(%dma_wait3A_114 : memref<128x128xf32, #tpu.memory_space<vmem>>) dst(%dma_wait3A_120 : memref<10240x128xf32, #tpu.memory_space<vmem_shared>>)
        tpu.yield
      }) : () -> ()
    }
    %scan3A_22 = arith.constant 20 : i32
    %mul3A_23 = arith.constant 80 : i32
    %mul3A_24 = arith.muli %add3A, %mul3A_23 : i32
    %add3A_25 = arith.constant 40 : i32
    %add3A_26 = arith.addi %mul3A_24, %add3A_25 : i32
    "tpu.region"() ({
      %run_scoped3A = tpu.sem_alloc : memref<!tpu.dma_semaphore, #tpu.memory_space<semaphore_mem>>
      %dma_start3A_50 = arith.constant 0 : i32
      %dma_start3A_51 = tpu.memref_slice %arg3[%add3A_26, %dma_start3A_50] : memref<2560x128xi32, #tpu.memory_space<hbm>> -> memref<40x128xi32, #tpu.memory_space<hbm>>
      %dma_start3A_52 = arith.constant 0 : i32
      %dma_start3A_53 = tpu.memref_slice %arg3[%add3A_26, %dma_start3A_52] : memref<2560x128xi32, #tpu.memory_space<hbm>> -> memref<40x128xi32, #tpu.memory_space<hbm>>
      tpu.enqueue_dma source(%dma_start3A_53 : memref<40x128xi32, #tpu.memory_space<hbm>>) target(%arg7 : memref<40x128xi32, #tpu.memory_space<vmem>>) target_semaphore(%run_scoped3A : memref<!tpu.dma_semaphore, #tpu.memory_space<semaphore_mem>>)
      %dma_wait3A = arith.constant 0 : i32
      %dma_wait3A_54 = tpu.memref_slice %arg3[%add3A_26, %dma_wait3A] : memref<2560x128xi32, #tpu.memory_space<hbm>> -> memref<40x128xi32, #tpu.memory_space<hbm>>
      %dma_wait3A_55 = arith.constant 0 : i32
      %dma_wait3A_56 = tpu.memref_slice %arg3[%add3A_26, %dma_wait3A_55] : memref<2560x128xi32, #tpu.memory_space<hbm>> -> memref<40x128xi32, #tpu.memory_space<hbm>>
      tpu.wait_dma2 semaphore(%run_scoped3A : memref<!tpu.dma_semaphore, #tpu.memory_space<semaphore_mem>>) src(%dma_wait3A_56 : memref<40x128xi32, #tpu.memory_space<hbm>>) dst(%arg7 : memref<40x128xi32, #tpu.memory_space<vmem>>)
      tpu.yield
    }) : () -> ()
    "tpu.region"() ({
      %run_scoped3A = tpu.sem_alloc : memref<!tpu.dma_semaphore, #tpu.memory_space<semaphore_mem>>
      %dma_start3A_50 = arith.constant 0 : i32
      %dma_start3A_51 = tpu.memref_slice %arg4[%add3A_26, %dma_start3A_50] : memref<2560x128xi32, #tpu.memory_space<hbm>> -> memref<40x128xi32, #tpu.memory_space<hbm>>
      %dma_start3A_52 = arith.constant 0 : i32
      %dma_start3A_53 = tpu.memref_slice %arg4[%add3A_26, %dma_start3A_52] : memref<2560x128xi32, #tpu.memory_space<hbm>> -> memref<40x128xi32, #tpu.memory_space<hbm>>
      tpu.enqueue_dma source(%dma_start3A_53 : memref<40x128xi32, #tpu.memory_space<hbm>>) target(%arg8 : memref<40x128xi32, #tpu.memory_space<vmem>>) target_semaphore(%run_scoped3A : memref<!tpu.dma_semaphore, #tpu.memory_space<semaphore_mem>>)
      %dma_wait3A = arith.constant 0 : i32
      %dma_wait3A_54 = tpu.memref_slice %arg4[%add3A_26, %dma_wait3A] : memref<2560x128xi32, #tpu.memory_space<hbm>> -> memref<40x128xi32, #tpu.memory_space<hbm>>
      %dma_wait3A_55 = arith.constant 0 : i32
      %dma_wait3A_56 = tpu.memref_slice %arg4[%add3A_26, %dma_wait3A_55] : memref<2560x128xi32, #tpu.memory_space<hbm>> -> memref<40x128xi32, #tpu.memory_space<hbm>>
      tpu.wait_dma2 semaphore(%run_scoped3A : memref<!tpu.dma_semaphore, #tpu.memory_space<semaphore_mem>>) src(%dma_wait3A_56 : memref<40x128xi32, #tpu.memory_space<hbm>>) dst(%arg8 : memref<40x128xi32, #tpu.memory_space<vmem>>)
      tpu.yield
    }) : () -> ()
    %dma_start3A_27 = arith.constant 0 : i32
    %dma_start3A_28 = arith.constant 0 : i32
    %dma_start3A_29 = arith.constant 0 : i32
    %dma_start3A_30 = arith.constant 0 : i32
    %dma_start3A_31 = tpu.memref_slice %arg9[%dma_start3A_28, %dma_start3A_29, %dma_start3A_30] : memref<2x128x128xf32, #tpu.memory_space<vmem>> -> memref<1x128x128xf32, #tpu.memory_space<vmem>>
    %dma_start3A_32 = tpu.memref_squeeze %dma_start3A_31 : memref<1x128x128xf32, #tpu.memory_space<vmem>> -> memref<128x128xf32, #tpu.memory_space<vmem>>
    %dma_start3A_33 = arith.constant 0 : i32
    %dma_start3A_34 = tpu.memref_slice %arg7[%dma_start3A_27, %dma_start3A_33] : memref<40x128xi32, #tpu.memory_space<vmem>> -> memref<1x128xi32, #tpu.memory_space<vmem>>
    %dma_start3A_35 = tpu.memref_squeeze %dma_start3A_34 : memref<1x128xi32, #tpu.memory_space<vmem>> -> memref<128xi32, #tpu.memory_space<vmem>>
    %dma_start3A_36 = arith.constant 0 : i32
    %dma_start3A_37 = arith.constant 0 : i32
    %dma_start3A_38 = tpu.memref_slice %arg2[%dma_start3A_36, %dma_start3A_37] : memref<10240x128xf32, #tpu.memory_space<hbm>> -> memref<10240x128xf32, #tpu.memory_space<hbm>>
    tpu.enqueue_indirect_dma source(%dma_start3A_38 : memref<10240x128xf32, #tpu.memory_space<hbm>>) target(%dma_start3A_32 : memref<128x128xf32, #tpu.memory_space<vmem>>) offsets(%dma_start3A_35 : memref<128xi32, #tpu.memory_space<vmem>>) semaphore(%arg11 : memref<!tpu.dma_semaphore, #tpu.memory_space<semaphore_mem>>)
    %scan3A_39 = arith.constant 0 : i32
    %scan3A_40 = arith.constant 0 : i32
    %scan3A_41 = arith.constant 20 : i32
    %scan3A_42 = arith.addi %scan3A_40, %scan3A_41 : i32
    %scan3A_43 = arith.constant 1 : i32
    scf.for %scan3A_50 = %scan3A_40 to %scan3A_42 step %scan3A_43  : i32 {
      %mul3A_51 = arith.constant 2 : i32
      %mul3A_52 = arith.muli %mul3A_51, %scan3A_50 : i32
      %add3A_53 = arith.constant 0 : i32
      %add3A_54 = arith.addi %mul3A_52, %add3A_53 : i32
      %add3A_55 = arith.constant 1 : i32
      %add3A_56 = arith.addi %add3A_54, %add3A_55 : i32
      %lt3A = arith.constant 40 : i32
      %lt3A_57 = arith.cmpi slt, %add3A_56, %lt3A : i32
      %convert_element_type3A = arith.extui %lt3A_57 : i1 to i32
      %cond3A = arith.constant 0 : i32
      %cond3A_58 = arith.cmpi ne, %convert_element_type3A, %cond3A : i32
      scf.if %cond3A_58 {
        %add3A_100 = arith.constant 1 : i32
        %add3A_101 = arith.addi %add3A_54, %add3A_100 : i32
        %dma_start3A_102 = arith.constant 1 : i32
        %dma_start3A_103 = arith.constant 0 : i32
        %dma_start3A_104 = arith.constant 0 : i32
        %dma_start3A_105 = tpu.memref_slice %arg9[%dma_start3A_102, %dma_start3A_103, %dma_start3A_104] : memref<2x128x128xf32, #tpu.memory_space<vmem>> -> memref<1x128x128xf32, #tpu.memory_space<vmem>>
        %dma_start3A_106 = tpu.memref_squeeze %dma_start3A_105 : memref<1x128x128xf32, #tpu.memory_space<vmem>> -> memref<128x128xf32, #tpu.memory_space<vmem>>
        %dma_start3A_107 = arith.constant 0 : i32
        %dma_start3A_108 = tpu.memref_slice %arg7[%add3A_101, %dma_start3A_107] : memref<40x128xi32, #tpu.memory_space<vmem>> -> memref<1x128xi32, #tpu.memory_space<vmem>>
        %dma_start3A_109 = tpu.memref_squeeze %dma_start3A_108 : memref<1x128xi32, #tpu.memory_space<vmem>> -> memref<128xi32, #tpu.memory_space<vmem>>
        %dma_start3A_110 = arith.constant 0 : i32
        %dma_start3A_111 = arith.constant 0 : i32
        %dma_start3A_112 = tpu.memref_slice %arg2[%dma_start3A_110, %dma_start3A_111] : memref<10240x128xf32, #tpu.memory_space<hbm>> -> memref<10240x128xf32, #tpu.memory_space<hbm>>
        tpu.enqueue_indirect_dma source(%dma_start3A_112 : memref<10240x128xf32, #tpu.memory_space<hbm>>) target(%dma_start3A_106 : memref<128x128xf32, #tpu.memory_space<vmem>>) offsets(%dma_start3A_109 : memref<128xi32, #tpu.memory_space<vmem>>) semaphore(%arg12 : memref<!tpu.dma_semaphore, #tpu.memory_space<semaphore_mem>>)
      } else {
      }
      %dma_wait3A = arith.constant 0 : i32
      %dma_wait3A_59 = arith.constant 0 : i32
      %dma_wait3A_60 = arith.constant 0 : i32
      %dma_wait3A_61 = tpu.memref_slice %arg9[%dma_wait3A, %dma_wait3A_59, %dma_wait3A_60] : memref<2x128x128xf32, #tpu.memory_space<vmem>> -> memref<1x128x128xf32, #tpu.memory_space<vmem>>
      %dma_wait3A_62 = tpu.memref_squeeze %dma_wait3A_61 : memref<1x128x128xf32, #tpu.memory_space<vmem>> -> memref<128x128xf32, #tpu.memory_space<vmem>>
      %dma_wait3A_63 = arith.constant 0 : i32
      %dma_wait3A_64 = arith.constant 0 : i32
      %dma_wait3A_65 = tpu.memref_slice %arg2[%dma_wait3A_63, %dma_wait3A_64] : memref<10240x128xf32, #tpu.memory_space<hbm>> -> memref<128x128xf32, #tpu.memory_space<hbm>>
      %dma_wait3A_66 = arith.constant 0 : i32
      %dma_wait3A_67 = arith.constant 0 : i32
      %dma_wait3A_68 = tpu.memref_slice %arg9[%dma_wait3A, %dma_wait3A_66, %dma_wait3A_67] : memref<2x128x128xf32, #tpu.memory_space<vmem>> -> memref<1x128x128xf32, #tpu.memory_space<vmem>>
      %dma_wait3A_69 = tpu.memref_squeeze %dma_wait3A_68 : memref<1x128x128xf32, #tpu.memory_space<vmem>> -> memref<128x128xf32, #tpu.memory_space<vmem>>
      %dma_wait3A_70 = arith.constant 0 : i32
      %dma_wait3A_71 = arith.constant 0 : i32
      %dma_wait3A_72 = tpu.memref_slice %arg2[%dma_wait3A_70, %dma_wait3A_71] : memref<10240x128xf32, #tpu.memory_space<hbm>> -> memref<128x128xf32, #tpu.memory_space<hbm>>
      tpu.wait_dma2 semaphore(%arg11 : memref<!tpu.dma_semaphore, #tpu.memory_space<semaphore_mem>>) src(%dma_wait3A_72 : memref<128x128xf32, #tpu.memory_space<hbm>>) dst(%dma_wait3A_69 : memref<128x128xf32, #tpu.memory_space<vmem>>)
      %run_scoped3A = arith.constant 0 : i32
      "tpu.region"() ({
        %run_scoped3A_100 = tpu.sem_alloc : memref<!tpu.dma_semaphore, #tpu.memory_space<semaphore_mem>>
        %dma_start3A_101 = arith.constant 0 : i32
        %dma_start3A_102 = arith.constant 0 : i32
        %dma_start3A_103 = tpu.memref_slice %arg9[%run_scoped3A, %dma_start3A_101, %dma_start3A_102] : memref<2x128x128xf32, #tpu.memory_space<vmem>> -> memref<1x128x128xf32, #tpu.memory_space<vmem>>
        %dma_start3A_104 = tpu.memref_squeeze %dma_start3A_103 : memref<1x128x128xf32, #tpu.memory_space<vmem>> -> memref<128x128xf32, #tpu.memory_space<vmem>>
        %dma_start3A_105 = arith.constant 0 : i32
        %dma_start3A_106 = tpu.memref_slice %arg8[%add3A_54, %dma_start3A_105] : memref<40x128xi32, #tpu.memory_space<vmem>> -> memref<1x128xi32, #tpu.memory_space<vmem>>
        %dma_start3A_107 = tpu.memref_squeeze %dma_start3A_106 : memref<1x128xi32, #tpu.memory_space<vmem>> -> memref<128xi32, #tpu.memory_space<vmem>>
        %dma_start3A_108 = arith.constant 0 : i32
        %dma_start3A_109 = arith.constant 0 : i32
        %dma_start3A_110 = tpu.memref_slice %arg10[%dma_start3A_108, %dma_start3A_109] : memref<10240x128xf32, #tpu.memory_space<vmem_shared>> -> memref<10240x128xf32, #tpu.memory_space<vmem_shared>>
        tpu.enqueue_indirect_dma source(%dma_start3A_104 : memref<128x128xf32, #tpu.memory_space<vmem>>) target(%dma_start3A_110 : memref<10240x128xf32, #tpu.memory_space<vmem_shared>>) offsets(%dma_start3A_107 : memref<128xi32, #tpu.memory_space<vmem>>) semaphore(%run_scoped3A_100 : memref<!tpu.dma_semaphore, #tpu.memory_space<semaphore_mem>>) {add = true}
        %dma_wait3A_111 = arith.constant 0 : i32
        %dma_wait3A_112 = arith.constant 0 : i32
        %dma_wait3A_113 = tpu.memref_slice %arg9[%run_scoped3A, %dma_wait3A_111, %dma_wait3A_112] : memref<2x128x128xf32, #tpu.memory_space<vmem>> -> memref<1x128x128xf32, #tpu.memory_space<vmem>>
        %dma_wait3A_114 = tpu.memref_squeeze %dma_wait3A_113 : memref<1x128x128xf32, #tpu.memory_space<vmem>> -> memref<128x128xf32, #tpu.memory_space<vmem>>
        %dma_wait3A_115 = arith.constant 0 : i32
        %dma_wait3A_116 = tpu.memref_slice %arg8[%add3A_54, %dma_wait3A_115] : memref<40x128xi32, #tpu.memory_space<vmem>> -> memref<1x128xi32, #tpu.memory_space<vmem>>
        %dma_wait3A_117 = tpu.memref_squeeze %dma_wait3A_116 : memref<1x128xi32, #tpu.memory_space<vmem>> -> memref<128xi32, #tpu.memory_space<vmem>>
        %dma_wait3A_118 = arith.constant 0 : i32
        %dma_wait3A_119 = arith.constant 0 : i32
        %dma_wait3A_120 = tpu.memref_slice %arg10[%dma_wait3A_118, %dma_wait3A_119] : memref<10240x128xf32, #tpu.memory_space<vmem_shared>> -> memref<10240x128xf32, #tpu.memory_space<vmem_shared>>
        tpu.wait_indirect_dma semaphore(%run_scoped3A_100 : memref<!tpu.dma_semaphore, #tpu.memory_space<semaphore_mem>>) src(%dma_wait3A_114 : memref<128x128xf32, #tpu.memory_space<vmem>>) dst(%dma_wait3A_120 : memref<10240x128xf32, #tpu.memory_space<vmem_shared>>)
        tpu.yield
      }) : () -> ()
      %mul3A_73 = arith.constant 2 : i32
      %mul3A_74 = arith.muli %mul3A_73, %scan3A_50 : i32
      %add3A_75 = arith.constant 1 : i32
      %add3A_76 = arith.addi %mul3A_74, %add3A_75 : i32
      %add3A_77 = arith.constant 1 : i32
      %add3A_78 = arith.addi %add3A_76, %add3A_77 : i32
      %lt3A_79 = arith.constant 40 : i32
      %lt3A_80 = arith.cmpi slt, %add3A_78, %lt3A_79 : i32
      %convert_element_type3A_81 = arith.extui %lt3A_80 : i1 to i32
      %cond3A_82 = arith.constant 0 : i32
      %cond3A_83 = arith.cmpi ne, %convert_element_type3A_81, %cond3A_82 : i32
      scf.if %cond3A_83 {
        %add3A_100 = arith.constant 1 : i32
        %add3A_101 = arith.addi %add3A_76, %add3A_100 : i32
        %dma_start3A_102 = arith.constant 0 : i32
        %dma_start3A_103 = arith.constant 0 : i32
        %dma_start3A_104 = arith.constant 0 : i32
        %dma_start3A_105 = tpu.memref_slice %arg9[%dma_start3A_102, %dma_start3A_103, %dma_start3A_104] : memref<2x128x128xf32, #tpu.memory_space<vmem>> -> memref<1x128x128xf32, #tpu.memory_space<vmem>>
        %dma_start3A_106 = tpu.memref_squeeze %dma_start3A_105 : memref<1x128x128xf32, #tpu.memory_space<vmem>> -> memref<128x128xf32, #tpu.memory_space<vmem>>
        %dma_start3A_107 = arith.constant 0 : i32
        %dma_start3A_108 = tpu.memref_slice %arg7[%add3A_101, %dma_start3A_107] : memref<40x128xi32, #tpu.memory_space<vmem>> -> memref<1x128xi32, #tpu.memory_space<vmem>>
        %dma_start3A_109 = tpu.memref_squeeze %dma_start3A_108 : memref<1x128xi32, #tpu.memory_space<vmem>> -> memref<128xi32, #tpu.memory_space<vmem>>
        %dma_start3A_110 = arith.constant 0 : i32
        %dma_start3A_111 = arith.constant 0 : i32
        %dma_start3A_112 = tpu.memref_slice %arg2[%dma_start3A_110, %dma_start3A_111] : memref<10240x128xf32, #tpu.memory_space<hbm>> -> memref<10240x128xf32, #tpu.memory_space<hbm>>
        tpu.enqueue_indirect_dma source(%dma_start3A_112 : memref<10240x128xf32, #tpu.memory_space<hbm>>) target(%dma_start3A_106 : memref<128x128xf32, #tpu.memory_space<vmem>>) offsets(%dma_start3A_109 : memref<128xi32, #tpu.memory_space<vmem>>) semaphore(%arg11 : memref<!tpu.dma_semaphore, #tpu.memory_space<semaphore_mem>>)
      } else {
      }
      %dma_wait3A_84 = arith.constant 1 : i32
      %dma_wait3A_85 = arith.constant 0 : i32
      %dma_wait3A_86 = arith.constant 0 : i32
      %dma_wait3A_87 = tpu.memref_slice %arg9[%dma_wait3A_84, %dma_wait3A_85, %dma_wait3A_86] : memref<2x128x128xf32, #tpu.memory_space<vmem>> -> memref<1x128x128xf32, #tpu.memory_space<vmem>>
      %dma_wait3A_88 = tpu.memref_squeeze %dma_wait3A_87 : memref<1x128x128xf32, #tpu.memory_space<vmem>> -> memref<128x128xf32, #tpu.memory_space<vmem>>
      %dma_wait3A_89 = arith.constant 0 : i32
      %dma_wait3A_90 = arith.constant 0 : i32
      %dma_wait3A_91 = tpu.memref_slice %arg2[%dma_wait3A_89, %dma_wait3A_90] : memref<10240x128xf32, #tpu.memory_space<hbm>> -> memref<128x128xf32, #tpu.memory_space<hbm>>
      %dma_wait3A_92 = arith.constant 0 : i32
      %dma_wait3A_93 = arith.constant 0 : i32
      %dma_wait3A_94 = tpu.memref_slice %arg9[%dma_wait3A_84, %dma_wait3A_92, %dma_wait3A_93] : memref<2x128x128xf32, #tpu.memory_space<vmem>> -> memref<1x128x128xf32, #tpu.memory_space<vmem>>
      %dma_wait3A_95 = tpu.memref_squeeze %dma_wait3A_94 : memref<1x128x128xf32, #tpu.memory_space<vmem>> -> memref<128x128xf32, #tpu.memory_space<vmem>>
      %dma_wait3A_96 = arith.constant 0 : i32
      %dma_wait3A_97 = arith.constant 0 : i32
      %dma_wait3A_98 = tpu.memref_slice %arg2[%dma_wait3A_96, %dma_wait3A_97] : memref<10240x128xf32, #tpu.memory_space<hbm>> -> memref<128x128xf32, #tpu.memory_space<hbm>>
      tpu.wait_dma2 semaphore(%arg12 : memref<!tpu.dma_semaphore, #tpu.memory_space<semaphore_mem>>) src(%dma_wait3A_98 : memref<128x128xf32, #tpu.memory_space<hbm>>) dst(%dma_wait3A_95 : memref<128x128xf32, #tpu.memory_space<vmem>>)
      %run_scoped3A_99 = arith.constant 1 : i32
      "tpu.region"() ({
        %run_scoped3A_100 = tpu.sem_alloc : memref<!tpu.dma_semaphore, #tpu.memory_space<semaphore_mem>>
        %dma_start3A_101 = arith.constant 0 : i32
        %dma_start3A_102 = arith.constant 0 : i32
        %dma_start3A_103 = tpu.memref_slice %arg9[%run_scoped3A_99, %dma_start3A_101, %dma_start3A_102] : memref<2x128x128xf32, #tpu.memory_space<vmem>> -> memref<1x128x128xf32, #tpu.memory_space<vmem>>
        %dma_start3A_104 = tpu.memref_squeeze %dma_start3A_103 : memref<1x128x128xf32, #tpu.memory_space<vmem>> -> memref<128x128xf32, #tpu.memory_space<vmem>>
        %dma_start3A_105 = arith.constant 0 : i32
        %dma_start3A_106 = tpu.memref_slice %arg8[%add3A_76, %dma_start3A_105] : memref<40x128xi32, #tpu.memory_space<vmem>> -> memref<1x128xi32, #tpu.memory_space<vmem>>
        %dma_start3A_107 = tpu.memref_squeeze %dma_start3A_106 : memref<1x128xi32, #tpu.memory_space<vmem>> -> memref<128xi32, #tpu.memory_space<vmem>>
        %dma_start3A_108 = arith.constant 0 : i32
        %dma_start3A_109 = arith.constant 0 : i32
        %dma_start3A_110 = tpu.memref_slice %arg10[%dma_start3A_108, %dma_start3A_109] : memref<10240x128xf32, #tpu.memory_space<vmem_shared>> -> memref<10240x128xf32, #tpu.memory_space<vmem_shared>>
        tpu.enqueue_indirect_dma source(%dma_start3A_104 : memref<128x128xf32, #tpu.memory_space<vmem>>) target(%dma_start3A_110 : memref<10240x128xf32, #tpu.memory_space<vmem_shared>>) offsets(%dma_start3A_107 : memref<128xi32, #tpu.memory_space<vmem>>) semaphore(%run_scoped3A_100 : memref<!tpu.dma_semaphore, #tpu.memory_space<semaphore_mem>>) {add = true}
        %dma_wait3A_111 = arith.constant 0 : i32
        %dma_wait3A_112 = arith.constant 0 : i32
        %dma_wait3A_113 = tpu.memref_slice %arg9[%run_scoped3A_99, %dma_wait3A_111, %dma_wait3A_112] : memref<2x128x128xf32, #tpu.memory_space<vmem>> -> memref<1x128x128xf32, #tpu.memory_space<vmem>>
        %dma_wait3A_114 = tpu.memref_squeeze %dma_wait3A_113 : memref<1x128x128xf32, #tpu.memory_space<vmem>> -> memref<128x128xf32, #tpu.memory_space<vmem>>
        %dma_wait3A_115 = arith.constant 0 : i32
        %dma_wait3A_116 = tpu.memref_slice %arg8[%add3A_76, %dma_wait3A_115] : memref<40x128xi32, #tpu.memory_space<vmem>> -> memref<1x128xi32, #tpu.memory_space<vmem>>
        %dma_wait3A_117 = tpu.memref_squeeze %dma_wait3A_116 : memref<1x128xi32, #tpu.memory_space<vmem>> -> memref<128xi32, #tpu.memory_space<vmem>>
        %dma_wait3A_118 = arith.constant 0 : i32
        %dma_wait3A_119 = arith.constant 0 : i32
        %dma_wait3A_120 = tpu.memref_slice %arg10[%dma_wait3A_118, %dma_wait3A_119] : memref<10240x128xf32, #tpu.memory_space<vmem_shared>> -> memref<10240x128xf32, #tpu.memory_space<vmem_shared>>
        tpu.wait_indirect_dma semaphore(%run_scoped3A_100 : memref<!tpu.dma_semaphore, #tpu.memory_space<semaphore_mem>>) src(%dma_wait3A_114 : memref<128x128xf32, #tpu.memory_space<vmem>>) dst(%dma_wait3A_120 : memref<10240x128xf32, #tpu.memory_space<vmem_shared>>)
        tpu.yield
      }) : () -> ()
    }
    %scan3A_44 = arith.constant 20 : i32
    %barrier3A_45 = arith.constant 0 : index
    tpu.barrier barrier_id(%barrier3A_45)
    %mul3A_46 = arith.constant 640 : i32
    %mul3A_47 = arith.muli %arg1, %mul3A_46 : i32
    %mul3A_48 = arith.constant 640 : i32
    %mul3A_49 = arith.muli %arg1, %mul3A_48 : i32
    "tpu.region"() ({
      %run_scoped3A = tpu.sem_alloc : memref<!tpu.dma_semaphore, #tpu.memory_space<semaphore_mem>>
      %dma_start3A_50 = arith.constant 0 : i32
      %dma_start3A_51 = tpu.memref_slice %arg6[%arg0, %mul3A_49, %dma_start3A_50] : memref<2x10240x128xf32, #tpu.memory_space<hbm>> -> memref<1x640x128xf32, #tpu.memory_space<hbm>>
      %dma_start3A_52 = tpu.memref_squeeze %dma_start3A_51 : memref<1x640x128xf32, #tpu.memory_space<hbm>> -> memref<640x128xf32, #tpu.memory_space<hbm>>
      %dma_start3A_53 = arith.constant 0 : i32
      %dma_start3A_54 = tpu.memref_slice %arg10[%mul3A_47, %dma_start3A_53] : memref<10240x128xf32, #tpu.memory_space<vmem_shared>> -> memref<640x128xf32, #tpu.memory_space<vmem_shared>>
      tpu.enqueue_dma source(%dma_start3A_54 : memref<640x128xf32, #tpu.memory_space<vmem_shared>>) target(%dma_start3A_52 : memref<640x128xf32, #tpu.memory_space<hbm>>) target_semaphore(%run_scoped3A : memref<!tpu.dma_semaphore, #tpu.memory_space<semaphore_mem>>)
      %dma_wait3A = arith.constant 0 : i32
      %dma_wait3A_55 = tpu.memref_slice %arg6[%arg0, %mul3A_49, %dma_wait3A] : memref<2x10240x128xf32, #tpu.memory_space<hbm>> -> memref<1x640x128xf32, #tpu.memory_space<hbm>>
      %dma_wait3A_56 = tpu.memref_squeeze %dma_wait3A_55 : memref<1x640x128xf32, #tpu.memory_space<hbm>> -> memref<640x128xf32, #tpu.memory_space<hbm>>
      %dma_wait3A_57 = arith.constant 0 : i32
      %dma_wait3A_58 = tpu.memref_slice %arg10[%mul3A_47, %dma_wait3A_57] : memref<10240x128xf32, #tpu.memory_space<vmem_shared>> -> memref<640x128xf32, #tpu.memory_space<vmem_shared>>
      tpu.wait_dma2 semaphore(%run_scoped3A : memref<!tpu.dma_semaphore, #tpu.memory_space<semaphore_mem>>) src(%dma_wait3A_58 : memref<640x128xf32, #tpu.memory_space<vmem_shared>>) dst(%dma_wait3A_56 : memref<640x128xf32, #tpu.memory_space<hbm>>)
      tpu.yield
    }) : () -> ()
    return
  }
}

#map = affine_map<(d0, d1) -> (0, 0)>
#map1 = affine_map<(d0, d1) -> (0, 0, 0)>
module attributes {stable_mosaic.version = 14 : i64} {
  func.func @_sc_agg_body(%arg0: i32, %arg1: i32, %arg2: memref<10240x128xf32, #tpu.memory_space<hbm>>, %arg3: memref<2560x128xi32, #tpu.memory_space<hbm>>, %arg4: memref<2560x128xi32, #tpu.memory_space<hbm>>, %arg5: memref<640x128xf32, #tpu.memory_space<hbm>>, %arg6: memref<2x10240x128xf32, #tpu.memory_space<hbm>>, %arg7: memref<40x128xi32, #tpu.memory_space<vmem>>, %arg8: memref<40x128xi32, #tpu.memory_space<vmem>>, %arg9: memref<2x128x128xf32, #tpu.memory_space<vmem>>, %arg10: memref<10240x128xf32, #tpu.memory_space<vmem_shared>>, %arg11: memref<!tpu.dma_semaphore, #tpu.memory_space<semaphore_mem>>, %arg12: memref<!tpu.dma_semaphore, #tpu.memory_space<semaphore_mem>>) attributes {dimension_semantics = [#tpu.dimension_semantics<core_parallel>, #tpu.dimension_semantics<subcore_parallel>], iteration_bounds = array<i64: 2, 16>, scalar_prefetch = 0 : i64, scratch_operands = 6 : i64, tpu.core_type = #tpu.core_type<sc_vector_subcore>, window_params = [{transform_indices = #map}, {transform_indices = #map}, {transform_indices = #map}, {transform_indices = #map}, {transform_indices = #map1}]} {
    %mul3A = arith.constant 2 : i32
    %mul3A_0 = arith.muli %arg1, %mul3A : i32
    %add3A = arith.addi %mul3A_0, %arg0 : i32
    %mul3A_1 = arith.constant 640 : i32
    %mul3A_2 = arith.muli %arg1, %mul3A_1 : i32
    "tpu.region"() ({
      %run_scoped3A = tpu.sem_alloc : memref<!tpu.dma_semaphore, #tpu.memory_space<semaphore_mem>>
      %dma_start3A_50 = arith.constant 0 : i32
      %dma_start3A_51 = tpu.memref_slice %arg10[%mul3A_2, %dma_start3A_50] : memref<10240x128xf32, #tpu.memory_space<vmem_shared>> -> memref<640x128xf32, #tpu.memory_space<vmem_shared>>
      tpu.enqueue_dma source(%arg5 : memref<640x128xf32, #tpu.memory_space<hbm>>) target(%dma_start3A_51 : memref<640x128xf32, #tpu.memory_space<vmem_shared>>) target_semaphore(%run_scoped3A : memref<!tpu.dma_semaphore, #tpu.memory_space<semaphore_mem>>)
      %dma_wait3A = arith.constant 0 : i32
      %dma_wait3A_52 = tpu.memref_slice %arg10[%mul3A_2, %dma_wait3A] : memref<10240x128xf32, #tpu.memory_space<vmem_shared>> -> memref<640x128xf32, #tpu.memory_space<vmem_shared>>
      tpu.wait_dma2 semaphore(%run_scoped3A : memref<!tpu.dma_semaphore, #tpu.memory_space<semaphore_mem>>) src(%arg5 : memref<640x128xf32, #tpu.memory_space<hbm>>) dst(%dma_wait3A_52 : memref<640x128xf32, #tpu.memory_space<vmem_shared>>)
      tpu.yield
    }) : () -> ()
    %barrier3A = arith.constant 0 : index
    tpu.barrier barrier_id(%barrier3A)
    %mul3A_3 = arith.constant 80 : i32
    %mul3A_4 = arith.muli %add3A, %mul3A_3 : i32
    %add3A_5 = arith.constant 0 : i32
    %add3A_6 = arith.addi %mul3A_4, %add3A_5 : i32
    "tpu.region"() ({
      %run_scoped3A = tpu.sem_alloc : memref<!tpu.dma_semaphore, #tpu.memory_space<semaphore_mem>>
      %dma_start3A_50 = arith.constant 0 : i32
      %dma_start3A_51 = tpu.memref_slice %arg3[%add3A_6, %dma_start3A_50] : memref<2560x128xi32, #tpu.memory_space<hbm>> -> memref<40x128xi32, #tpu.memory_space<hbm>>
      %dma_start3A_52 = arith.constant 0 : i32
      %dma_start3A_53 = tpu.memref_slice %arg3[%add3A_6, %dma_start3A_52] : memref<2560x128xi32, #tpu.memory_space<hbm>> -> memref<40x128xi32, #tpu.memory_space<hbm>>
      tpu.enqueue_dma source(%dma_start3A_53 : memref<40x128xi32, #tpu.memory_space<hbm>>) target(%arg7 : memref<40x128xi32, #tpu.memory_space<vmem>>) target_semaphore(%run_scoped3A : memref<!tpu.dma_semaphore, #tpu.memory_space<semaphore_mem>>)
      %dma_wait3A = arith.constant 0 : i32
      %dma_wait3A_54 = tpu.memref_slice %arg3[%add3A_6, %dma_wait3A] : memref<2560x128xi32, #tpu.memory_space<hbm>> -> memref<40x128xi32, #tpu.memory_space<hbm>>
      %dma_wait3A_55 = arith.constant 0 : i32
      %dma_wait3A_56 = tpu.memref_slice %arg3[%add3A_6, %dma_wait3A_55] : memref<2560x128xi32, #tpu.memory_space<hbm>> -> memref<40x128xi32, #tpu.memory_space<hbm>>
      tpu.wait_dma2 semaphore(%run_scoped3A : memref<!tpu.dma_semaphore, #tpu.memory_space<semaphore_mem>>) src(%dma_wait3A_56 : memref<40x128xi32, #tpu.memory_space<hbm>>) dst(%arg7 : memref<40x128xi32, #tpu.memory_space<vmem>>)
      tpu.yield
    }) : () -> ()
    "tpu.region"() ({
      %run_scoped3A = tpu.sem_alloc : memref<!tpu.dma_semaphore, #tpu.memory_space<semaphore_mem>>
      %dma_start3A_50 = arith.constant 0 : i32
      %dma_start3A_51 = tpu.memref_slice %arg4[%add3A_6, %dma_start3A_50] : memref<2560x128xi32, #tpu.memory_space<hbm>> -> memref<40x128xi32, #tpu.memory_space<hbm>>
      %dma_start3A_52 = arith.constant 0 : i32
      %dma_start3A_53 = tpu.memref_slice %arg4[%add3A_6, %dma_start3A_52] : memref<2560x128xi32, #tpu.memory_space<hbm>> -> memref<40x128xi32, #tpu.memory_space<hbm>>
      tpu.enqueue_dma source(%dma_start3A_53 : memref<40x128xi32, #tpu.memory_space<hbm>>) target(%arg8 : memref<40x128xi32, #tpu.memory_space<vmem>>) target_semaphore(%run_scoped3A : memref<!tpu.dma_semaphore, #tpu.memory_space<semaphore_mem>>)
      %dma_wait3A = arith.constant 0 : i32
      %dma_wait3A_54 = tpu.memref_slice %arg4[%add3A_6, %dma_wait3A] : memref<2560x128xi32, #tpu.memory_space<hbm>> -> memref<40x128xi32, #tpu.memory_space<hbm>>
      %dma_wait3A_55 = arith.constant 0 : i32
      %dma_wait3A_56 = tpu.memref_slice %arg4[%add3A_6, %dma_wait3A_55] : memref<2560x128xi32, #tpu.memory_space<hbm>> -> memref<40x128xi32, #tpu.memory_space<hbm>>
      tpu.wait_dma2 semaphore(%run_scoped3A : memref<!tpu.dma_semaphore, #tpu.memory_space<semaphore_mem>>) src(%dma_wait3A_56 : memref<40x128xi32, #tpu.memory_space<hbm>>) dst(%arg8 : memref<40x128xi32, #tpu.memory_space<vmem>>)
      tpu.yield
    }) : () -> ()
    %dma_start3A = arith.constant 0 : i32
    %dma_start3A_7 = arith.constant 0 : i32
    %dma_start3A_8 = arith.constant 0 : i32
    %dma_start3A_9 = arith.constant 0 : i32
    %dma_start3A_10 = tpu.memref_slice %arg9[%dma_start3A_7, %dma_start3A_8, %dma_start3A_9] : memref<2x128x128xf32, #tpu.memory_space<vmem>> -> memref<1x128x128xf32, #tpu.memory_space<vmem>>
    %dma_start3A_11 = tpu.memref_squeeze %dma_start3A_10 : memref<1x128x128xf32, #tpu.memory_space<vmem>> -> memref<128x128xf32, #tpu.memory_space<vmem>>
    %dma_start3A_12 = arith.constant 0 : i32
    %dma_start3A_13 = tpu.memref_slice %arg7[%dma_start3A, %dma_start3A_12] : memref<40x128xi32, #tpu.memory_space<vmem>> -> memref<1x128xi32, #tpu.memory_space<vmem>>
    %dma_start3A_14 = tpu.memref_squeeze %dma_start3A_13 : memref<1x128xi32, #tpu.memory_space<vmem>> -> memref<128xi32, #tpu.memory_space<vmem>>
    %dma_start3A_15 = arith.constant 0 : i32
    %dma_start3A_16 = arith.constant 0 : i32
    %dma_start3A_17 = tpu.memref_slice %arg2[%dma_start3A_15, %dma_start3A_16] : memref<10240x128xf32, #tpu.memory_space<hbm>> -> memref<10240x128xf32, #tpu.memory_space<hbm>>
    tpu.enqueue_indirect_dma source(%dma_start3A_17 : memref<10240x128xf32, #tpu.memory_space<hbm>>) target(%dma_start3A_11 : memref<128x128xf32, #tpu.memory_space<vmem>>) offsets(%dma_start3A_14 : memref<128xi32, #tpu.memory_space<vmem>>) semaphore(%arg11 : memref<!tpu.dma_semaphore, #tpu.memory_space<semaphore_mem>>)
    %scan3A = arith.constant 0 : i32
    %scan3A_18 = arith.constant 0 : i32
    %scan3A_19 = arith.constant 20 : i32
    %scan3A_20 = arith.addi %scan3A_18, %scan3A_19 : i32
    %scan3A_21 = arith.constant 1 : i32
    scf.for %scan3A_50 = %scan3A_18 to %scan3A_20 step %scan3A_21  : i32 {
      %mul3A_51 = arith.constant 2 : i32
      %mul3A_52 = arith.muli %mul3A_51, %scan3A_50 : i32
      %add3A_53 = arith.constant 0 : i32
      %add3A_54 = arith.addi %mul3A_52, %add3A_53 : i32
      %add3A_55 = arith.constant 1 : i32
      %add3A_56 = arith.addi %add3A_54, %add3A_55 : i32
      %lt3A = arith.constant 40 : i32
      %lt3A_57 = arith.cmpi slt, %add3A_56, %lt3A : i32
      %convert_element_type3A = arith.extui %lt3A_57 : i1 to i32
      %cond3A = arith.constant 0 : i32
      %cond3A_58 = arith.cmpi ne, %convert_element_type3A, %cond3A : i32
      scf.if %cond3A_58 {
        %add3A_100 = arith.constant 1 : i32
        %add3A_101 = arith.addi %add3A_54, %add3A_100 : i32
        %dma_start3A_102 = arith.constant 1 : i32
        %dma_start3A_103 = arith.constant 0 : i32
        %dma_start3A_104 = arith.constant 0 : i32
        %dma_start3A_105 = tpu.memref_slice %arg9[%dma_start3A_102, %dma_start3A_103, %dma_start3A_104] : memref<2x128x128xf32, #tpu.memory_space<vmem>> -> memref<1x128x128xf32, #tpu.memory_space<vmem>>
        %dma_start3A_106 = tpu.memref_squeeze %dma_start3A_105 : memref<1x128x128xf32, #tpu.memory_space<vmem>> -> memref<128x128xf32, #tpu.memory_space<vmem>>
        %dma_start3A_107 = arith.constant 0 : i32
        %dma_start3A_108 = tpu.memref_slice %arg7[%add3A_101, %dma_start3A_107] : memref<40x128xi32, #tpu.memory_space<vmem>> -> memref<1x128xi32, #tpu.memory_space<vmem>>
        %dma_start3A_109 = tpu.memref_squeeze %dma_start3A_108 : memref<1x128xi32, #tpu.memory_space<vmem>> -> memref<128xi32, #tpu.memory_space<vmem>>
        %dma_start3A_110 = arith.constant 0 : i32
        %dma_start3A_111 = arith.constant 0 : i32
        %dma_start3A_112 = tpu.memref_slice %arg2[%dma_start3A_110, %dma_start3A_111] : memref<10240x128xf32, #tpu.memory_space<hbm>> -> memref<10240x128xf32, #tpu.memory_space<hbm>>
        tpu.enqueue_indirect_dma source(%dma_start3A_112 : memref<10240x128xf32, #tpu.memory_space<hbm>>) target(%dma_start3A_106 : memref<128x128xf32, #tpu.memory_space<vmem>>) offsets(%dma_start3A_109 : memref<128xi32, #tpu.memory_space<vmem>>) semaphore(%arg12 : memref<!tpu.dma_semaphore, #tpu.memory_space<semaphore_mem>>)
      } else {
      }
      %dma_wait3A = arith.constant 0 : i32
      %dma_wait3A_59 = arith.constant 0 : i32
      %dma_wait3A_60 = arith.constant 0 : i32
      %dma_wait3A_61 = tpu.memref_slice %arg9[%dma_wait3A, %dma_wait3A_59, %dma_wait3A_60] : memref<2x128x128xf32, #tpu.memory_space<vmem>> -> memref<1x128x128xf32, #tpu.memory_space<vmem>>
      %dma_wait3A_62 = tpu.memref_squeeze %dma_wait3A_61 : memref<1x128x128xf32, #tpu.memory_space<vmem>> -> memref<128x128xf32, #tpu.memory_space<vmem>>
      %dma_wait3A_63 = arith.constant 0 : i32
      %dma_wait3A_64 = arith.constant 0 : i32
      %dma_wait3A_65 = tpu.memref_slice %arg2[%dma_wait3A_63, %dma_wait3A_64] : memref<10240x128xf32, #tpu.memory_space<hbm>> -> memref<128x128xf32, #tpu.memory_space<hbm>>
      %dma_wait3A_66 = arith.constant 0 : i32
      %dma_wait3A_67 = arith.constant 0 : i32
      %dma_wait3A_68 = tpu.memref_slice %arg9[%dma_wait3A, %dma_wait3A_66, %dma_wait3A_67] : memref<2x128x128xf32, #tpu.memory_space<vmem>> -> memref<1x128x128xf32, #tpu.memory_space<vmem>>
      %dma_wait3A_69 = tpu.memref_squeeze %dma_wait3A_68 : memref<1x128x128xf32, #tpu.memory_space<vmem>> -> memref<128x128xf32, #tpu.memory_space<vmem>>
      %dma_wait3A_70 = arith.constant 0 : i32
      %dma_wait3A_71 = arith.constant 0 : i32
      %dma_wait3A_72 = tpu.memref_slice %arg2[%dma_wait3A_70, %dma_wait3A_71] : memref<10240x128xf32, #tpu.memory_space<hbm>> -> memref<128x128xf32, #tpu.memory_space<hbm>>
      tpu.wait_dma2 semaphore(%arg11 : memref<!tpu.dma_semaphore, #tpu.memory_space<semaphore_mem>>) src(%dma_wait3A_72 : memref<128x128xf32, #tpu.memory_space<hbm>>) dst(%dma_wait3A_69 : memref<128x128xf32, #tpu.memory_space<vmem>>)
      %run_scoped3A = arith.constant 0 : i32
      "tpu.region"() ({
        %run_scoped3A_100 = tpu.sem_alloc : memref<!tpu.dma_semaphore, #tpu.memory_space<semaphore_mem>>
        %dma_start3A_101 = arith.constant 0 : i32
        %dma_start3A_102 = arith.constant 0 : i32
        %dma_start3A_103 = tpu.memref_slice %arg9[%run_scoped3A, %dma_start3A_101, %dma_start3A_102] : memref<2x128x128xf32, #tpu.memory_space<vmem>> -> memref<1x128x128xf32, #tpu.memory_space<vmem>>
        %dma_start3A_104 = tpu.memref_squeeze %dma_start3A_103 : memref<1x128x128xf32, #tpu.memory_space<vmem>> -> memref<128x128xf32, #tpu.memory_space<vmem>>
        %dma_start3A_105 = arith.constant 0 : i32
        %dma_start3A_106 = tpu.memref_slice %arg8[%add3A_54, %dma_start3A_105] : memref<40x128xi32, #tpu.memory_space<vmem>> -> memref<1x128xi32, #tpu.memory_space<vmem>>
        %dma_start3A_107 = tpu.memref_squeeze %dma_start3A_106 : memref<1x128xi32, #tpu.memory_space<vmem>> -> memref<128xi32, #tpu.memory_space<vmem>>
        %dma_start3A_108 = arith.constant 0 : i32
        %dma_start3A_109 = arith.constant 0 : i32
        %dma_start3A_110 = tpu.memref_slice %arg10[%dma_start3A_108, %dma_start3A_109] : memref<10240x128xf32, #tpu.memory_space<vmem_shared>> -> memref<10240x128xf32, #tpu.memory_space<vmem_shared>>
        tpu.enqueue_indirect_dma source(%dma_start3A_104 : memref<128x128xf32, #tpu.memory_space<vmem>>) target(%dma_start3A_110 : memref<10240x128xf32, #tpu.memory_space<vmem_shared>>) offsets(%dma_start3A_107 : memref<128xi32, #tpu.memory_space<vmem>>) semaphore(%run_scoped3A_100 : memref<!tpu.dma_semaphore, #tpu.memory_space<semaphore_mem>>) {add = true}
        %dma_wait3A_111 = arith.constant 0 : i32
        %dma_wait3A_112 = arith.constant 0 : i32
        %dma_wait3A_113 = tpu.memref_slice %arg9[%run_scoped3A, %dma_wait3A_111, %dma_wait3A_112] : memref<2x128x128xf32, #tpu.memory_space<vmem>> -> memref<1x128x128xf32, #tpu.memory_space<vmem>>
        %dma_wait3A_114 = tpu.memref_squeeze %dma_wait3A_113 : memref<1x128x128xf32, #tpu.memory_space<vmem>> -> memref<128x128xf32, #tpu.memory_space<vmem>>
        %dma_wait3A_115 = arith.constant 0 : i32
        %dma_wait3A_116 = tpu.memref_slice %arg8[%add3A_54, %dma_wait3A_115] : memref<40x128xi32, #tpu.memory_space<vmem>> -> memref<1x128xi32, #tpu.memory_space<vmem>>
        %dma_wait3A_117 = tpu.memref_squeeze %dma_wait3A_116 : memref<1x128xi32, #tpu.memory_space<vmem>> -> memref<128xi32, #tpu.memory_space<vmem>>
        %dma_wait3A_118 = arith.constant 0 : i32
        %dma_wait3A_119 = arith.constant 0 : i32
        %dma_wait3A_120 = tpu.memref_slice %arg10[%dma_wait3A_118, %dma_wait3A_119] : memref<10240x128xf32, #tpu.memory_space<vmem_shared>> -> memref<10240x128xf32, #tpu.memory_space<vmem_shared>>
        tpu.wait_indirect_dma semaphore(%run_scoped3A_100 : memref<!tpu.dma_semaphore, #tpu.memory_space<semaphore_mem>>) src(%dma_wait3A_114 : memref<128x128xf32, #tpu.memory_space<vmem>>) dst(%dma_wait3A_120 : memref<10240x128xf32, #tpu.memory_space<vmem_shared>>)
        tpu.yield
      }) : () -> ()
      %mul3A_73 = arith.constant 2 : i32
      %mul3A_74 = arith.muli %mul3A_73, %scan3A_50 : i32
      %add3A_75 = arith.constant 1 : i32
      %add3A_76 = arith.addi %mul3A_74, %add3A_75 : i32
      %add3A_77 = arith.constant 1 : i32
      %add3A_78 = arith.addi %add3A_76, %add3A_77 : i32
      %lt3A_79 = arith.constant 40 : i32
      %lt3A_80 = arith.cmpi slt, %add3A_78, %lt3A_79 : i32
      %convert_element_type3A_81 = arith.extui %lt3A_80 : i1 to i32
      %cond3A_82 = arith.constant 0 : i32
      %cond3A_83 = arith.cmpi ne, %convert_element_type3A_81, %cond3A_82 : i32
      scf.if %cond3A_83 {
        %add3A_100 = arith.constant 1 : i32
        %add3A_101 = arith.addi %add3A_76, %add3A_100 : i32
        %dma_start3A_102 = arith.constant 0 : i32
        %dma_start3A_103 = arith.constant 0 : i32
        %dma_start3A_104 = arith.constant 0 : i32
        %dma_start3A_105 = tpu.memref_slice %arg9[%dma_start3A_102, %dma_start3A_103, %dma_start3A_104] : memref<2x128x128xf32, #tpu.memory_space<vmem>> -> memref<1x128x128xf32, #tpu.memory_space<vmem>>
        %dma_start3A_106 = tpu.memref_squeeze %dma_start3A_105 : memref<1x128x128xf32, #tpu.memory_space<vmem>> -> memref<128x128xf32, #tpu.memory_space<vmem>>
        %dma_start3A_107 = arith.constant 0 : i32
        %dma_start3A_108 = tpu.memref_slice %arg7[%add3A_101, %dma_start3A_107] : memref<40x128xi32, #tpu.memory_space<vmem>> -> memref<1x128xi32, #tpu.memory_space<vmem>>
        %dma_start3A_109 = tpu.memref_squeeze %dma_start3A_108 : memref<1x128xi32, #tpu.memory_space<vmem>> -> memref<128xi32, #tpu.memory_space<vmem>>
        %dma_start3A_110 = arith.constant 0 : i32
        %dma_start3A_111 = arith.constant 0 : i32
        %dma_start3A_112 = tpu.memref_slice %arg2[%dma_start3A_110, %dma_start3A_111] : memref<10240x128xf32, #tpu.memory_space<hbm>> -> memref<10240x128xf32, #tpu.memory_space<hbm>>
        tpu.enqueue_indirect_dma source(%dma_start3A_112 : memref<10240x128xf32, #tpu.memory_space<hbm>>) target(%dma_start3A_106 : memref<128x128xf32, #tpu.memory_space<vmem>>) offsets(%dma_start3A_109 : memref<128xi32, #tpu.memory_space<vmem>>) semaphore(%arg11 : memref<!tpu.dma_semaphore, #tpu.memory_space<semaphore_mem>>)
      } else {
      }
      %dma_wait3A_84 = arith.constant 1 : i32
      %dma_wait3A_85 = arith.constant 0 : i32
      %dma_wait3A_86 = arith.constant 0 : i32
      %dma_wait3A_87 = tpu.memref_slice %arg9[%dma_wait3A_84, %dma_wait3A_85, %dma_wait3A_86] : memref<2x128x128xf32, #tpu.memory_space<vmem>> -> memref<1x128x128xf32, #tpu.memory_space<vmem>>
      %dma_wait3A_88 = tpu.memref_squeeze %dma_wait3A_87 : memref<1x128x128xf32, #tpu.memory_space<vmem>> -> memref<128x128xf32, #tpu.memory_space<vmem>>
      %dma_wait3A_89 = arith.constant 0 : i32
      %dma_wait3A_90 = arith.constant 0 : i32
      %dma_wait3A_91 = tpu.memref_slice %arg2[%dma_wait3A_89, %dma_wait3A_90] : memref<10240x128xf32, #tpu.memory_space<hbm>> -> memref<128x128xf32, #tpu.memory_space<hbm>>
      %dma_wait3A_92 = arith.constant 0 : i32
      %dma_wait3A_93 = arith.constant 0 : i32
      %dma_wait3A_94 = tpu.memref_slice %arg9[%dma_wait3A_84, %dma_wait3A_92, %dma_wait3A_93] : memref<2x128x128xf32, #tpu.memory_space<vmem>> -> memref<1x128x128xf32, #tpu.memory_space<vmem>>
      %dma_wait3A_95 = tpu.memref_squeeze %dma_wait3A_94 : memref<1x128x128xf32, #tpu.memory_space<vmem>> -> memref<128x128xf32, #tpu.memory_space<vmem>>
      %dma_wait3A_96 = arith.constant 0 : i32
      %dma_wait3A_97 = arith.constant 0 : i32
      %dma_wait3A_98 = tpu.memref_slice %arg2[%dma_wait3A_96, %dma_wait3A_97] : memref<10240x128xf32, #tpu.memory_space<hbm>> -> memref<128x128xf32, #tpu.memory_space<hbm>>
      tpu.wait_dma2 semaphore(%arg12 : memref<!tpu.dma_semaphore, #tpu.memory_space<semaphore_mem>>) src(%dma_wait3A_98 : memref<128x128xf32, #tpu.memory_space<hbm>>) dst(%dma_wait3A_95 : memref<128x128xf32, #tpu.memory_space<vmem>>)
      %run_scoped3A_99 = arith.constant 1 : i32
      "tpu.region"() ({
        %run_scoped3A_100 = tpu.sem_alloc : memref<!tpu.dma_semaphore, #tpu.memory_space<semaphore_mem>>
        %dma_start3A_101 = arith.constant 0 : i32
        %dma_start3A_102 = arith.constant 0 : i32
        %dma_start3A_103 = tpu.memref_slice %arg9[%run_scoped3A_99, %dma_start3A_101, %dma_start3A_102] : memref<2x128x128xf32, #tpu.memory_space<vmem>> -> memref<1x128x128xf32, #tpu.memory_space<vmem>>
        %dma_start3A_104 = tpu.memref_squeeze %dma_start3A_103 : memref<1x128x128xf32, #tpu.memory_space<vmem>> -> memref<128x128xf32, #tpu.memory_space<vmem>>
        %dma_start3A_105 = arith.constant 0 : i32
        %dma_start3A_106 = tpu.memref_slice %arg8[%add3A_76, %dma_start3A_105] : memref<40x128xi32, #tpu.memory_space<vmem>> -> memref<1x128xi32, #tpu.memory_space<vmem>>
        %dma_start3A_107 = tpu.memref_squeeze %dma_start3A_106 : memref<1x128xi32, #tpu.memory_space<vmem>> -> memref<128xi32, #tpu.memory_space<vmem>>
        %dma_start3A_108 = arith.constant 0 : i32
        %dma_start3A_109 = arith.constant 0 : i32
        %dma_start3A_110 = tpu.memref_slice %arg10[%dma_start3A_108, %dma_start3A_109] : memref<10240x128xf32, #tpu.memory_space<vmem_shared>> -> memref<10240x128xf32, #tpu.memory_space<vmem_shared>>
        tpu.enqueue_indirect_dma source(%dma_start3A_104 : memref<128x128xf32, #tpu.memory_space<vmem>>) target(%dma_start3A_110 : memref<10240x128xf32, #tpu.memory_space<vmem_shared>>) offsets(%dma_start3A_107 : memref<128xi32, #tpu.memory_space<vmem>>) semaphore(%run_scoped3A_100 : memref<!tpu.dma_semaphore, #tpu.memory_space<semaphore_mem>>) {add = true}
        %dma_wait3A_111 = arith.constant 0 : i32
        %dma_wait3A_112 = arith.constant 0 : i32
        %dma_wait3A_113 = tpu.memref_slice %arg9[%run_scoped3A_99, %dma_wait3A_111, %dma_wait3A_112] : memref<2x128x128xf32, #tpu.memory_space<vmem>> -> memref<1x128x128xf32, #tpu.memory_space<vmem>>
        %dma_wait3A_114 = tpu.memref_squeeze %dma_wait3A_113 : memref<1x128x128xf32, #tpu.memory_space<vmem>> -> memref<128x128xf32, #tpu.memory_space<vmem>>
        %dma_wait3A_115 = arith.constant 0 : i32
        %dma_wait3A_116 = tpu.memref_slice %arg8[%add3A_76, %dma_wait3A_115] : memref<40x128xi32, #tpu.memory_space<vmem>> -> memref<1x128xi32, #tpu.memory_space<vmem>>
        %dma_wait3A_117 = tpu.memref_squeeze %dma_wait3A_116 : memref<1x128xi32, #tpu.memory_space<vmem>> -> memref<128xi32, #tpu.memory_space<vmem>>
        %dma_wait3A_118 = arith.constant 0 : i32
        %dma_wait3A_119 = arith.constant 0 : i32
        %dma_wait3A_120 = tpu.memref_slice %arg10[%dma_wait3A_118, %dma_wait3A_119] : memref<10240x128xf32, #tpu.memory_space<vmem_shared>> -> memref<10240x128xf32, #tpu.memory_space<vmem_shared>>
        tpu.wait_indirect_dma semaphore(%run_scoped3A_100 : memref<!tpu.dma_semaphore, #tpu.memory_space<semaphore_mem>>) src(%dma_wait3A_114 : memref<128x128xf32, #tpu.memory_space<vmem>>) dst(%dma_wait3A_120 : memref<10240x128xf32, #tpu.memory_space<vmem_shared>>)
        tpu.yield
      }) : () -> ()
    }
    %scan3A_22 = arith.constant 20 : i32
    %mul3A_23 = arith.constant 80 : i32
    %mul3A_24 = arith.muli %add3A, %mul3A_23 : i32
    %add3A_25 = arith.constant 40 : i32
    %add3A_26 = arith.addi %mul3A_24, %add3A_25 : i32
    "tpu.region"() ({
      %run_scoped3A = tpu.sem_alloc : memref<!tpu.dma_semaphore, #tpu.memory_space<semaphore_mem>>
      %dma_start3A_50 = arith.constant 0 : i32
      %dma_start3A_51 = tpu.memref_slice %arg3[%add3A_26, %dma_start3A_50] : memref<2560x128xi32, #tpu.memory_space<hbm>> -> memref<40x128xi32, #tpu.memory_space<hbm>>
      %dma_start3A_52 = arith.constant 0 : i32
      %dma_start3A_53 = tpu.memref_slice %arg3[%add3A_26, %dma_start3A_52] : memref<2560x128xi32, #tpu.memory_space<hbm>> -> memref<40x128xi32, #tpu.memory_space<hbm>>
      tpu.enqueue_dma source(%dma_start3A_53 : memref<40x128xi32, #tpu.memory_space<hbm>>) target(%arg7 : memref<40x128xi32, #tpu.memory_space<vmem>>) target_semaphore(%run_scoped3A : memref<!tpu.dma_semaphore, #tpu.memory_space<semaphore_mem>>)
      %dma_wait3A = arith.constant 0 : i32
      %dma_wait3A_54 = tpu.memref_slice %arg3[%add3A_26, %dma_wait3A] : memref<2560x128xi32, #tpu.memory_space<hbm>> -> memref<40x128xi32, #tpu.memory_space<hbm>>
      %dma_wait3A_55 = arith.constant 0 : i32
      %dma_wait3A_56 = tpu.memref_slice %arg3[%add3A_26, %dma_wait3A_55] : memref<2560x128xi32, #tpu.memory_space<hbm>> -> memref<40x128xi32, #tpu.memory_space<hbm>>
      tpu.wait_dma2 semaphore(%run_scoped3A : memref<!tpu.dma_semaphore, #tpu.memory_space<semaphore_mem>>) src(%dma_wait3A_56 : memref<40x128xi32, #tpu.memory_space<hbm>>) dst(%arg7 : memref<40x128xi32, #tpu.memory_space<vmem>>)
      tpu.yield
    }) : () -> ()
    "tpu.region"() ({
      %run_scoped3A = tpu.sem_alloc : memref<!tpu.dma_semaphore, #tpu.memory_space<semaphore_mem>>
      %dma_start3A_50 = arith.constant 0 : i32
      %dma_start3A_51 = tpu.memref_slice %arg4[%add3A_26, %dma_start3A_50] : memref<2560x128xi32, #tpu.memory_space<hbm>> -> memref<40x128xi32, #tpu.memory_space<hbm>>
      %dma_start3A_52 = arith.constant 0 : i32
      %dma_start3A_53 = tpu.memref_slice %arg4[%add3A_26, %dma_start3A_52] : memref<2560x128xi32, #tpu.memory_space<hbm>> -> memref<40x128xi32, #tpu.memory_space<hbm>>
      tpu.enqueue_dma source(%dma_start3A_53 : memref<40x128xi32, #tpu.memory_space<hbm>>) target(%arg8 : memref<40x128xi32, #tpu.memory_space<vmem>>) target_semaphore(%run_scoped3A : memref<!tpu.dma_semaphore, #tpu.memory_space<semaphore_mem>>)
      %dma_wait3A = arith.constant 0 : i32
      %dma_wait3A_54 = tpu.memref_slice %arg4[%add3A_26, %dma_wait3A] : memref<2560x128xi32, #tpu.memory_space<hbm>> -> memref<40x128xi32, #tpu.memory_space<hbm>>
      %dma_wait3A_55 = arith.constant 0 : i32
      %dma_wait3A_56 = tpu.memref_slice %arg4[%add3A_26, %dma_wait3A_55] : memref<2560x128xi32, #tpu.memory_space<hbm>> -> memref<40x128xi32, #tpu.memory_space<hbm>>
      tpu.wait_dma2 semaphore(%run_scoped3A : memref<!tpu.dma_semaphore, #tpu.memory_space<semaphore_mem>>) src(%dma_wait3A_56 : memref<40x128xi32, #tpu.memory_space<hbm>>) dst(%arg8 : memref<40x128xi32, #tpu.memory_space<vmem>>)
      tpu.yield
    }) : () -> ()
    %dma_start3A_27 = arith.constant 0 : i32
    %dma_start3A_28 = arith.constant 0 : i32
    %dma_start3A_29 = arith.constant 0 : i32
    %dma_start3A_30 = arith.constant 0 : i32
    %dma_start3A_31 = tpu.memref_slice %arg9[%dma_start3A_28, %dma_start3A_29, %dma_start3A_30] : memref<2x128x128xf32, #tpu.memory_space<vmem>> -> memref<1x128x128xf32, #tpu.memory_space<vmem>>
    %dma_start3A_32 = tpu.memref_squeeze %dma_start3A_31 : memref<1x128x128xf32, #tpu.memory_space<vmem>> -> memref<128x128xf32, #tpu.memory_space<vmem>>
    %dma_start3A_33 = arith.constant 0 : i32
    %dma_start3A_34 = tpu.memref_slice %arg7[%dma_start3A_27, %dma_start3A_33] : memref<40x128xi32, #tpu.memory_space<vmem>> -> memref<1x128xi32, #tpu.memory_space<vmem>>
    %dma_start3A_35 = tpu.memref_squeeze %dma_start3A_34 : memref<1x128xi32, #tpu.memory_space<vmem>> -> memref<128xi32, #tpu.memory_space<vmem>>
    %dma_start3A_36 = arith.constant 0 : i32
    %dma_start3A_37 = arith.constant 0 : i32
    %dma_start3A_38 = tpu.memref_slice %arg2[%dma_start3A_36, %dma_start3A_37] : memref<10240x128xf32, #tpu.memory_space<hbm>> -> memref<10240x128xf32, #tpu.memory_space<hbm>>
    tpu.enqueue_indirect_dma source(%dma_start3A_38 : memref<10240x128xf32, #tpu.memory_space<hbm>>) target(%dma_start3A_32 : memref<128x128xf32, #tpu.memory_space<vmem>>) offsets(%dma_start3A_35 : memref<128xi32, #tpu.memory_space<vmem>>) semaphore(%arg11 : memref<!tpu.dma_semaphore, #tpu.memory_space<semaphore_mem>>)
    %scan3A_39 = arith.constant 0 : i32
    %scan3A_40 = arith.constant 0 : i32
    %scan3A_41 = arith.constant 20 : i32
    %scan3A_42 = arith.addi %scan3A_40, %scan3A_41 : i32
    %scan3A_43 = arith.constant 1 : i32
    scf.for %scan3A_50 = %scan3A_40 to %scan3A_42 step %scan3A_43  : i32 {
      %mul3A_51 = arith.constant 2 : i32
      %mul3A_52 = arith.muli %mul3A_51, %scan3A_50 : i32
      %add3A_53 = arith.constant 0 : i32
      %add3A_54 = arith.addi %mul3A_52, %add3A_53 : i32
      %add3A_55 = arith.constant 1 : i32
      %add3A_56 = arith.addi %add3A_54, %add3A_55 : i32
      %lt3A = arith.constant 40 : i32
      %lt3A_57 = arith.cmpi slt, %add3A_56, %lt3A : i32
      %convert_element_type3A = arith.extui %lt3A_57 : i1 to i32
      %cond3A = arith.constant 0 : i32
      %cond3A_58 = arith.cmpi ne, %convert_element_type3A, %cond3A : i32
      scf.if %cond3A_58 {
        %add3A_100 = arith.constant 1 : i32
        %add3A_101 = arith.addi %add3A_54, %add3A_100 : i32
        %dma_start3A_102 = arith.constant 1 : i32
        %dma_start3A_103 = arith.constant 0 : i32
        %dma_start3A_104 = arith.constant 0 : i32
        %dma_start3A_105 = tpu.memref_slice %arg9[%dma_start3A_102, %dma_start3A_103, %dma_start3A_104] : memref<2x128x128xf32, #tpu.memory_space<vmem>> -> memref<1x128x128xf32, #tpu.memory_space<vmem>>
        %dma_start3A_106 = tpu.memref_squeeze %dma_start3A_105 : memref<1x128x128xf32, #tpu.memory_space<vmem>> -> memref<128x128xf32, #tpu.memory_space<vmem>>
        %dma_start3A_107 = arith.constant 0 : i32
        %dma_start3A_108 = tpu.memref_slice %arg7[%add3A_101, %dma_start3A_107] : memref<40x128xi32, #tpu.memory_space<vmem>> -> memref<1x128xi32, #tpu.memory_space<vmem>>
        %dma_start3A_109 = tpu.memref_squeeze %dma_start3A_108 : memref<1x128xi32, #tpu.memory_space<vmem>> -> memref<128xi32, #tpu.memory_space<vmem>>
        %dma_start3A_110 = arith.constant 0 : i32
        %dma_start3A_111 = arith.constant 0 : i32
        %dma_start3A_112 = tpu.memref_slice %arg2[%dma_start3A_110, %dma_start3A_111] : memref<10240x128xf32, #tpu.memory_space<hbm>> -> memref<10240x128xf32, #tpu.memory_space<hbm>>
        tpu.enqueue_indirect_dma source(%dma_start3A_112 : memref<10240x128xf32, #tpu.memory_space<hbm>>) target(%dma_start3A_106 : memref<128x128xf32, #tpu.memory_space<vmem>>) offsets(%dma_start3A_109 : memref<128xi32, #tpu.memory_space<vmem>>) semaphore(%arg12 : memref<!tpu.dma_semaphore, #tpu.memory_space<semaphore_mem>>)
      } else {
      }
      %dma_wait3A = arith.constant 0 : i32
      %dma_wait3A_59 = arith.constant 0 : i32
      %dma_wait3A_60 = arith.constant 0 : i32
      %dma_wait3A_61 = tpu.memref_slice %arg9[%dma_wait3A, %dma_wait3A_59, %dma_wait3A_60] : memref<2x128x128xf32, #tpu.memory_space<vmem>> -> memref<1x128x128xf32, #tpu.memory_space<vmem>>
      %dma_wait3A_62 = tpu.memref_squeeze %dma_wait3A_61 : memref<1x128x128xf32, #tpu.memory_space<vmem>> -> memref<128x128xf32, #tpu.memory_space<vmem>>
      %dma_wait3A_63 = arith.constant 0 : i32
      %dma_wait3A_64 = arith.constant 0 : i32
      %dma_wait3A_65 = tpu.memref_slice %arg2[%dma_wait3A_63, %dma_wait3A_64] : memref<10240x128xf32, #tpu.memory_space<hbm>> -> memref<128x128xf32, #tpu.memory_space<hbm>>
      %dma_wait3A_66 = arith.constant 0 : i32
      %dma_wait3A_67 = arith.constant 0 : i32
      %dma_wait3A_68 = tpu.memref_slice %arg9[%dma_wait3A, %dma_wait3A_66, %dma_wait3A_67] : memref<2x128x128xf32, #tpu.memory_space<vmem>> -> memref<1x128x128xf32, #tpu.memory_space<vmem>>
      %dma_wait3A_69 = tpu.memref_squeeze %dma_wait3A_68 : memref<1x128x128xf32, #tpu.memory_space<vmem>> -> memref<128x128xf32, #tpu.memory_space<vmem>>
      %dma_wait3A_70 = arith.constant 0 : i32
      %dma_wait3A_71 = arith.constant 0 : i32
      %dma_wait3A_72 = tpu.memref_slice %arg2[%dma_wait3A_70, %dma_wait3A_71] : memref<10240x128xf32, #tpu.memory_space<hbm>> -> memref<128x128xf32, #tpu.memory_space<hbm>>
      tpu.wait_dma2 semaphore(%arg11 : memref<!tpu.dma_semaphore, #tpu.memory_space<semaphore_mem>>) src(%dma_wait3A_72 : memref<128x128xf32, #tpu.memory_space<hbm>>) dst(%dma_wait3A_69 : memref<128x128xf32, #tpu.memory_space<vmem>>)
      %run_scoped3A = arith.constant 0 : i32
      "tpu.region"() ({
        %run_scoped3A_100 = tpu.sem_alloc : memref<!tpu.dma_semaphore, #tpu.memory_space<semaphore_mem>>
        %dma_start3A_101 = arith.constant 0 : i32
        %dma_start3A_102 = arith.constant 0 : i32
        %dma_start3A_103 = tpu.memref_slice %arg9[%run_scoped3A, %dma_start3A_101, %dma_start3A_102] : memref<2x128x128xf32, #tpu.memory_space<vmem>> -> memref<1x128x128xf32, #tpu.memory_space<vmem>>
        %dma_start3A_104 = tpu.memref_squeeze %dma_start3A_103 : memref<1x128x128xf32, #tpu.memory_space<vmem>> -> memref<128x128xf32, #tpu.memory_space<vmem>>
        %dma_start3A_105 = arith.constant 0 : i32
        %dma_start3A_106 = tpu.memref_slice %arg8[%add3A_54, %dma_start3A_105] : memref<40x128xi32, #tpu.memory_space<vmem>> -> memref<1x128xi32, #tpu.memory_space<vmem>>
        %dma_start3A_107 = tpu.memref_squeeze %dma_start3A_106 : memref<1x128xi32, #tpu.memory_space<vmem>> -> memref<128xi32, #tpu.memory_space<vmem>>
        %dma_start3A_108 = arith.constant 0 : i32
        %dma_start3A_109 = arith.constant 0 : i32
        %dma_start3A_110 = tpu.memref_slice %arg10[%dma_start3A_108, %dma_start3A_109] : memref<10240x128xf32, #tpu.memory_space<vmem_shared>> -> memref<10240x128xf32, #tpu.memory_space<vmem_shared>>
        tpu.enqueue_indirect_dma source(%dma_start3A_104 : memref<128x128xf32, #tpu.memory_space<vmem>>) target(%dma_start3A_110 : memref<10240x128xf32, #tpu.memory_space<vmem_shared>>) offsets(%dma_start3A_107 : memref<128xi32, #tpu.memory_space<vmem>>) semaphore(%run_scoped3A_100 : memref<!tpu.dma_semaphore, #tpu.memory_space<semaphore_mem>>) {add = true}
        %dma_wait3A_111 = arith.constant 0 : i32
        %dma_wait3A_112 = arith.constant 0 : i32
        %dma_wait3A_113 = tpu.memref_slice %arg9[%run_scoped3A, %dma_wait3A_111, %dma_wait3A_112] : memref<2x128x128xf32, #tpu.memory_space<vmem>> -> memref<1x128x128xf32, #tpu.memory_space<vmem>>
        %dma_wait3A_114 = tpu.memref_squeeze %dma_wait3A_113 : memref<1x128x128xf32, #tpu.memory_space<vmem>> -> memref<128x128xf32, #tpu.memory_space<vmem>>
        %dma_wait3A_115 = arith.constant 0 : i32
        %dma_wait3A_116 = tpu.memref_slice %arg8[%add3A_54, %dma_wait3A_115] : memref<40x128xi32, #tpu.memory_space<vmem>> -> memref<1x128xi32, #tpu.memory_space<vmem>>
        %dma_wait3A_117 = tpu.memref_squeeze %dma_wait3A_116 : memref<1x128xi32, #tpu.memory_space<vmem>> -> memref<128xi32, #tpu.memory_space<vmem>>
        %dma_wait3A_118 = arith.constant 0 : i32
        %dma_wait3A_119 = arith.constant 0 : i32
        %dma_wait3A_120 = tpu.memref_slice %arg10[%dma_wait3A_118, %dma_wait3A_119] : memref<10240x128xf32, #tpu.memory_space<vmem_shared>> -> memref<10240x128xf32, #tpu.memory_space<vmem_shared>>
        tpu.wait_indirect_dma semaphore(%run_scoped3A_100 : memref<!tpu.dma_semaphore, #tpu.memory_space<semaphore_mem>>) src(%dma_wait3A_114 : memref<128x128xf32, #tpu.memory_space<vmem>>) dst(%dma_wait3A_120 : memref<10240x128xf32, #tpu.memory_space<vmem_shared>>)
        tpu.yield
      }) : () -> ()
      %mul3A_73 = arith.constant 2 : i32
      %mul3A_74 = arith.muli %mul3A_73, %scan3A_50 : i32
      %add3A_75 = arith.constant 1 : i32
      %add3A_76 = arith.addi %mul3A_74, %add3A_75 : i32
      %add3A_77 = arith.constant 1 : i32
      %add3A_78 = arith.addi %add3A_76, %add3A_77 : i32
      %lt3A_79 = arith.constant 40 : i32
      %lt3A_80 = arith.cmpi slt, %add3A_78, %lt3A_79 : i32
      %convert_element_type3A_81 = arith.extui %lt3A_80 : i1 to i32
      %cond3A_82 = arith.constant 0 : i32
      %cond3A_83 = arith.cmpi ne, %convert_element_type3A_81, %cond3A_82 : i32
      scf.if %cond3A_83 {
        %add3A_100 = arith.constant 1 : i32
        %add3A_101 = arith.addi %add3A_76, %add3A_100 : i32
        %dma_start3A_102 = arith.constant 0 : i32
        %dma_start3A_103 = arith.constant 0 : i32
        %dma_start3A_104 = arith.constant 0 : i32
        %dma_start3A_105 = tpu.memref_slice %arg9[%dma_start3A_102, %dma_start3A_103, %dma_start3A_104] : memref<2x128x128xf32, #tpu.memory_space<vmem>> -> memref<1x128x128xf32, #tpu.memory_space<vmem>>
        %dma_start3A_106 = tpu.memref_squeeze %dma_start3A_105 : memref<1x128x128xf32, #tpu.memory_space<vmem>> -> memref<128x128xf32, #tpu.memory_space<vmem>>
        %dma_start3A_107 = arith.constant 0 : i32
        %dma_start3A_108 = tpu.memref_slice %arg7[%add3A_101, %dma_start3A_107] : memref<40x128xi32, #tpu.memory_space<vmem>> -> memref<1x128xi32, #tpu.memory_space<vmem>>
        %dma_start3A_109 = tpu.memref_squeeze %dma_start3A_108 : memref<1x128xi32, #tpu.memory_space<vmem>> -> memref<128xi32, #tpu.memory_space<vmem>>
        %dma_start3A_110 = arith.constant 0 : i32
        %dma_start3A_111 = arith.constant 0 : i32
        %dma_start3A_112 = tpu.memref_slice %arg2[%dma_start3A_110, %dma_start3A_111] : memref<10240x128xf32, #tpu.memory_space<hbm>> -> memref<10240x128xf32, #tpu.memory_space<hbm>>
        tpu.enqueue_indirect_dma source(%dma_start3A_112 : memref<10240x128xf32, #tpu.memory_space<hbm>>) target(%dma_start3A_106 : memref<128x128xf32, #tpu.memory_space<vmem>>) offsets(%dma_start3A_109 : memref<128xi32, #tpu.memory_space<vmem>>) semaphore(%arg11 : memref<!tpu.dma_semaphore, #tpu.memory_space<semaphore_mem>>)
      } else {
      }
      %dma_wait3A_84 = arith.constant 1 : i32
      %dma_wait3A_85 = arith.constant 0 : i32
      %dma_wait3A_86 = arith.constant 0 : i32
      %dma_wait3A_87 = tpu.memref_slice %arg9[%dma_wait3A_84, %dma_wait3A_85, %dma_wait3A_86] : memref<2x128x128xf32, #tpu.memory_space<vmem>> -> memref<1x128x128xf32, #tpu.memory_space<vmem>>
      %dma_wait3A_88 = tpu.memref_squeeze %dma_wait3A_87 : memref<1x128x128xf32, #tpu.memory_space<vmem>> -> memref<128x128xf32, #tpu.memory_space<vmem>>
      %dma_wait3A_89 = arith.constant 0 : i32
      %dma_wait3A_90 = arith.constant 0 : i32
      %dma_wait3A_91 = tpu.memref_slice %arg2[%dma_wait3A_89, %dma_wait3A_90] : memref<10240x128xf32, #tpu.memory_space<hbm>> -> memref<128x128xf32, #tpu.memory_space<hbm>>
      %dma_wait3A_92 = arith.constant 0 : i32
      %dma_wait3A_93 = arith.constant 0 : i32
      %dma_wait3A_94 = tpu.memref_slice %arg9[%dma_wait3A_84, %dma_wait3A_92, %dma_wait3A_93] : memref<2x128x128xf32, #tpu.memory_space<vmem>> -> memref<1x128x128xf32, #tpu.memory_space<vmem>>
      %dma_wait3A_95 = tpu.memref_squeeze %dma_wait3A_94 : memref<1x128x128xf32, #tpu.memory_space<vmem>> -> memref<128x128xf32, #tpu.memory_space<vmem>>
      %dma_wait3A_96 = arith.constant 0 : i32
      %dma_wait3A_97 = arith.constant 0 : i32
      %dma_wait3A_98 = tpu.memref_slice %arg2[%dma_wait3A_96, %dma_wait3A_97] : memref<10240x128xf32, #tpu.memory_space<hbm>> -> memref<128x128xf32, #tpu.memory_space<hbm>>
      tpu.wait_dma2 semaphore(%arg12 : memref<!tpu.dma_semaphore, #tpu.memory_space<semaphore_mem>>) src(%dma_wait3A_98 : memref<128x128xf32, #tpu.memory_space<hbm>>) dst(%dma_wait3A_95 : memref<128x128xf32, #tpu.memory_space<vmem>>)
      %run_scoped3A_99 = arith.constant 1 : i32
      "tpu.region"() ({
        %run_scoped3A_100 = tpu.sem_alloc : memref<!tpu.dma_semaphore, #tpu.memory_space<semaphore_mem>>
        %dma_start3A_101 = arith.constant 0 : i32
        %dma_start3A_102 = arith.constant 0 : i32
        %dma_start3A_103 = tpu.memref_slice %arg9[%run_scoped3A_99, %dma_start3A_101, %dma_start3A_102] : memref<2x128x128xf32, #tpu.memory_space<vmem>> -> memref<1x128x128xf32, #tpu.memory_space<vmem>>
        %dma_start3A_104 = tpu.memref_squeeze %dma_start3A_103 : memref<1x128x128xf32, #tpu.memory_space<vmem>> -> memref<128x128xf32, #tpu.memory_space<vmem>>
        %dma_start3A_105 = arith.constant 0 : i32
        %dma_start3A_106 = tpu.memref_slice %arg8[%add3A_76, %dma_start3A_105] : memref<40x128xi32, #tpu.memory_space<vmem>> -> memref<1x128xi32, #tpu.memory_space<vmem>>
        %dma_start3A_107 = tpu.memref_squeeze %dma_start3A_106 : memref<1x128xi32, #tpu.memory_space<vmem>> -> memref<128xi32, #tpu.memory_space<vmem>>
        %dma_start3A_108 = arith.constant 0 : i32
        %dma_start3A_109 = arith.constant 0 : i32
        %dma_start3A_110 = tpu.memref_slice %arg10[%dma_start3A_108, %dma_start3A_109] : memref<10240x128xf32, #tpu.memory_space<vmem_shared>> -> memref<10240x128xf32, #tpu.memory_space<vmem_shared>>
        tpu.enqueue_indirect_dma source(%dma_start3A_104 : memref<128x128xf32, #tpu.memory_space<vmem>>) target(%dma_start3A_110 : memref<10240x128xf32, #tpu.memory_space<vmem_shared>>) offsets(%dma_start3A_107 : memref<128xi32, #tpu.memory_space<vmem>>) semaphore(%run_scoped3A_100 : memref<!tpu.dma_semaphore, #tpu.memory_space<semaphore_mem>>) {add = true}
        %dma_wait3A_111 = arith.constant 0 : i32
        %dma_wait3A_112 = arith.constant 0 : i32
        %dma_wait3A_113 = tpu.memref_slice %arg9[%run_scoped3A_99, %dma_wait3A_111, %dma_wait3A_112] : memref<2x128x128xf32, #tpu.memory_space<vmem>> -> memref<1x128x128xf32, #tpu.memory_space<vmem>>
        %dma_wait3A_114 = tpu.memref_squeeze %dma_wait3A_113 : memref<1x128x128xf32, #tpu.memory_space<vmem>> -> memref<128x128xf32, #tpu.memory_space<vmem>>
        %dma_wait3A_115 = arith.constant 0 : i32
        %dma_wait3A_116 = tpu.memref_slice %arg8[%add3A_76, %dma_wait3A_115] : memref<40x128xi32, #tpu.memory_space<vmem>> -> memref<1x128xi32, #tpu.memory_space<vmem>>
        %dma_wait3A_117 = tpu.memref_squeeze %dma_wait3A_116 : memref<1x128xi32, #tpu.memory_space<vmem>> -> memref<128xi32, #tpu.memory_space<vmem>>
        %dma_wait3A_118 = arith.constant 0 : i32
        %dma_wait3A_119 = arith.constant 0 : i32
        %dma_wait3A_120 = tpu.memref_slice %arg10[%dma_wait3A_118, %dma_wait3A_119] : memref<10240x128xf32, #tpu.memory_space<vmem_shared>> -> memref<10240x128xf32, #tpu.memory_space<vmem_shared>>
        tpu.wait_indirect_dma semaphore(%run_scoped3A_100 : memref<!tpu.dma_semaphore, #tpu.memory_space<semaphore_mem>>) src(%dma_wait3A_114 : memref<128x128xf32, #tpu.memory_space<vmem>>) dst(%dma_wait3A_120 : memref<10240x128xf32, #tpu.memory_space<vmem_shared>>)
        tpu.yield
      }) : () -> ()
    }
    %scan3A_44 = arith.constant 20 : i32
    %barrier3A_45 = arith.constant 0 : index
    tpu.barrier barrier_id(%barrier3A_45)
    %mul3A_46 = arith.constant 640 : i32
    %mul3A_47 = arith.muli %arg1, %mul3A_46 : i32
    %mul3A_48 = arith.constant 640 : i32
    %mul3A_49 = arith.muli %arg1, %mul3A_48 : i32
    "tpu.region"() ({
      %run_scoped3A = tpu.sem_alloc : memref<!tpu.dma_semaphore, #tpu.memory_space<semaphore_mem>>
      %dma_start3A_50 = arith.constant 0 : i32
      %dma_start3A_51 = tpu.memref_slice %arg6[%arg0, %mul3A_49, %dma_start3A_50] : memref<2x10240x128xf32, #tpu.memory_space<hbm>> -> memref<1x640x128xf32, #tpu.memory_space<hbm>>
      %dma_start3A_52 = tpu.memref_squeeze %dma_start3A_51 : memref<1x640x128xf32, #tpu.memory_space<hbm>> -> memref<640x128xf32, #tpu.memory_space<hbm>>
      %dma_start3A_53 = arith.constant 0 : i32
      %dma_start3A_54 = tpu.memref_slice %arg10[%mul3A_47, %dma_start3A_53] : memref<10240x128xf32, #tpu.memory_space<vmem_shared>> -> memref<640x128xf32, #tpu.memory_space<vmem_shared>>
      tpu.enqueue_dma source(%dma_start3A_54 : memref<640x128xf32, #tpu.memory_space<vmem_shared>>) target(%dma_start3A_52 : memref<640x128xf32, #tpu.memory_space<hbm>>) target_semaphore(%run_scoped3A : memref<!tpu.dma_semaphore, #tpu.memory_space<semaphore_mem>>)
      %dma_wait3A = arith.constant 0 : i32
      %dma_wait3A_55 = tpu.memref_slice %arg6[%arg0, %mul3A_49, %dma_wait3A] : memref<2x10240x128xf32, #tpu.memory_space<hbm>> -> memref<1x640x128xf32, #tpu.memory_space<hbm>>
      %dma_wait3A_56 = tpu.memref_squeeze %dma_wait3A_55 : memref<1x640x128xf32, #tpu.memory_space<hbm>> -> memref<640x128xf32, #tpu.memory_space<hbm>>
      %dma_wait3A_57 = arith.constant 0 : i32
      %dma_wait3A_58 = tpu.memref_slice %arg10[%mul3A_47, %dma_wait3A_57] : memref<10240x128xf32, #tpu.memory_space<vmem_shared>> -> memref<640x128xf32, #tpu.memory_space<vmem_shared>>
      tpu.wait_dma2 semaphore(%run_scoped3A : memref<!tpu.dma_semaphore, #tpu.memory_space<semaphore_mem>>) src(%dma_wait3A_58 : memref<640x128xf32, #tpu.memory_space<vmem_shared>>) dst(%dma_wait3A_56 : memref<640x128xf32, #tpu.memory_space<hbm>>)
      tpu.yield
    }) : () -> ()
    return
  }
}

module attributes {stable_mosaic.version = 14 : i64} {
  func.func @_mlpn_body(%arg0: i32, %arg1: memref<1xf32, #tpu.memory_space<smem>>, %arg2: memref<2x1024x128xf32, #tpu.memory_space<vmem>>, %arg3: memref<1024x128xf32, #tpu.memory_space<vmem>>, %arg4: memref<128x128xf32, #tpu.memory_space<vmem>>, %arg5: memref<1x128xf32, #tpu.memory_space<vmem>>, %arg6: memref<128x128xf32, #tpu.memory_space<vmem>>, %arg7: memref<1x128xf32, #tpu.memory_space<vmem>>, %arg8: memref<1x128xf32, #tpu.memory_space<vmem>>, %arg9: memref<1x128xf32, #tpu.memory_space<vmem>>, %arg10: memref<1024x128xf32, #tpu.memory_space<vmem>>, %arg11: memref<10240x128xf32, #tpu.memory_space<vmem>>, %arg12: memref<1x128xf32, #tpu.memory_space<vmem>>, %arg13: memref<1x128xf32, #tpu.memory_space<vmem>>) attributes {dimension_semantics = [#tpu.dimension_semantics<arbitrary>], iteration_bounds = array<i64: 20>, scalar_prefetch = 0 : i64, scratch_operands = 3 : i64, tpu.core_type = #tpu.core_type<tc>, window_params = [{transform_indices = @transform_0, window_bounds = array<i64: 1>}, {transform_indices = @transform_1, window_bounds = array<i64: 2, 1024, 128>}, {transform_indices = @transform_2, window_bounds = array<i64: 1024, 128>}, {pipeline_mode = #tpu.pipeline_mode<synchronous>, transform_indices = @transform_3, window_bounds = array<i64: 128, 128>}, {pipeline_mode = #tpu.pipeline_mode<synchronous>, transform_indices = @transform_4, window_bounds = array<i64: 1, 128>}, {pipeline_mode = #tpu.pipeline_mode<synchronous>, transform_indices = @transform_5, window_bounds = array<i64: 128, 128>}, {pipeline_mode = #tpu.pipeline_mode<synchronous>, transform_indices = @transform_6, window_bounds = array<i64: 1, 128>}, {pipeline_mode = #tpu.pipeline_mode<synchronous>, transform_indices = @transform_7, window_bounds = array<i64: 1, 128>}, {pipeline_mode = #tpu.pipeline_mode<synchronous>, transform_indices = @transform_8, window_bounds = array<i64: 1, 128>}, {transform_indices = @transform_9, window_bounds = array<i64: 1024, 128>}]} {
    %rem3A = arith.constant 10 : i32
    %rem3A_0 = arith.remsi %arg0, %rem3A : i32
    %eq3A = arith.constant 0 : i32
    %eq3A_1 = arith.cmpi eq, %arg0, %eq3A : i32
    %convert_element_type3A = arith.extui %eq3A_1 : i1 to i32
    %cond3A = arith.constant 0 : i32
    %cond3A_2 = arith.cmpi ne, %convert_element_type3A, %cond3A : i32
    scf.if %cond3A_2 {
      %broadcast_in_dim3A = arith.constant 0.000000e+00 : f32
      %broadcast_in_dim3A_11 = vector.broadcast %broadcast_in_dim3A : f32 to vector<1x128xf32>
      %swap3A = arith.constant 0 : index
      %swap3A_12 = arith.constant 0 : index
      %swap3A_13 = vector.load %arg12[%swap3A, %swap3A_12] : memref<1x128xf32, #tpu.memory_space<vmem>>, vector<1x128xf32>
      tpu.vector_store %arg12[%swap3A, %swap3A_12], %broadcast_in_dim3A_11 {strides = array<i32>} : memref<1x128xf32, #tpu.memory_space<vmem>>, vector<1x128xf32>,
      %broadcast_in_dim3A_14 = arith.constant 0.000000e+00 : f32
      %broadcast_in_dim3A_15 = vector.broadcast %broadcast_in_dim3A_14 : f32 to vector<1x128xf32>
      %swap3A_16 = arith.constant 0 : index
      %swap3A_17 = arith.constant 0 : index
      %swap3A_18 = vector.load %arg13[%swap3A_16, %swap3A_17] : memref<1x128xf32, #tpu.memory_space<vmem>>, vector<1x128xf32>
      tpu.vector_store %arg13[%swap3A_16, %swap3A_17], %broadcast_in_dim3A_15 {strides = array<i32>} : memref<1x128xf32, #tpu.memory_space<vmem>>, vector<1x128xf32>,
    } else {
    }
    %lt3A = arith.constant 10 : i32
    %lt3A_3 = arith.cmpi slt, %arg0, %lt3A : i32
    %convert_element_type3A_4 = arith.extui %lt3A_3 : i1 to i32
    %cond3A_5 = arith.constant 0 : i32
    %cond3A_6 = arith.cmpi ne, %convert_element_type3A_4, %cond3A_5 : i32
    scf.if %cond3A_6 {
      %get3A = arith.constant 0 : index
      %get3A_11 = arith.constant 0 : index
      %get3A_12 = arith.constant 0 : index
      %get3A_13 = vector.load %arg2[%get3A, %get3A_11, %get3A_12] : memref<2x1024x128xf32, #tpu.memory_space<vmem>>, vector<1x1024x128xf32>
      %get3A_14 = vector.shape_cast %get3A_13 : vector<1x1024x128xf32> to vector<1024x128xf32>
      %get3A_15 = arith.constant 1 : index
      %get3A_16 = arith.constant 0 : index
      %get3A_17 = arith.constant 0 : index
      %get3A_18 = vector.load %arg2[%get3A_15, %get3A_16, %get3A_17] : memref<2x1024x128xf32, #tpu.memory_space<vmem>>, vector<1x1024x128xf32>
      %get3A_19 = vector.shape_cast %get3A_18 : vector<1x1024x128xf32> to vector<1024x128xf32>
      %add3A = arith.addf %get3A_14, %get3A_19 : vector<1024x128xf32>
      %get3A_20 = arith.constant 0 : index
      %get3A_21 = memref.load %arg1[%get3A_20] : memref<1xf32, #tpu.memory_space<smem>>
      %add3A_22 = arith.constant 1.000000e+00 : f32
      %add3A_23 = arith.addf %add3A_22, %get3A_21 : f32
      %get3A_24 = arith.constant 0 : index
      %get3A_25 = arith.constant 0 : index
      %get3A_26 = vector.load %arg3[%get3A_24, %get3A_25] : memref<1024x128xf32, #tpu.memory_space<vmem>>, vector<1024x128xf32>
      %mul3A = vector.broadcast %add3A_23 : f32 to vector<1024x128xf32>
      %mul3A_27 = arith.mulf %mul3A, %get3A_26 : vector<1024x128xf32>
      %add3A_28 = arith.addf %add3A, %mul3A_27 : vector<1024x128xf32>
      %get3A_29 = arith.constant 0 : index
      %get3A_30 = arith.constant 0 : index
      %get3A_31 = vector.load %arg4[%get3A_29, %get3A_30] : memref<128x128xf32, #tpu.memory_space<vmem>>, vector<128x128xf32>
      %dot_general3A = arith.constant dense<0.000000e+00> : vector<1024x128xf32>
      %dot_general3A_32 = tpu.matmul %add3A_28, %get3A_31, %dot_general3A {dimension_numbers = #tpu.dot_dimension_numbers<[1], [0], [0], [1], [0, 0, 1, 1], [], []>, transpose_lhs_hint = false} : vector<1024x128xf32>, vector<128x128xf32>, vector<1024x128xf32> -> vector<1024x128xf32>
      %get3A_33 = arith.constant 0 : index
      %get3A_34 = arith.constant 0 : index
      %get3A_35 = vector.load %arg5[%get3A_33, %get3A_34] : memref<1x128xf32, #tpu.memory_space<vmem>>, vector<1x128xf32>
      %add3A_36 = vector.broadcast %get3A_35 : vector<1x128xf32> to vector<1024x128xf32>
      %add3A_37 = arith.addf %dot_general3A_32, %add3A_36 : vector<1024x128xf32>
      %max3A = arith.constant 0.000000e+00 : f32
      %max3A_38 = vector.broadcast %max3A : f32 to vector<1024x128xf32>
      %max3A_39 = arith.maximumf %add3A_37, %max3A_38 : vector<1024x128xf32>
      %get3A_40 = arith.constant 0 : index
      %get3A_41 = arith.constant 0 : index
      %get3A_42 = vector.load %arg6[%get3A_40, %get3A_41] : memref<128x128xf32, #tpu.memory_space<vmem>>, vector<128x128xf32>
      %dot_general3A_43 = arith.constant dense<0.000000e+00> : vector<1024x128xf32>
      %dot_general3A_44 = tpu.matmul %max3A_39, %get3A_42, %dot_general3A_43 {dimension_numbers = #tpu.dot_dimension_numbers<[1], [0], [0], [1], [0, 0, 1, 1], [], []>, transpose_lhs_hint = false} : vector<1024x128xf32>, vector<128x128xf32>, vector<1024x128xf32> -> vector<1024x128xf32>
      %get3A_45 = arith.constant 0 : index
      %get3A_46 = arith.constant 0 : index
      %get3A_47 = vector.load %arg7[%get3A_45, %get3A_46] : memref<1x128xf32, #tpu.memory_space<vmem>>, vector<1x128xf32>
      %add3A_48 = vector.broadcast %get3A_47 : vector<1x128xf32> to vector<1024x128xf32>
      %add3A_49 = arith.addf %dot_general3A_44, %add3A_48 : vector<1024x128xf32>
      %max3A_50 = arith.constant 0.000000e+00 : f32
      %max3A_51 = vector.broadcast %max3A_50 : f32 to vector<1024x128xf32>
      %max3A_52 = arith.maximumf %add3A_49, %max3A_51 : vector<1024x128xf32>
      %mul3A_53 = arith.constant 1024 : i32
      %mul3A_54 = arith.muli %rem3A_0, %mul3A_53 : i32
      %swap3A = arith.index_cast %mul3A_54 : i32 to index
      %swap3A_55 = arith.constant 0 : index
      %swap3A_56 = vector.load %arg11[%swap3A, %swap3A_55] : memref<10240x128xf32, #tpu.memory_space<vmem>>, vector<1024x128xf32>
      tpu.vector_store %arg11[%swap3A, %swap3A_55], %max3A_52 {strides = array<i32>} : memref<10240x128xf32, #tpu.memory_space<vmem>>, vector<1024x128xf32>,
      %mul3A_57 = arith.constant 1024 : i32
      %mul3A_58 = arith.muli %rem3A_0, %mul3A_57 : i32
      %iota3A = tpu.iota {dimensions = array<i32: 0>} : vector<1024x1xi32>
      %add3A_59 = vector.broadcast %mul3A_58 : i32 to vector<1024x1xi32>
      %add3A_60 = arith.addi %add3A_59, %iota3A : vector<1024x1xi32>
      %lt3A_61 = arith.constant 10000 : i32
      %lt3A_62 = vector.broadcast %lt3A_61 : i32 to vector<1024x1xi32>
      %lt3A_63 = arith.cmpi slt, %add3A_60, %lt3A_62 : vector<1024x1xi32>
      %jit3A = arith.constant 0.000000e+00 : f32
      %broadcast_in_dim3A = vector.shape_cast %lt3A_63 : vector<1024x1xi1> to vector<1024x1xi1>
      %broadcast_in_dim3A_64 = vector.broadcast %broadcast_in_dim3A : vector<1024x1xi1> to vector<1024x128xi1>
      %broadcast_in_dim3A_65 = vector.broadcast %jit3A : f32 to vector<1024x128xf32>
      %select_n3A = arith.select %broadcast_in_dim3A_64, %max3A_52, %broadcast_in_dim3A_65 : vector<1024x128xi1>, vector<1024x128xf32>
      %get3A_66 = arith.constant 0 : index
      %get3A_67 = arith.constant 0 : index
      %get3A_68 = vector.load %arg12[%get3A_66, %get3A_67] : memref<1x128xf32, #tpu.memory_space<vmem>>, vector<1x128xf32>
      %reduce_sum3A = arith.constant dense<0.000000e+00> : vector<128xf32>
      %reduce_sum3A_69 = vector.multi_reduction <add>, %select_n3A, %reduce_sum3A [0] : vector<1024x128xf32> to vector<128xf32>
      %broadcast_in_dim3A_70 = vector.shape_cast %reduce_sum3A_69 : vector<128xf32> to vector<1x128xf32>
      %add3A_71 = arith.addf %get3A_68, %broadcast_in_dim3A_70 : vector<1x128xf32>
      %swap3A_72 = arith.constant 0 : index
      %swap3A_73 = arith.constant 0 : index
      %swap3A_74 = vector.load %arg12[%swap3A_72, %swap3A_73] : memref<1x128xf32, #tpu.memory_space<vmem>>, vector<1x128xf32>
      tpu.vector_store %arg12[%swap3A_72, %swap3A_73], %add3A_71 {strides = array<i32>} : memref<1x128xf32, #tpu.memory_space<vmem>>, vector<1x128xf32>,
      %get3A_75 = arith.constant 0 : index
      %get3A_76 = arith.constant 0 : index
      %get3A_77 = vector.load %arg13[%get3A_75, %get3A_76] : memref<1x128xf32, #tpu.memory_space<vmem>>, vector<1x128xf32>
      %mul3A_78 = arith.mulf %select_n3A, %select_n3A : vector<1024x128xf32>
      %reduce_sum3A_79 = arith.constant dense<0.000000e+00> : vector<128xf32>
      %reduce_sum3A_80 = vector.multi_reduction <add>, %mul3A_78, %reduce_sum3A_79 [0] : vector<1024x128xf32> to vector<128xf32>
      %broadcast_in_dim3A_81 = vector.shape_cast %reduce_sum3A_80 : vector<128xf32> to vector<1x128xf32>
      %add3A_82 = arith.addf %get3A_77, %broadcast_in_dim3A_81 : vector<1x128xf32>
      %swap3A_83 = arith.constant 0 : index
      %swap3A_84 = arith.constant 0 : index
      %swap3A_85 = vector.load %arg13[%swap3A_83, %swap3A_84] : memref<1x128xf32, #tpu.memory_space<vmem>>, vector<1x128xf32>
      tpu.vector_store %arg13[%swap3A_83, %swap3A_84], %add3A_82 {strides = array<i32>} : memref<1x128xf32, #tpu.memory_space<vmem>>, vector<1x128xf32>,
    } else {
    }
    %ge3A = arith.constant 10 : i32
    %ge3A_7 = arith.cmpi sge, %arg0, %ge3A : i32
    %convert_element_type3A_8 = arith.extui %ge3A_7 : i1 to i32
    %cond3A_9 = arith.constant 0 : i32
    %cond3A_10 = arith.cmpi ne, %convert_element_type3A_8, %cond3A_9 : i32
    scf.if %cond3A_10 {
      %get3A = arith.constant 0 : index
      %get3A_11 = arith.constant 0 : index
      %get3A_12 = vector.load %arg12[%get3A, %get3A_11] : memref<1x128xf32, #tpu.memory_space<vmem>>, vector<1x128xf32>
      %mul3A = arith.constant 9.99999974E-5 : f32
      %mul3A_13 = vector.broadcast %mul3A : f32 to vector<1x128xf32>
      %mul3A_14 = arith.mulf %get3A_12, %mul3A_13 : vector<1x128xf32>
      %get3A_15 = arith.constant 0 : index
      %get3A_16 = arith.constant 0 : index
      %get3A_17 = vector.load %arg13[%get3A_15, %get3A_16] : memref<1x128xf32, #tpu.memory_space<vmem>>, vector<1x128xf32>
      %mul3A_18 = arith.constant 9.99999974E-5 : f32
      %mul3A_19 = vector.broadcast %mul3A_18 : f32 to vector<1x128xf32>
      %mul3A_20 = arith.mulf %get3A_17, %mul3A_19 : vector<1x128xf32>
      %mul3A_21 = arith.mulf %mul3A_14, %mul3A_14 : vector<1x128xf32>
      %sub3A = arith.subf %mul3A_20, %mul3A_21 : vector<1x128xf32>
      %get3A_22 = arith.constant 0 : index
      %get3A_23 = arith.constant 0 : index
      %get3A_24 = vector.load %arg8[%get3A_22, %get3A_23] : memref<1x128xf32, #tpu.memory_space<vmem>>, vector<1x128xf32>
      %add3A = arith.constant 9.99999974E-6 : f32
      %add3A_25 = vector.broadcast %add3A : f32 to vector<1x128xf32>
      %add3A_26 = arith.addf %sub3A, %add3A_25 : vector<1x128xf32>
      %rsqrt3A = math.rsqrt %add3A_26 : vector<1x128xf32>
      %mul3A_27 = arith.mulf %get3A_24, %rsqrt3A : vector<1x128xf32>
      %mul3A_28 = arith.constant 1024 : i32
      %mul3A_29 = arith.muli %rem3A_0, %mul3A_28 : i32
      %get3A_30 = arith.index_cast %mul3A_29 : i32 to index
      %get3A_31 = arith.constant 0 : index
      %get3A_32 = vector.load %arg11[%get3A_30, %get3A_31] : memref<10240x128xf32, #tpu.memory_space<vmem>>, vector<1024x128xf32>
      %sub3A_33 = vector.broadcast %mul3A_14 : vector<1x128xf32> to vector<1024x128xf32>
      %sub3A_34 = arith.subf %get3A_32, %sub3A_33 : vector<1024x128xf32>
      %mul3A_35 = vector.broadcast %mul3A_27 : vector<1x128xf32> to vector<1024x128xf32>
      %mul3A_36 = arith.mulf %sub3A_34, %mul3A_35 : vector<1024x128xf32>
      %get3A_37 = arith.constant 0 : index
      %get3A_38 = arith.constant 0 : index
      %get3A_39 = vector.load %arg9[%get3A_37, %get3A_38] : memref<1x128xf32, #tpu.memory_space<vmem>>, vector<1x128xf32>
      %add3A_40 = vector.broadcast %get3A_39 : vector<1x128xf32> to vector<1024x128xf32>
      %add3A_41 = arith.addf %mul3A_36, %add3A_40 : vector<1024x128xf32>
      %swap3A = arith.constant 0 : index
      %swap3A_42 = arith.constant 0 : index
      %swap3A_43 = vector.load %arg10[%swap3A, %swap3A_42] : memref<1024x128xf32, #tpu.memory_space<vmem>>, vector<1024x128xf32>
      tpu.vector_store %arg10[%swap3A, %swap3A_42], %add3A_41 {strides = array<i32>} : memref<1024x128xf32, #tpu.memory_space<vmem>>, vector<1024x128xf32>,
    } else {
    }
    return
  }
  func.func @transform_0(%arg0: i32) -> i32 {
    %c0_i32 = arith.constant 0 : i32
    %c0_i32_0 = arith.constant 0 : i32
    return %c0_i32 : i32
  }
  func.func @transform_1(%arg0: i32) -> (i32, i32, i32) {
    %jit3A = arith.constant 10 : i32
    %eq3A = arith.constant 0 : i32
    %eq3A_0 = arith.cmpi eq, %jit3A, %eq3A : i32
    %jit3A_1 = arith.constant 1 : i32
    %select_n3A = arith.select %eq3A_0, %jit3A_1, %jit3A : i32
    %rem3A = arith.remsi %arg0, %select_n3A : i32
    %ne3A = arith.constant 0 : i32
    %ne3A_2 = arith.cmpi ne, %rem3A, %ne3A : i32
    %lt3A = arith.constant 0 : i32
    %lt3A_3 = arith.cmpi slt, %rem3A, %lt3A : i32
    %lt3A_4 = arith.constant 0 : i32
    %lt3A_5 = arith.cmpi slt, %select_n3A, %lt3A_4 : i32
    %ne3A_6 = arith.xori %lt3A_3, %lt3A_5 : i1
    %and3A = arith.andi %ne3A_6, %ne3A_2 : i1
    %add3A = arith.addi %rem3A, %select_n3A : i32
    %select_n3A_7 = arith.select %and3A, %add3A, %rem3A : i32
    %c0_i32 = arith.constant 0 : i32
    %c0_i32_8 = arith.constant 0 : i32
    %c0_i32_9 = arith.constant 0 : i32
    return %c0_i32, %select_n3A_7, %c0_i32_8 : i32, i32, i32
  }
  func.func @transform_2(%arg0: i32) -> (i32, i32) {
    %jit3A = arith.constant 10 : i32
    %eq3A = arith.constant 0 : i32
    %eq3A_0 = arith.cmpi eq, %jit3A, %eq3A : i32
    %jit3A_1 = arith.constant 1 : i32
    %select_n3A = arith.select %eq3A_0, %jit3A_1, %jit3A : i32
    %rem3A = arith.remsi %arg0, %select_n3A : i32
    %ne3A = arith.constant 0 : i32
    %ne3A_2 = arith.cmpi ne, %rem3A, %ne3A : i32
    %lt3A = arith.constant 0 : i32
    %lt3A_3 = arith.cmpi slt, %rem3A, %lt3A : i32
    %lt3A_4 = arith.constant 0 : i32
    %lt3A_5 = arith.cmpi slt, %select_n3A, %lt3A_4 : i32
    %ne3A_6 = arith.xori %lt3A_3, %lt3A_5 : i1
    %and3A = arith.andi %ne3A_6, %ne3A_2 : i1
    %add3A = arith.addi %rem3A, %select_n3A : i32
    %select_n3A_7 = arith.select %and3A, %add3A, %rem3A : i32
    %c0_i32 = arith.constant 0 : i32
    %c0_i32_8 = arith.constant 0 : i32
    return %select_n3A_7, %c0_i32 : i32, i32
  }
  func.func @transform_3(%arg0: i32) -> (i32, i32) {
    %c0_i32 = arith.constant 0 : i32
    %c0_i32_0 = arith.constant 0 : i32
    %c0_i32_1 = arith.constant 0 : i32
    return %c0_i32, %c0_i32_0 : i32, i32
  }
  func.func @transform_4(%arg0: i32) -> (i32, i32) {
    %c0_i32 = arith.constant 0 : i32
    %c0_i32_0 = arith.constant 0 : i32
    %c0_i32_1 = arith.constant 0 : i32
    return %c0_i32, %c0_i32_0 : i32, i32
  }
  func.func @transform_5(%arg0: i32) -> (i32, i32) {
    %c0_i32 = arith.constant 0 : i32
    %c0_i32_0 = arith.constant 0 : i32
    %c0_i32_1 = arith.constant 0 : i32
    return %c0_i32, %c0_i32_0 : i32, i32
  }
  func.func @transform_6(%arg0: i32) -> (i32, i32) {
    %c0_i32 = arith.constant 0 : i32
    %c0_i32_0 = arith.constant 0 : i32
    %c0_i32_1 = arith.constant 0 : i32
    return %c0_i32, %c0_i32_0 : i32, i32
  }
  func.func @transform_7(%arg0: i32) -> (i32, i32) {
    %c0_i32 = arith.constant 0 : i32
    %c0_i32_0 = arith.constant 0 : i32
    %c0_i32_1 = arith.constant 0 : i32
    return %c0_i32, %c0_i32_0 : i32, i32
  }
  func.func @transform_8(%arg0: i32) -> (i32, i32) {
    %c0_i32 = arith.constant 0 : i32
    %c0_i32_0 = arith.constant 0 : i32
    %c0_i32_1 = arith.constant 0 : i32
    return %c0_i32, %c0_i32_0 : i32, i32
  }
  func.func @transform_9(%arg0: i32) -> (i32, i32) {
    %jit3A = arith.constant 10 : i32
    %eq3A = arith.constant 0 : i32
    %eq3A_0 = arith.cmpi eq, %jit3A, %eq3A : i32
    %jit3A_1 = arith.constant 1 : i32
    %select_n3A = arith.select %eq3A_0, %jit3A_1, %jit3A : i32
    %rem3A = arith.remsi %arg0, %select_n3A : i32
    %ne3A = arith.constant 0 : i32
    %ne3A_2 = arith.cmpi ne, %rem3A, %ne3A : i32
    %lt3A = arith.constant 0 : i32
    %lt3A_3 = arith.cmpi slt, %rem3A, %lt3A : i32
    %lt3A_4 = arith.constant 0 : i32
    %lt3A_5 = arith.cmpi slt, %select_n3A, %lt3A_4 : i32
    %ne3A_6 = arith.xori %lt3A_3, %lt3A_5 : i1
    %and3A = arith.andi %ne3A_6, %ne3A_2 : i1
    %add3A = arith.addi %rem3A, %select_n3A : i32
    %select_n3A_7 = arith.select %and3A, %add3A, %rem3A : i32
    %c0_i32 = arith.constant 0 : i32
    %c0_i32_8 = arith.constant 0 : i32
    return %select_n3A_7, %c0_i32 : i32, i32
  }
}

module attributes {stable_mosaic.version = 14 : i64} {
  func.func @_mlp_body(%arg0: i32, %arg1: memref<1xf32, #tpu.memory_space<smem>>, %arg2: memref<2x1024x128xf32, #tpu.memory_space<vmem>>, %arg3: memref<1024x128xf32, #tpu.memory_space<vmem>>, %arg4: memref<128x128xf32, #tpu.memory_space<vmem>>, %arg5: memref<1x128xf32, #tpu.memory_space<vmem>>, %arg6: memref<128x128xf32, #tpu.memory_space<vmem>>, %arg7: memref<1x128xf32, #tpu.memory_space<vmem>>, %arg8: memref<1024x128xf32, #tpu.memory_space<vmem>>, %arg9: memref<1x128xf32, #tpu.memory_space<vmem>>, %arg10: memref<1x128xf32, #tpu.memory_space<vmem>>, %arg11: memref<1x128xf32, #tpu.memory_space<vmem>>, %arg12: memref<1x128xf32, #tpu.memory_space<vmem>>) attributes {dimension_semantics = [#tpu.dimension_semantics<arbitrary>], iteration_bounds = array<i64: 10>, scalar_prefetch = 0 : i64, scratch_operands = 2 : i64, tpu.core_type = #tpu.core_type<tc>, window_params = [{transform_indices = @transform_0, window_bounds = array<i64: 1>}, {transform_indices = @transform_1, window_bounds = array<i64: 2, 1024, 128>}, {transform_indices = @transform_2, window_bounds = array<i64: 1024, 128>}, {pipeline_mode = #tpu.pipeline_mode<synchronous>, transform_indices = @transform_3, window_bounds = array<i64: 128, 128>}, {pipeline_mode = #tpu.pipeline_mode<synchronous>, transform_indices = @transform_4, window_bounds = array<i64: 1, 128>}, {pipeline_mode = #tpu.pipeline_mode<synchronous>, transform_indices = @transform_5, window_bounds = array<i64: 128, 128>}, {pipeline_mode = #tpu.pipeline_mode<synchronous>, transform_indices = @transform_6, window_bounds = array<i64: 1, 128>}, {transform_indices = @transform_7, window_bounds = array<i64: 1024, 128>}, {pipeline_mode = #tpu.pipeline_mode<synchronous>, transform_indices = @transform_8, window_bounds = array<i64: 1, 128>}, {pipeline_mode = #tpu.pipeline_mode<synchronous>, transform_indices = @transform_9, window_bounds = array<i64: 1, 128>}]} {
    %get3A = arith.constant 0 : index
    %get3A_0 = arith.constant 0 : index
    %get3A_1 = arith.constant 0 : index
    %get3A_2 = vector.load %arg2[%get3A, %get3A_0, %get3A_1] : memref<2x1024x128xf32, #tpu.memory_space<vmem>>, vector<1x1024x128xf32>
    %get3A_3 = vector.shape_cast %get3A_2 : vector<1x1024x128xf32> to vector<1024x128xf32>
    %get3A_4 = arith.constant 1 : index
    %get3A_5 = arith.constant 0 : index
    %get3A_6 = arith.constant 0 : index
    %get3A_7 = vector.load %arg2[%get3A_4, %get3A_5, %get3A_6] : memref<2x1024x128xf32, #tpu.memory_space<vmem>>, vector<1x1024x128xf32>
    %get3A_8 = vector.shape_cast %get3A_7 : vector<1x1024x128xf32> to vector<1024x128xf32>
    %add3A = arith.addf %get3A_3, %get3A_8 : vector<1024x128xf32>
    %get3A_9 = arith.constant 0 : index
    %get3A_10 = memref.load %arg1[%get3A_9] : memref<1xf32, #tpu.memory_space<smem>>
    %add3A_11 = arith.constant 1.000000e+00 : f32
    %add3A_12 = arith.addf %add3A_11, %get3A_10 : f32
    %get3A_13 = arith.constant 0 : index
    %get3A_14 = arith.constant 0 : index
    %get3A_15 = vector.load %arg3[%get3A_13, %get3A_14] : memref<1024x128xf32, #tpu.memory_space<vmem>>, vector<1024x128xf32>
    %mul3A = vector.broadcast %add3A_12 : f32 to vector<1024x128xf32>
    %mul3A_16 = arith.mulf %mul3A, %get3A_15 : vector<1024x128xf32>
    %add3A_17 = arith.addf %add3A, %mul3A_16 : vector<1024x128xf32>
    %get3A_18 = arith.constant 0 : index
    %get3A_19 = arith.constant 0 : index
    %get3A_20 = vector.load %arg4[%get3A_18, %get3A_19] : memref<128x128xf32, #tpu.memory_space<vmem>>, vector<128x128xf32>
    %dot_general3A = arith.constant dense<0.000000e+00> : vector<1024x128xf32>
    %dot_general3A_21 = tpu.matmul %add3A_17, %get3A_20, %dot_general3A {dimension_numbers = #tpu.dot_dimension_numbers<[1], [0], [0], [1], [0, 0, 1, 1], [], []>, transpose_lhs_hint = false} : vector<1024x128xf32>, vector<128x128xf32>, vector<1024x128xf32> -> vector<1024x128xf32>
    %get3A_22 = arith.constant 0 : index
    %get3A_23 = arith.constant 0 : index
    %get3A_24 = vector.load %arg5[%get3A_22, %get3A_23] : memref<1x128xf32, #tpu.memory_space<vmem>>, vector<1x128xf32>
    %add3A_25 = vector.broadcast %get3A_24 : vector<1x128xf32> to vector<1024x128xf32>
    %add3A_26 = arith.addf %dot_general3A_21, %add3A_25 : vector<1024x128xf32>
    %max3A = arith.constant 0.000000e+00 : f32
    %max3A_27 = vector.broadcast %max3A : f32 to vector<1024x128xf32>
    %max3A_28 = arith.maximumf %add3A_26, %max3A_27 : vector<1024x128xf32>
    %get3A_29 = arith.constant 0 : index
    %get3A_30 = arith.constant 0 : index
    %get3A_31 = vector.load %arg6[%get3A_29, %get3A_30] : memref<128x128xf32, #tpu.memory_space<vmem>>, vector<128x128xf32>
    %dot_general3A_32 = arith.constant dense<0.000000e+00> : vector<1024x128xf32>
    %dot_general3A_33 = tpu.matmul %max3A_28, %get3A_31, %dot_general3A_32 {dimension_numbers = #tpu.dot_dimension_numbers<[1], [0], [0], [1], [0, 0, 1, 1], [], []>, transpose_lhs_hint = false} : vector<1024x128xf32>, vector<128x128xf32>, vector<1024x128xf32> -> vector<1024x128xf32>
    %get3A_34 = arith.constant 0 : index
    %get3A_35 = arith.constant 0 : index
    %get3A_36 = vector.load %arg7[%get3A_34, %get3A_35] : memref<1x128xf32, #tpu.memory_space<vmem>>, vector<1x128xf32>
    %add3A_37 = vector.broadcast %get3A_36 : vector<1x128xf32> to vector<1024x128xf32>
    %add3A_38 = arith.addf %dot_general3A_33, %add3A_37 : vector<1024x128xf32>
    %max3A_39 = arith.constant 0.000000e+00 : f32
    %max3A_40 = vector.broadcast %max3A_39 : f32 to vector<1024x128xf32>
    %max3A_41 = arith.maximumf %add3A_38, %max3A_40 : vector<1024x128xf32>
    %swap3A = arith.constant 0 : index
    %swap3A_42 = arith.constant 0 : index
    %swap3A_43 = vector.load %arg8[%swap3A, %swap3A_42] : memref<1024x128xf32, #tpu.memory_space<vmem>>, vector<1024x128xf32>
    tpu.vector_store %arg8[%swap3A, %swap3A_42], %max3A_41 {strides = array<i32>} : memref<1024x128xf32, #tpu.memory_space<vmem>>, vector<1024x128xf32>,
    %mul3A_44 = arith.constant 1024 : i32
    %mul3A_45 = arith.muli %arg0, %mul3A_44 : i32
    %iota3A = tpu.iota {dimensions = array<i32: 0>} : vector<1024x1xi32>
    %add3A_46 = vector.broadcast %mul3A_45 : i32 to vector<1024x1xi32>
    %add3A_47 = arith.addi %add3A_46, %iota3A : vector<1024x1xi32>
    %lt3A = arith.constant 10000 : i32
    %lt3A_48 = vector.broadcast %lt3A : i32 to vector<1024x1xi32>
    %lt3A_49 = arith.cmpi slt, %add3A_47, %lt3A_48 : vector<1024x1xi32>
    %jit3A = arith.constant 0.000000e+00 : f32
    %broadcast_in_dim3A = vector.shape_cast %lt3A_49 : vector<1024x1xi1> to vector<1024x1xi1>
    %broadcast_in_dim3A_50 = vector.broadcast %broadcast_in_dim3A : vector<1024x1xi1> to vector<1024x128xi1>
    %broadcast_in_dim3A_51 = vector.broadcast %jit3A : f32 to vector<1024x128xf32>
    %select_n3A = arith.select %broadcast_in_dim3A_50, %max3A_41, %broadcast_in_dim3A_51 : vector<1024x128xi1>, vector<1024x128xf32>
    %eq3A = arith.constant 0 : i32
    %eq3A_52 = arith.cmpi eq, %arg0, %eq3A : i32
    %convert_element_type3A = arith.extui %eq3A_52 : i1 to i32
    %cond3A = arith.constant 0 : i32
    %cond3A_53 = arith.cmpi ne, %convert_element_type3A, %cond3A : i32
    scf.if %cond3A_53 {
      %broadcast_in_dim3A_79 = arith.constant 0.000000e+00 : f32
      %broadcast_in_dim3A_80 = vector.broadcast %broadcast_in_dim3A_79 : f32 to vector<1x128xf32>
      %swap3A_81 = arith.constant 0 : index
      %swap3A_82 = arith.constant 0 : index
      %swap3A_83 = vector.load %arg11[%swap3A_81, %swap3A_82] : memref<1x128xf32, #tpu.memory_space<vmem>>, vector<1x128xf32>
      tpu.vector_store %arg11[%swap3A_81, %swap3A_82], %broadcast_in_dim3A_80 {strides = array<i32>} : memref<1x128xf32, #tpu.memory_space<vmem>>, vector<1x128xf32>,
      %broadcast_in_dim3A_84 = arith.constant 0.000000e+00 : f32
      %broadcast_in_dim3A_85 = vector.broadcast %broadcast_in_dim3A_84 : f32 to vector<1x128xf32>
      %swap3A_86 = arith.constant 0 : index
      %swap3A_87 = arith.constant 0 : index
      %swap3A_88 = vector.load %arg12[%swap3A_86, %swap3A_87] : memref<1x128xf32, #tpu.memory_space<vmem>>, vector<1x128xf32>
      tpu.vector_store %arg12[%swap3A_86, %swap3A_87], %broadcast_in_dim3A_85 {strides = array<i32>} : memref<1x128xf32, #tpu.memory_space<vmem>>, vector<1x128xf32>,
    } else {
    }
    %get3A_54 = arith.constant 0 : index
    %get3A_55 = arith.constant 0 : index
    %get3A_56 = vector.load %arg11[%get3A_54, %get3A_55] : memref<1x128xf32, #tpu.memory_space<vmem>>, vector<1x128xf32>
    %reduce_sum3A = arith.constant dense<0.000000e+00> : vector<128xf32>
    %reduce_sum3A_57 = vector.multi_reduction <add>, %select_n3A, %reduce_sum3A [0] : vector<1024x128xf32> to vector<128xf32>
    %broadcast_in_dim3A_58 = vector.shape_cast %reduce_sum3A_57 : vector<128xf32> to vector<1x128xf32>
    %add3A_59 = arith.addf %get3A_56, %broadcast_in_dim3A_58 : vector<1x128xf32>
    %swap3A_60 = arith.constant 0 : index
    %swap3A_61 = arith.constant 0 : index
    %swap3A_62 = vector.load %arg11[%swap3A_60, %swap3A_61] : memref<1x128xf32, #tpu.memory_space<vmem>>, vector<1x128xf32>
    tpu.vector_store %arg11[%swap3A_60, %swap3A_61], %add3A_59 {strides = array<i32>} : memref<1x128xf32, #tpu.memory_space<vmem>>, vector<1x128xf32>,
    %get3A_63 = arith.constant 0 : index
    %get3A_64 = arith.constant 0 : index
    %get3A_65 = vector.load %arg12[%get3A_63, %get3A_64] : memref<1x128xf32, #tpu.memory_space<vmem>>, vector<1x128xf32>
    %mul3A_66 = arith.mulf %select_n3A, %select_n3A : vector<1024x128xf32>
    %reduce_sum3A_67 = arith.constant dense<0.000000e+00> : vector<128xf32>
    %reduce_sum3A_68 = vector.multi_reduction <add>, %mul3A_66, %reduce_sum3A_67 [0] : vector<1024x128xf32> to vector<128xf32>
    %broadcast_in_dim3A_69 = vector.shape_cast %reduce_sum3A_68 : vector<128xf32> to vector<1x128xf32>
    %add3A_70 = arith.addf %get3A_65, %broadcast_in_dim3A_69 : vector<1x128xf32>
    %swap3A_71 = arith.constant 0 : index
    %swap3A_72 = arith.constant 0 : index
    %swap3A_73 = vector.load %arg12[%swap3A_71, %swap3A_72] : memref<1x128xf32, #tpu.memory_space<vmem>>, vector<1x128xf32>
    tpu.vector_store %arg12[%swap3A_71, %swap3A_72], %add3A_70 {strides = array<i32>} : memref<1x128xf32, #tpu.memory_space<vmem>>, vector<1x128xf32>,
    %eq3A_74 = arith.constant 9 : i32
    %eq3A_75 = arith.cmpi eq, %arg0, %eq3A_74 : i32
    %convert_element_type3A_76 = arith.extui %eq3A_75 : i1 to i32
    %cond3A_77 = arith.constant 0 : i32
    %cond3A_78 = arith.cmpi ne, %convert_element_type3A_76, %cond3A_77 : i32
    scf.if %cond3A_78 {
      %get3A_79 = arith.constant 0 : index
      %get3A_80 = arith.constant 0 : index
      %get3A_81 = vector.load %arg11[%get3A_79, %get3A_80] : memref<1x128xf32, #tpu.memory_space<vmem>>, vector<1x128xf32>
      %swap3A_82 = arith.constant 0 : index
      %swap3A_83 = arith.constant 0 : index
      %swap3A_84 = vector.load %arg9[%swap3A_82, %swap3A_83] : memref<1x128xf32, #tpu.memory_space<vmem>>, vector<1x128xf32>
      tpu.vector_store %arg9[%swap3A_82, %swap3A_83], %get3A_81 {strides = array<i32>} : memref<1x128xf32, #tpu.memory_space<vmem>>, vector<1x128xf32>,
      %get3A_85 = arith.constant 0 : index
      %get3A_86 = arith.constant 0 : index
      %get3A_87 = vector.load %arg12[%get3A_85, %get3A_86] : memref<1x128xf32, #tpu.memory_space<vmem>>, vector<1x128xf32>
      %swap3A_88 = arith.constant 0 : index
      %swap3A_89 = arith.constant 0 : index
      %swap3A_90 = vector.load %arg10[%swap3A_88, %swap3A_89] : memref<1x128xf32, #tpu.memory_space<vmem>>, vector<1x128xf32>
      tpu.vector_store %arg10[%swap3A_88, %swap3A_89], %get3A_87 {strides = array<i32>} : memref<1x128xf32, #tpu.memory_space<vmem>>, vector<1x128xf32>,
    } else {
    }
    return
  }
  func.func @transform_0(%arg0: i32) -> i32 {
    %c0_i32 = arith.constant 0 : i32
    %c0_i32_0 = arith.constant 0 : i32
    return %c0_i32 : i32
  }
  func.func @transform_1(%arg0: i32) -> (i32, i32, i32) {
    %c0_i32 = arith.constant 0 : i32
    %c0_i32_0 = arith.constant 0 : i32
    %c0_i32_1 = arith.constant 0 : i32
    return %c0_i32, %arg0, %c0_i32_0 : i32, i32, i32
  }
  func.func @transform_2(%arg0: i32) -> (i32, i32) {
    %c0_i32 = arith.constant 0 : i32
    %c0_i32_0 = arith.constant 0 : i32
    return %arg0, %c0_i32 : i32, i32
  }
  func.func @transform_3(%arg0: i32) -> (i32, i32) {
    %c0_i32 = arith.constant 0 : i32
    %c0_i32_0 = arith.constant 0 : i32
    %c0_i32_1 = arith.constant 0 : i32
    return %c0_i32, %c0_i32_0 : i32, i32
  }
  func.func @transform_4(%arg0: i32) -> (i32, i32) {
    %c0_i32 = arith.constant 0 : i32
    %c0_i32_0 = arith.constant 0 : i32
    %c0_i32_1 = arith.constant 0 : i32
    return %c0_i32, %c0_i32_0 : i32, i32
  }
  func.func @transform_5(%arg0: i32) -> (i32, i32) {
    %c0_i32 = arith.constant 0 : i32
    %c0_i32_0 = arith.constant 0 : i32
    %c0_i32_1 = arith.constant 0 : i32
    return %c0_i32, %c0_i32_0 : i32, i32
  }
  func.func @transform_6(%arg0: i32) -> (i32, i32) {
    %c0_i32 = arith.constant 0 : i32
    %c0_i32_0 = arith.constant 0 : i32
    %c0_i32_1 = arith.constant 0 : i32
    return %c0_i32, %c0_i32_0 : i32, i32
  }
  func.func @transform_7(%arg0: i32) -> (i32, i32) {
    %c0_i32 = arith.constant 0 : i32
    %c0_i32_0 = arith.constant 0 : i32
    return %arg0, %c0_i32 : i32, i32
  }
  func.func @transform_8(%arg0: i32) -> (i32, i32) {
    %c0_i32 = arith.constant 0 : i32
    %c0_i32_0 = arith.constant 0 : i32
    %c0_i32_1 = arith.constant 0 : i32
    return %c0_i32, %c0_i32_0 : i32, i32
  }
  func.func @transform_9(%arg0: i32) -> (i32, i32) {
    %c0_i32 = arith.constant 0 : i32
    %c0_i32_0 = arith.constant 0 : i32
    %c0_i32_1 = arith.constant 0 : i32
    return %c0_i32, %c0_i32_0 : i32, i32
  }
}

module attributes {stable_mosaic.version = 14 : i64} {
  func.func @_pool_body(%arg0: i32, %arg1: memref<1024x128xf32, #tpu.memory_space<vmem>>, %arg2: memref<1x128xf32, #tpu.memory_space<vmem>>, %arg3: memref<1x128xf32, #tpu.memory_space<vmem>>, %arg4: memref<1x128xf32, #tpu.memory_space<vmem>>, %arg5: memref<1x128xf32, #tpu.memory_space<vmem>>, %arg6: memref<1x1x1024xi32, #tpu.memory_space<vmem>>, %arg7: memref<128x128xf32, #tpu.memory_space<vmem>>, %arg8: memref<1x128xf32, #tpu.memory_space<vmem>>, %arg9: memref<128x128xf32, #tpu.memory_space<vmem>>, %arg10: memref<1x128xf32, #tpu.memory_space<vmem>>, %arg11: memref<64x128xf32, #tpu.memory_space<vmem>>, %arg12: memref<64x128xf32, #tpu.memory_space<vmem>>, %arg13: memref<64x128xf32, #tpu.memory_space<vmem>>, %arg14: memref<64x128xf32, #tpu.memory_space<vmem>>) attributes {dimension_semantics = [#tpu.dimension_semantics<arbitrary>], iteration_bounds = array<i64: 10>, scalar_prefetch = 0 : i64, scratch_operands = 2 : i64, tpu.core_type = #tpu.core_type<tc>, window_params = [{transform_indices = @transform_0, window_bounds = array<i64: 1024, 128>}, {pipeline_mode = #tpu.pipeline_mode<synchronous>, transform_indices = @transform_1, window_bounds = array<i64: 1, 128>}, {pipeline_mode = #tpu.pipeline_mode<synchronous>, transform_indices = @transform_2, window_bounds = array<i64: 1, 128>}, {pipeline_mode = #tpu.pipeline_mode<synchronous>, transform_indices = @transform_3, window_bounds = array<i64: 1, 128>}, {pipeline_mode = #tpu.pipeline_mode<synchronous>, transform_indices = @transform_4, window_bounds = array<i64: 1, 128>}, {transform_indices = @transform_5, window_bounds = array<i64: 1, 1, 1024>}, {pipeline_mode = #tpu.pipeline_mode<synchronous>, transform_indices = @transform_6, window_bounds = array<i64: 128, 128>}, {pipeline_mode = #tpu.pipeline_mode<synchronous>, transform_indices = @transform_7, window_bounds = array<i64: 1, 128>}, {pipeline_mode = #tpu.pipeline_mode<synchronous>, transform_indices = @transform_8, window_bounds = array<i64: 128, 128>}, {pipeline_mode = #tpu.pipeline_mode<synchronous>, transform_indices = @transform_9, window_bounds = array<i64: 1, 128>}, {pipeline_mode = #tpu.pipeline_mode<synchronous>, transform_indices = @transform_10, window_bounds = array<i64: 64, 128>}, {pipeline_mode = #tpu.pipeline_mode<synchronous>, transform_indices = @transform_11, window_bounds = array<i64: 64, 128>}]} {
    %eq3A = arith.constant 0 : i32
    %eq3A_0 = arith.cmpi eq, %arg0, %eq3A : i32
    %convert_element_type3A = arith.extui %eq3A_0 : i1 to i32
    %cond3A = arith.constant 0 : i32
    %cond3A_1 = arith.cmpi ne, %convert_element_type3A, %cond3A : i32
    scf.if %cond3A_1 {
      %broadcast_in_dim3A_62 = arith.constant 0.000000e+00 : f32
      %broadcast_in_dim3A_63 = vector.broadcast %broadcast_in_dim3A_62 : f32 to vector<64x128xf32>
      %swap3A_64 = arith.constant 0 : index
      %swap3A_65 = arith.constant 0 : index
      %swap3A_66 = vector.load %arg13[%swap3A_64, %swap3A_65] : memref<64x128xf32, #tpu.memory_space<vmem>>, vector<64x128xf32>
      tpu.vector_store %arg13[%swap3A_64, %swap3A_65], %broadcast_in_dim3A_63 {strides = array<i32>} : memref<64x128xf32, #tpu.memory_space<vmem>>, vector<64x128xf32>,
      %broadcast_in_dim3A_67 = arith.constant 0.000000e+00 : f32
      %broadcast_in_dim3A_68 = vector.broadcast %broadcast_in_dim3A_67 : f32 to vector<64x128xf32>
      %swap3A_69 = arith.constant 0 : index
      %swap3A_70 = arith.constant 0 : index
      %swap3A_71 = vector.load %arg14[%swap3A_69, %swap3A_70] : memref<64x128xf32, #tpu.memory_space<vmem>>, vector<64x128xf32>
      tpu.vector_store %arg14[%swap3A_69, %swap3A_70], %broadcast_in_dim3A_68 {strides = array<i32>} : memref<64x128xf32, #tpu.memory_space<vmem>>, vector<64x128xf32>,
    } else {
    }
    %get3A = arith.constant 0 : index
    %get3A_2 = arith.constant 0 : index
    %get3A_3 = vector.load %arg2[%get3A, %get3A_2] : memref<1x128xf32, #tpu.memory_space<vmem>>, vector<1x128xf32>
    %mul3A = arith.constant 9.99999974E-5 : f32
    %mul3A_4 = vector.broadcast %mul3A : f32 to vector<1x128xf32>
    %mul3A_5 = arith.mulf %get3A_3, %mul3A_4 : vector<1x128xf32>
    %get3A_6 = arith.constant 0 : index
    %get3A_7 = arith.constant 0 : index
    %get3A_8 = vector.load %arg3[%get3A_6, %get3A_7] : memref<1x128xf32, #tpu.memory_space<vmem>>, vector<1x128xf32>
    %mul3A_9 = arith.constant 9.99999974E-5 : f32
    %mul3A_10 = vector.broadcast %mul3A_9 : f32 to vector<1x128xf32>
    %mul3A_11 = arith.mulf %get3A_8, %mul3A_10 : vector<1x128xf32>
    %mul3A_12 = arith.mulf %mul3A_5, %mul3A_5 : vector<1x128xf32>
    %sub3A = arith.subf %mul3A_11, %mul3A_12 : vector<1x128xf32>
    %get3A_13 = arith.constant 0 : index
    %get3A_14 = arith.constant 0 : index
    %get3A_15 = vector.load %arg4[%get3A_13, %get3A_14] : memref<1x128xf32, #tpu.memory_space<vmem>>, vector<1x128xf32>
    %add3A = arith.constant 9.99999974E-6 : f32
    %add3A_16 = vector.broadcast %add3A : f32 to vector<1x128xf32>
    %add3A_17 = arith.addf %sub3A, %add3A_16 : vector<1x128xf32>
    %rsqrt3A = math.rsqrt %add3A_17 : vector<1x128xf32>
    %mul3A_18 = arith.mulf %get3A_15, %rsqrt3A : vector<1x128xf32>
    %get3A_19 = arith.constant 0 : index
    %get3A_20 = arith.constant 0 : index
    %get3A_21 = vector.load %arg1[%get3A_19, %get3A_20] : memref<1024x128xf32, #tpu.memory_space<vmem>>, vector<1024x128xf32>
    %sub3A_22 = vector.broadcast %mul3A_5 : vector<1x128xf32> to vector<1024x128xf32>
    %sub3A_23 = arith.subf %get3A_21, %sub3A_22 : vector<1024x128xf32>
    %mul3A_24 = vector.broadcast %mul3A_18 : vector<1x128xf32> to vector<1024x128xf32>
    %mul3A_25 = arith.mulf %sub3A_23, %mul3A_24 : vector<1024x128xf32>
    %get3A_26 = arith.constant 0 : index
    %get3A_27 = arith.constant 0 : index
    %get3A_28 = vector.load %arg5[%get3A_26, %get3A_27] : memref<1x128xf32, #tpu.memory_space<vmem>>, vector<1x128xf32>
    %add3A_29 = vector.broadcast %get3A_28 : vector<1x128xf32> to vector<1024x128xf32>
    %add3A_30 = arith.addf %mul3A_25, %add3A_29 : vector<1024x128xf32>
    %get3A_31 = arith.constant 0 : index
    %get3A_32 = arith.constant 0 : index
    %get3A_33 = arith.constant 0 : index
    %get3A_34 = vector.load %arg6[%get3A_31, %get3A_32, %get3A_33] : memref<1x1x1024xi32, #tpu.memory_space<vmem>>, vector<1x1x1024xi32>
    %get3A_35 = vector.shape_cast %get3A_34 : vector<1x1x1024xi32> to vector<1x1024xi32>
    %iota3A = tpu.iota {dimensions = array<i32: 0>} : vector<64x1024xi32>
    %eq3A_36 = vector.broadcast %get3A_35 : vector<1x1024xi32> to vector<64x1024xi32>
    %eq3A_37 = arith.cmpi eq, %iota3A, %eq3A_36 : vector<64x1024xi32>
    %convert_element_type3A_38 = arith.extui %eq3A_37 : vector<64x1024xi1> to vector<64x1024xi32>
    %convert_element_type3A_39 = arith.sitofp %convert_element_type3A_38 : vector<64x1024xi32> to vector<64x1024xf32>
    %get3A_40 = arith.constant 0 : index
    %get3A_41 = arith.constant 0 : index
    %get3A_42 = vector.load %arg13[%get3A_40, %get3A_41] : memref<64x128xf32, #tpu.memory_space<vmem>>, vector<64x128xf32>
    %dot_general3A = arith.constant dense<0.000000e+00> : vector<64x128xf32>
    %dot_general3A_43 = tpu.matmul %convert_element_type3A_39, %add3A_30, %dot_general3A {dimension_numbers = #tpu.dot_dimension_numbers<[1], [0], [0], [1], [0, 0, 1, 1], [], []>, transpose_lhs_hint = false} : vector<64x1024xf32>, vector<1024x128xf32>, vector<64x128xf32> -> vector<64x128xf32>
    %add3A_44 = arith.addf %get3A_42, %dot_general3A_43 : vector<64x128xf32>
    %swap3A = arith.constant 0 : index
    %swap3A_45 = arith.constant 0 : index
    %swap3A_46 = vector.load %arg13[%swap3A, %swap3A_45] : memref<64x128xf32, #tpu.memory_space<vmem>>, vector<64x128xf32>
    tpu.vector_store %arg13[%swap3A, %swap3A_45], %add3A_44 {strides = array<i32>} : memref<64x128xf32, #tpu.memory_space<vmem>>, vector<64x128xf32>,
    %get3A_47 = arith.constant 0 : index
    %get3A_48 = arith.constant 0 : index
    %get3A_49 = vector.load %arg14[%get3A_47, %get3A_48] : memref<64x128xf32, #tpu.memory_space<vmem>>, vector<64x128xf32>
    %broadcast_in_dim3A = arith.constant 1.000000e+00 : f32
    %broadcast_in_dim3A_50 = vector.broadcast %broadcast_in_dim3A : f32 to vector<1024x128xf32>
    %dot_general3A_51 = arith.constant dense<0.000000e+00> : vector<64x128xf32>
    %dot_general3A_52 = tpu.matmul %convert_element_type3A_39, %broadcast_in_dim3A_50, %dot_general3A_51 {dimension_numbers = #tpu.dot_dimension_numbers<[1], [0], [0], [1], [0, 0, 1, 1], [], []>, transpose_lhs_hint = false} : vector<64x1024xf32>, vector<1024x128xf32>, vector<64x128xf32> -> vector<64x128xf32>
    %add3A_53 = arith.addf %get3A_49, %dot_general3A_52 : vector<64x128xf32>
    %swap3A_54 = arith.constant 0 : index
    %swap3A_55 = arith.constant 0 : index
    %swap3A_56 = vector.load %arg14[%swap3A_54, %swap3A_55] : memref<64x128xf32, #tpu.memory_space<vmem>>, vector<64x128xf32>
    tpu.vector_store %arg14[%swap3A_54, %swap3A_55], %add3A_53 {strides = array<i32>} : memref<64x128xf32, #tpu.memory_space<vmem>>, vector<64x128xf32>,
    %eq3A_57 = arith.constant 9 : i32
    %eq3A_58 = arith.cmpi eq, %arg0, %eq3A_57 : i32
    %convert_element_type3A_59 = arith.extui %eq3A_58 : i1 to i32
    %cond3A_60 = arith.constant 0 : i32
    %cond3A_61 = arith.cmpi ne, %convert_element_type3A_59, %cond3A_60 : i32
    scf.if %cond3A_61 {
      %get3A_62 = arith.constant 0 : index
      %get3A_63 = arith.constant 0 : index
      %get3A_64 = vector.load %arg13[%get3A_62, %get3A_63] : memref<64x128xf32, #tpu.memory_space<vmem>>, vector<64x128xf32>
      %get3A_65 = arith.constant 0 : index
      %get3A_66 = arith.constant 0 : index
      %get3A_67 = vector.load %arg14[%get3A_65, %get3A_66] : memref<64x128xf32, #tpu.memory_space<vmem>>, vector<64x128xf32>
      %max3A = arith.constant 1.000000e+00 : f32
      %max3A_68 = vector.broadcast %max3A : f32 to vector<64x128xf32>
      %max3A_69 = arith.maximumf %get3A_67, %max3A_68 : vector<64x128xf32>
      %div3A = arith.divf %get3A_64, %max3A_69 : vector<64x128xf32>
      %swap3A_70 = arith.constant 0 : index
      %swap3A_71 = arith.constant 0 : index
      %swap3A_72 = vector.load %arg11[%swap3A_70, %swap3A_71] : memref<64x128xf32, #tpu.memory_space<vmem>>, vector<64x128xf32>
      tpu.vector_store %arg11[%swap3A_70, %swap3A_71], %div3A {strides = array<i32>} : memref<64x128xf32, #tpu.memory_space<vmem>>, vector<64x128xf32>,
      %get3A_73 = arith.constant 0 : index
      %get3A_74 = arith.constant 0 : index
      %get3A_75 = vector.load %arg7[%get3A_73, %get3A_74] : memref<128x128xf32, #tpu.memory_space<vmem>>, vector<128x128xf32>
      %dot_general3A_76 = arith.constant dense<0.000000e+00> : vector<64x128xf32>
      %dot_general3A_77 = tpu.matmul %div3A, %get3A_75, %dot_general3A_76 {dimension_numbers = #tpu.dot_dimension_numbers<[1], [0], [0], [1], [0, 0, 1, 1], [], []>, transpose_lhs_hint = false} : vector<64x128xf32>, vector<128x128xf32>, vector<64x128xf32> -> vector<64x128xf32>
      %get3A_78 = arith.constant 0 : index
      %get3A_79 = arith.constant 0 : index
      %get3A_80 = vector.load %arg8[%get3A_78, %get3A_79] : memref<1x128xf32, #tpu.memory_space<vmem>>, vector<1x128xf32>
      %add3A_81 = vector.broadcast %get3A_80 : vector<1x128xf32> to vector<64x128xf32>
      %add3A_82 = arith.addf %dot_general3A_77, %add3A_81 : vector<64x128xf32>
      %max3A_83 = arith.constant 0.000000e+00 : f32
      %max3A_84 = vector.broadcast %max3A_83 : f32 to vector<64x128xf32>
      %max3A_85 = arith.maximumf %add3A_82, %max3A_84 : vector<64x128xf32>
      %get3A_86 = arith.constant 0 : index
      %get3A_87 = arith.constant 0 : index
      %get3A_88 = vector.load %arg9[%get3A_86, %get3A_87] : memref<128x128xf32, #tpu.memory_space<vmem>>, vector<128x128xf32>
      %dot_general3A_89 = arith.constant dense<0.000000e+00> : vector<64x128xf32>
      %dot_general3A_90 = tpu.matmul %max3A_85, %get3A_88, %dot_general3A_89 {dimension_numbers = #tpu.dot_dimension_numbers<[1], [0], [0], [1], [0, 0, 1, 1], [], []>, transpose_lhs_hint = false} : vector<64x128xf32>, vector<128x128xf32>, vector<64x128xf32> -> vector<64x128xf32>
      %get3A_91 = arith.constant 0 : index
      %get3A_92 = arith.constant 0 : index
      %get3A_93 = vector.load %arg10[%get3A_91, %get3A_92] : memref<1x128xf32, #tpu.memory_space<vmem>>, vector<1x128xf32>
      %add3A_94 = vector.broadcast %get3A_93 : vector<1x128xf32> to vector<64x128xf32>
      %add3A_95 = arith.addf %dot_general3A_90, %add3A_94 : vector<64x128xf32>
      %swap3A_96 = arith.constant 0 : index
      %swap3A_97 = arith.constant 0 : index
      %swap3A_98 = vector.load %arg12[%swap3A_96, %swap3A_97] : memref<64x128xf32, #tpu.memory_space<vmem>>, vector<64x128xf32>
      tpu.vector_store %arg12[%swap3A_96, %swap3A_97], %add3A_95 {strides = array<i32>} : memref<64x128xf32, #tpu.memory_space<vmem>>, vector<64x128xf32>,
    } else {
    }
    return
  }
  func.func @transform_0(%arg0: i32) -> (i32, i32) {
    %c0_i32 = arith.constant 0 : i32
    %c0_i32_0 = arith.constant 0 : i32
    return %arg0, %c0_i32 : i32, i32
  }
  func.func @transform_1(%arg0: i32) -> (i32, i32) {
    %c0_i32 = arith.constant 0 : i32
    %c0_i32_0 = arith.constant 0 : i32
    %c0_i32_1 = arith.constant 0 : i32
    return %c0_i32, %c0_i32_0 : i32, i32
  }
  func.func @transform_2(%arg0: i32) -> (i32, i32) {
    %c0_i32 = arith.constant 0 : i32
    %c0_i32_0 = arith.constant 0 : i32
    %c0_i32_1 = arith.constant 0 : i32
    return %c0_i32, %c0_i32_0 : i32, i32
  }
  func.func @transform_3(%arg0: i32) -> (i32, i32) {
    %c0_i32 = arith.constant 0 : i32
    %c0_i32_0 = arith.constant 0 : i32
    %c0_i32_1 = arith.constant 0 : i32
    return %c0_i32, %c0_i32_0 : i32, i32
  }
  func.func @transform_4(%arg0: i32) -> (i32, i32) {
    %c0_i32 = arith.constant 0 : i32
    %c0_i32_0 = arith.constant 0 : i32
    %c0_i32_1 = arith.constant 0 : i32
    return %c0_i32, %c0_i32_0 : i32, i32
  }
  func.func @transform_5(%arg0: i32) -> (i32, i32, i32) {
    %c0_i32 = arith.constant 0 : i32
    %c0_i32_0 = arith.constant 0 : i32
    %c0_i32_1 = arith.constant 0 : i32
    return %arg0, %c0_i32, %c0_i32_0 : i32, i32, i32
  }
  func.func @transform_6(%arg0: i32) -> (i32, i32) {
    %c0_i32 = arith.constant 0 : i32
    %c0_i32_0 = arith.constant 0 : i32
    %c0_i32_1 = arith.constant 0 : i32
    return %c0_i32, %c0_i32_0 : i32, i32
  }
  func.func @transform_7(%arg0: i32) -> (i32, i32) {
    %c0_i32 = arith.constant 0 : i32
    %c0_i32_0 = arith.constant 0 : i32
    %c0_i32_1 = arith.constant 0 : i32
    return %c0_i32, %c0_i32_0 : i32, i32
  }
  func.func @transform_8(%arg0: i32) -> (i32, i32) {
    %c0_i32 = arith.constant 0 : i32
    %c0_i32_0 = arith.constant 0 : i32
    %c0_i32_1 = arith.constant 0 : i32
    return %c0_i32, %c0_i32_0 : i32, i32
  }
  func.func @transform_9(%arg0: i32) -> (i32, i32) {
    %c0_i32 = arith.constant 0 : i32
    %c0_i32_0 = arith.constant 0 : i32
    %c0_i32_1 = arith.constant 0 : i32
    return %c0_i32, %c0_i32_0 : i32, i32
  }
  func.func @transform_10(%arg0: i32) -> (i32, i32) {
    %c0_i32 = arith.constant 0 : i32
    %c0_i32_0 = arith.constant 0 : i32
    %c0_i32_1 = arith.constant 0 : i32
    return %c0_i32, %c0_i32_0 : i32, i32
  }
  func.func @transform_11(%arg0: i32) -> (i32, i32) {
    %c0_i32 = arith.constant 0 : i32
    %c0_i32_0 = arith.constant 0 : i32
    %c0_i32_1 = arith.constant 0 : i32
    return %c0_i32, %c0_i32_0 : i32, i32
  }
}

</mosaic_0001>

<sc_bundles>
// kernel: kernel.12.cloned.1.call-start
scs
__scs_entry_jumppad:
0x0: {  	(pc) =	sbr.rel $0x88, $3  }
0x1: {  	(tag) =	ssettag $0x0;
	lr =	simm.s32 $0x1  }
0x2: {  	[smem:$0x3F85] =	sst lr;
	_ =	strace $0xD0000000  }
0x3: {  	_ = 	snop  }
0x4: {  	_ = 	snop  }
0x5: {  	_ = 	snop  }
0x6: {  	_ = 	snop  }
0x7: {  	_ = 	snop  }
__scs_overlays_trampoline_lowered:
0x8: {  	[smem:$0x3F94] =	sst s0  }
0x9: {  	[smem:$0x3F95] =	sst s1  }
0xa: {  	[smem:$0x3F96] =	sst s2  }
0xb: {  	[smem:$0x3F97] =	sst s3  }
0xc: {  	[smem:$0x3F98] =	sst s4  }
0xd: {  	[smem:$0x3F99] =	sst s5  }
0xe: {  	[smem:$0x3F9A] =	sst s6  }
0xf: {  	[smem:$0x3F9B] =	sst s7  }
0x10: {  	[smem:$0x3F9C] =	sst s8  }
0x11: {  	[smem:$0x3F9D] =	sst s9;
	s0 =	simm.s32 @!p0 $0x0  }
0x12: {  	s1 =	sld [smem:$0x3F83];
	s0 =	simm.s32 @p0 $0x1  }
0x13: {  	[smem:$0x3F9E] =	sst s0;
	s0 =	simm.s32 @!p1 $0x0  }
0x14: {  	s2 =	sld [smem:$0x3F82];
	s0 =	simm.s32 @p1 $0x1  }
0x15: {  	[smem:$0x3F9F] =	sst s0;
	s0 =	simm.s32 @!p2 $0x0  }
0x16: {  	s3 =	sld [smem:$0x3FDB];
	s0 =	simm.s32 @p2 $0x1  }
0x17: {  	s4 =	simm.s32 $0x1BF5;
	[smem:$0x3FA1] =	sst s0  }
0x18: {  	s0 =	sld [smem:$0x3F84];
	_ =	swait.ge [sflag:s4], $0x0  }
0x19: {  	s7 =	sld [smem:$0x3F85]  }
0x1a: {  	s8 =	sadd.s32 $0xFFFFE003, lr  }
0x1b: {  	s9 =	sadd.s32 $0xFFFFFEF7, lr;
	s5 =	simm.s32 $0xFFFFFFFF;
	p2 =	slt.u32 s8, $0xFFFFF086  }
0x1c: {  	p1 =	slt.u32 s9, $0xF7A;
	s5 =	simm.s32 @!p2 $0x0  }
0x1d: {  	s5 =	simm.s32 @p1 $0x1;
	p0 =	seq.s32 s7, s2  }
0x1e: {  	s7 =	smul.u32 @!p0 $0xF7A, s2;
	p2 =	seq.s32 @!p0 s5, $0x0  }
0x1f: {  	s9 =	smul.u32 $0xF7A, s1;
	s8 =	simm.s32 @!p0 $0x1BF5;
	p2 =	por !p2, p0  }
0x20: {  	[sflag:s8] =	ssyncset.s32 @!p0 $0xFFFFF086;
	s6 =	sadd.s32 @!p0 s3, s7;
	s7 =	simm.s32 @!p0 $0x108  }
0x21: {  	s3 =	sadd.s32 s3, s9;
	s6 =	sadd.s32 @!p0 $0x88, s6;
	s7 =	simm.s32 @p2 $0x1082  }
0x22: {  	[simem:s7], [sflag:s8] =	dma.local @!p0 [hbm:s6], $0xF7A  }
0x23: {  	s9 =	sor.u32 $0xD0000000, s2;
	s6 =	simm.s32 $0x108;
	_ =	swait.ge @!p0 [sflag:s8], $0x0  }
0x24: {  	s3 =	sadd.s32 $0x88, s3;
	s6 =	simm.s32 @!p1 $0x1082;
	[sflag:s4] =	ssyncset.s32 $0xFFFFF086  }
0x25: {  	[simem:s6], [sflag:s4] =	dma.local [hbm:s3], $0xF7A  }
0x26: {  	[smem:$0x3F85] =	sst s1;
	(tag) =	ssettag s2;
	_ =	strace s9  }
0x27: {  	s1 =	sld [smem:$0x3F95]  }
0x28: {  	s2 =	sld [smem:$0x3F96]  }
0x29: {  	s4 =	sld [smem:$0x3F98]  }
0x2a: {  	p0 =	seq.s32 s5, $0x0;
	s5 =	sld [smem:$0x3F99]  }
0x2b: {  	s6 =	sld [smem:$0x3F9A]  }
0x2c: {  	s7 =	sld [smem:$0x3F9B]  }
0x2d: {  	s3 =	simm.s32 $0x108;
	s8 =	sld [smem:$0x3F9C]  }
0x2e: {  	s3 =	simm.s32 @!p0 $0x1082;
	s9 =	sld [smem:$0x3F9D]  }
0x2f: {  	lr =	sadd.s32 s0, s3;
	s0 =	sld [smem:$0x3F94]  }
0x30: {  	s3 =	sld [smem:$0x3F97]  }
0x31: {  	[smem:$0x3FA0] =	sst s10  }
0x32: {  	s10 =	sld [smem:$0x3F9E];
	_ =	sdelay $0x3  }
0x33: {  	p0 =	seq.s32 s10, $0x1;
	s10 =	sld [smem:$0x3FA0];
	_ =	sdelay $0x3  }
0x34: {  	[smem:$0x3FA0] =	sst s10  }
0x35: {  	s10 =	sld [smem:$0x3F9F];
	_ =	sdelay $0x3  }
0x36: {  	p1 =	seq.s32 s10, $0x1;
	s10 =	sld [smem:$0x3FA0];
	_ =	sdelay $0x3  }
0x37: {  	[smem:$0x3FA0] =	sst s10  }
0x38: {  	s10 =	sld [smem:$0x3FA1]  }
0x39: {  	_ = 	snop;
	(pc) =	sbr.ind lr, $3  }
0x3a: {  	_ = 	snop  }
0x3b: {  	_ = 	snop  }
0x3c: {  	p2 =	seq.s32 s10, $0x1;
	s10 =	sld [smem:$0x3FA0]  }
0x3d: {  	_ =	shalt  }
0x3e: {  	_ =	shalt  }
0x3f: {  	_ =	shalt  }
0x40: {  	_ =	shalt  }
0x41: {  	_ =	shalt  }
0x42: {  	_ =	shalt  }
0x43: {  	_ =	shalt  }
0x44: {  	_ =	shalt  }
0x45: {  	_ =	shalt  }
0x46: {  	_ =	shalt  }
0x47: {  	_ =	shalt  }
0x48: {  	_ =	shalt  }
0x49: {  	_ =	shalt  }
0x4a: {  	_ =	shalt  }
0x4b: {  	_ =	shalt  }
0x4c: {  	_ =	shalt  }
0x4d: {  	_ =	shalt  }
0x4e: {  	_ =	shalt  }
0x4f: {  	_ =	shalt  }
0x50: {  	_ =	shalt  }
0x51: {  	_ =	shalt  }
0x52: {  	_ =	shalt  }
0x53: {  	_ =	shalt  }
0x54: {  	_ =	shalt  }
0x55: {  	_ =	shalt  }
0x56: {  	_ =	shalt  }
0x57: {  	_ =	shalt  }
0x58: {  	_ =	shalt  }
0x59: {  	_ =	shalt  }
0x5a: {  	_ =	shalt  }
0x5b: {  	_ =	shalt  }
0x5c: {  	_ =	shalt  }
0x5d: {  	_ =	shalt  }
0x5e: {  	_ =	shalt  }
0x5f: {  	_ =	shalt  }
0x60: {  	_ =	shalt  }
0x61: {  	_ =	shalt  }
0x62: {  	_ =	shalt  }
0x63: {  	_ =	shalt  }
0x64: {  	_ =	shalt  }
0x65: {  	_ =	shalt  }
0x66: {  	_ =	shalt  }
0x67: {  	_ =	shalt  }
0x68: {  	_ =	shalt  }
0x69: {  	_ =	shalt  }
0x6a: {  	_ =	shalt  }
0x6b: {  	_ =	shalt  }
0x6c: {  	_ =	shalt  }
0x6d: {  	_ =	shalt  }
0x6e: {  	_ =	shalt  }
0x6f: {  	_ =	shalt  }
0x70: {  	_ =	shalt  }
0x71: {  	_ =	shalt  }
0x72: {  	_ =	shalt  }
0x73: {  	_ =	shalt  }
0x74: {  	_ =	shalt  }
0x75: {  	_ =	shalt  }
0x76: {  	_ =	shalt  }
0x77: {  	_ =	shalt  }
0x78: {  	_ =	shalt  }
0x79: {  	_ =	shalt  }
0x7a: {  	_ =	shalt  }
0x7b: {  	_ =	shalt  }
0x7c: {  	_ =	shalt  }
0x7d: {  	_ =	shalt  }
0x7e: {  	_ =	shalt  }
0x7f: {  	_ =	shalt  }
0x80: {  	_ =	shalt  }
0x81: {  	_ =	shalt  }
0x82: {  	_ =	shalt  }
0x83: {  	_ =	shalt  }
0x84: {  	_ =	shalt  }
0x85: {  	_ =	shalt  }
0x86: {  	_ =	shalt  }
0x87: {  	_ =	shalt  }
.Lfunc_end0:
.L_simem_size_0:
called_computation.1_lowered:
.L_overlay_start_0:
0x88: {  	s2 =	sld [smem:$0x3FD9]  }
0x89: {  	s3 =	sld [smem:$0x3FFE];
	_ =	sdelay $0x1  }
0x8a: {  	s1 =	srdreg.scid  }
0x8b: {  	s0 =	sand.u32 $0x1, s1  }
0x8c: {  	s16 =	sshll.u32 s0, $0xA;
	s2 =	sadd.s32 s3, s2  }
0x8d: {  	s2 =	sadd.s32 s2, s16  }
0x8e: {  	[smem:$0x3FAC] =	sst s2  }
0x8f: {  	_ = 	snop  }
0x90: {  	(tm) =	ssettm $0x1  }
0x91: {  	s17 =	sld [smem:$0x3FFB];
	_ =	sdelay $0x3  }
0x92: {  	_ =	strace s17  }
0x93: {  	s2 =	sld [smem:$0x3FFC];
	_ =	sdelay $0x3  }
0x94: {  	_ =	strace s2  }
0x95: {  	s2 =	sld [smem:$0x3FFD];
	_ =	sdelay $0x3  }
0x96: {  	_ =	strace s2  }
0x97: {  	_ =	strace $0x8FFFFFFF  }
0x98: {  	s18 =	sld [smem:$0x3FDB];
	_ =	sdelay $0x1  }
0x99: {  	s19 =	simm.s32 $_scs_section_size  }
0x9a: {  	s4 =	simm.s32 $_size__tile_overlayer_lowered;
	s5 =	simm.s32 $_tile_overlayer_lowered  }
0x9b: {  	s22 =	simm.s32 $0x1BFF;
	s21 =	sshll.u32 s5, $0x1;
	s2 =	sadd.s32 s19, s18  }
0x9c: {  	s6 =	simm.s32 $0x0;
	s20 =	sshll.u32 s4, $0x1;
	s4 =	sadd.s32 s21, s2  }
0x9d: {  	[timem:s6], [sflag:s22] =	dma.local [hbm:s4], s20  }
0x9e: {  	_ =	swait.ge [sflag:s22], s20  }
0x9f: {  	s3 =	ssub.s32 $0x0, s20;
	[sflag:s22] =	ssyncset.done $0x0  }
0xa0: {  	[sflag:s22] =	ssyncadd.s32 s3;
	_ =	sdelay $0x1  }
0xa1: {  	s23 =	simm.s32 $0x1B8B  }
0xa2: {  	_ =	swait.ge [sflag:s23], $0x1  }
0xa3: {  	[sflag:s23] =	ssyncset.done $0x0  }
0xa4: {  	s25 =	simm.s32 $0x1B8E;
	s24 =	sld [smem:$0x3FFE];
	[sflag:s23] =	ssyncadd.s32 $0xFFFFFFFF  }
0xa5: {  	s26 =	simm.s32 $execute0_lowered;
	[smem:$0x3FD2] =	sst s25  }
0xa6: {  	s4 =	sshll.u32 s26, $0x1;
	_ =	strace $0x80000049;
	[dreg:$0x1] =	wrdreg $0xFFFFFFFF  }
0xa7: {  	s28 =	simm.s32 $_size_execute0_lowered;
	s2 =	sadd.s32 s2, s4;
	[dreg:$0x0] =	wrdreg $0x0  }
0xa8: {  	s4 =	sshll.u32 s28, $0x1;
	[dreg:$0x2] =	wrdreg s2  }
0xa9: {  	[dreg:$0x3] =	wrdreg s4  }
0xaa: {  	[dreg:$0x4] =	wrdreg $0xC0  }
0xab: {  	_ =	task [dreg:s6], $0x5FFFF  }
0xac: {  	[dreg:$0x1] =	wrdreg $0xFFFFFFFF  }
0xad: {  	[dreg:$0x0] =	wrdreg $0x60  }
0xae: {  	[dreg:$0x2] =	wrdreg s24  }
0xaf: {  	[dreg:$0x3] =	wrdreg $0xA8000  }
0xb0: {  	[dreg:$0x4] =	wrdreg $0x9  }
0xb1: {  	_ =	task.clear_ibuf [dreg:s6], $0x5FFFF;
	_ =	strace $0x90000049  }
0xb2: {  	s29 =	simm.s32 $0x9;
	_ =	strace $0x8000004B  }
0xb3: {  	_ =	swait.ge [sflag:s29], $0x1  }
0xb4: {  	[sflag:s29] =	ssyncadd.s32 $0xFFFFFFFF  }
0xb5: {  	_ =	strace $0x9000004B  }
0xb6: {  	_ =	sfence  }
0xb7: {  	s30 =	sld [smem:$0x0];
	_ =	sdelay $0x2  }
0xb8: {  	s31 =	sshll.u32 s1, $0xD;
	s1 =	sshrl.u32 s1, $0x2  }
0xb9: {  	s3 =	sand.u32 $0x4000, s31;
	s1 =	sadd.s32 s1, s30  }
0xba: {  	s0 =	sor.u32 s3, s0;
	s1 =	sshll.u32 s1, $0x11  }
0xbb: {  	s0 =	sor.u32 s1, s0  }
0xbc: {  	s0 =	sadd.s32 $0x8F2B, s0  }
0xbd: {  	[sflag:s0] =	ssyncadd.remote.s32 $0x1  }
0xbe: {  	_ =	sfence.sel $0xFFFF  }
0xbf: {  	[dreg:$0x0] =	wrdreg $0xFFFFFFFF;
	(pc) =	sbr.abs _section_cstart, $3  }
0xc0: {  	[dreg:$0x1] =	wrdreg $0xFFFFFFFF  }
0xc1: {  	_ =	task.clear_ibuf [dreg:s6], $0x2FFFF;
	_ =	strace $0x9FFFFFFF  }
0xc2: {  	(tm) =	ssettm $0x7FFFFFFF  }
0xc3: {  	_ =	shalt  }
tec
execute0_lowered:
.L_overlay_start_1:
0x0: {  	(tag) =	ssettag $0x1  }
0x1: {  	s6 =	rddreg [dreg:$0x0]  }
0x2: {  	s1 =	rddreg [dreg:$0x1]  }
0x3: {  	s0 =	rddreg [dreg:$0x2];
	s3 =	simm.s32 $0x0;
	s2 =	srdreg.scid  }
0x4: {  	s16 =	simm.s32 $0x80;
	s17 =	simm.s32 $0x2800;
	s18 =	simm.s32 $0x6800  }
0x5: {  	s19 =	simm.s32 $0x1;
	s20 =	simm.s32 $0x2;
	s21 =	simm.s32 $0x1380  }
0x6: {  	s22 =	simm.s32 $0x2700;
	s23 =	simm.s32 $0x2780;
	[smem:$0x7FF] =	sst s3  }
0x7: {  	s7 =	sand.u32 $0x1, s2;
	s2 =	stileid.u32;
	s4 =	sadd.s32 $0x5000, s6  }
0x8: {  	s10 =	sadd.s32 $0x37000, s6;
	s11 =	sadd.s32 $0x2D000, s6;
	s8 =	smul.u32 $0x140000, s7  }
0x9: {  	s5 =	sadd.s32 $0x41000, s6;
	_ =	strace $0x8000004A;
	s9 =	smul.u32 $0x14000, s2  }
0xa: {  	s24 =	sshll.u32 s2, $0x1;
	s12 =	ssub.s32 $0x2, s7;
	s25 =	smul.u32 $0x50000, s2  }
0xb: {  	s28 =	sshll.u32 s2, $0x6;
	s7 =	sor.u32 s7, s24;
	s13 =	sshrl.u32 s12, $0x1  }
0xc: {  	s24 =	simm.s32 $0x0;
	s8 =	sadd.s32 s9, s8;
	s14 =	smul.u32 $0x2800, s7  }
0xd: {  	s12 =	ssub.s32 s12, s13;
	s26 =	sshrl.u32 s25, $0x2;
	s29 =	smul.u32 $0x500, s7  }
0xe: {  	s8 =	sshrl.u32 s8, $0x3;
	s31 =	sadd.s32 s26, s1;
	s12 =	smax.u32 s12, $0x1  }
0xf: {  	s15 =	sadd.s32 s8, s6;
	s30 =	sshrl.u32 s14, $0x3;
	s6 =	sor.u32 $0x1C03, s28  }
0x10: {  	s7 =	sadd.s32 s10, s29;
	s8 =	sadd.s32 s11, s29;
	s14 =	sadd.s32 $0x280, s30  }
0x11: {  	s13 =	sshrl.u32 s31, $0x3;
	s9 =	sadd.s32 s10, s14;
	s10 =	sadd.s32 s11, s14  }
0x12: {  	s11 =	sadd.s32 $0x43800, s15;
	s14 =	simm.s32 $0x3;
	s15 =	simm.s32 $0x1400  }
.LBB2_1:
0x13: {  	[spmem:s13], [sflag:s6] =	dma.local [hbm:s5], $0x2800  }
0x14: {  	_ =	swait.ge [sflag:s14], $0x2800  }
0x15: {  	[sflag:s14] =	ssyncset.done $0x0  }
0x16: {  	[sflag:s14] =	ssyncadd.s32 $0xFFFFD800  }
0x17: {  	[bflag:$0x0] =	sbarrier.arrive $0xFFFF  }
0x18: {  	[tilespmem:s3], [sflag:$0x3] =	stream.linear.gather [hbm4b:s7+s3], $0x1400, $0x38;
	[tilespmem:$0x1E800] =	vst v63  }
0x19: {  	_ =	swait.ge [sflag:s14], $0x1400  }
0x1a: {  	[sflag:s14] =	ssyncset.done $0x0  }
0x1b: {  	[sflag:s14] =	ssyncadd.s32 $0xFFFFEC00  }
0x1c: {  	[tilespmem:s15], [sflag:$0x3] =	stream.linear.gather [hbm4b:s8+s3], $0x1400, $0x38;
	[tilespmem:$0x1E800] =	vst v63  }
0x1d: {  	_ =	swait.ge [sflag:s14], $0x1400  }
0x1e: {  	[sflag:s14] =	ssyncset.done $0x0  }
0x1f: {  	[sflag:s14] =	ssyncadd.s32 $0xFFFFEC00  }
0x20: {  	[tilespmem:s17], [sflag:$0x1] =	stream.indirect.gather [hbm4b:s4+s16], $0x80, s3, s16, $0xb8;
	[tilespmem:$0x1E800] =	vst v63  }
0x21: {  	s25 =	simm.s32 $0x80  }
0x22: {  	[tilespmem:s18], [sflag:$0x2] =	stream.indirect.gather [hbm4b:s4+s16], $0x80, s25, s16, $0xb8;
	[tilespmem:$0x1E800] =	vst v63  }
0x23: {  	_ =	swait.ge [sflag:s19], $0x4000  }
0x24: {  	[sflag:s19] =	ssyncset.done $0x0  }
0x25: {  	s29 =	simm.s32 $0x1400;
	[sflag:s19] =	ssyncadd.s32 $0xFFFFC000  }
0x26: {  	[spmem:s1] =	stream.indirect.scatter.add.f32 [tilespmem:s17], [sflag:$0x3], $0x80, s29, s16, $0xb8;
	[tilespmem:$0x1E800] =	vst v63  }
0x27: {  	_ =	swait.ge [sflag:s14], $0x4000  }
0x28: {  	[sflag:s14] =	ssyncset.done $0x0  }
0x29: {  	s30 =	simm.s32 $0x100;
	[sflag:s14] =	ssyncadd.s32 $0xFFFFC000  }
0x2a: {  	[tilespmem:s17], [sflag:$0x1] =	stream.indirect.gather [hbm4b:s4+s16], $0x80, s30, s16, $0xb8;
	[tilespmem:$0x1E800] =	vst v63  }
0x2b: {  	_ =	swait.ge [sflag:s20], $0x4000  }
0x2c: {  	[sflag:s20] =	ssyncset.done $0x0  }
0x2d: {  	s31 =	simm.s32 $0x1480;
	[sflag:s20] =	ssyncadd.s32 $0xFFFFC000  }
0x2e: {  	[spmem:s1] =	stream.indirect.scatter.add.f32 [tilespmem:s18], [sflag:$0x3], $0x80, s31, s16, $0xb8;
	[tilespmem:$0x1E800] =	vst v63  }
0x2f: {  	_ =	swait.ge [sflag:s14], $0x4000  }
0x30: {  	s26 =	simm.s32 $0x800;
	s25 =	simm.s32 $0x100;
	[sflag:s14] =	ssyncset.done $0x0  }
.LBB2_2:
0x31: {  	s28 =	sadd.s32 $0x80, s25  }
0x32: {  	[sflag:s14] =	ssyncadd.s32 $0xFFFFC000;
	s29 =	smov.u32 s26;
	s30 =	sadd.s32 $0x400, s26  }
0x33: {  	[tilespmem:s18], [sflag:$0x2] =	stream.indirect.gather [hbm4b:s4+s16], $0x80, s28, s16, $0xb8;
	[tilespmem:$0x1E800] =	vst v63  }
0x34: {  	p0 =	sne.s32 s26, $0x4800;
	_ =	swait.ge [sflag:s19], $0x4000  }
0x35: {  	[sflag:s19] =	ssyncset.done $0x0  }
0x36: {  	s26 =	sadd.s32 $0x1400, s25;
	[sflag:s19] =	ssyncadd.s32 $0xFFFFC000  }
0x37: {  	[spmem:s1] =	stream.indirect.scatter.add.f32 [tilespmem:s17], [sflag:$0x3], $0x80, s26, s16, $0xb8;
	[tilespmem:$0x1E800] =	vst v63  }
0x38: {  	_ =	swait.ge [sflag:s14], $0x4000  }
0x39: {  	[sflag:s14] =	ssyncset.done $0x0  }
0x3a: {  	s26 =	sadd.s32 $0x100, s25;
	[sflag:s14] =	ssyncadd.s32 $0xFFFFC000  }
0x3b: {  	[tilespmem:s17], [sflag:$0x1] =	stream.indirect.gather [hbm4b:s4+s16], $0x80, s26, s16, $0xb8;
	[tilespmem:$0x1E800] =	vst v63  }
0x3c: {  	_ =	swait.ge [sflag:s20], $0x4000  }
.Ltmp0:
0x3d: {  	[sflag:s20] =	ssyncset.done $0x0;
	(pc) =	sbr.rel @p0 .LBB2_2-.Ltmp0, $4  }
0x3e: {  	s25 =	sadd.s32 $0x1480, s25;
	[sflag:s20] =	ssyncadd.s32 $0xFFFFC000  }
0x3f: {  	[spmem:s1] =	stream.indirect.scatter.add.f32 [tilespmem:s18], [sflag:$0x3], $0x80, s25, s16, $0xb8;
	[tilespmem:$0x1E800] =	vst v63  }
0x40: {  	_ =	swait.ge [sflag:s14], $0x4000  }
0x41: {  	s26 =	smov.u32 s30;
	s25 =	sshra.s32 s29, $0x2;
	[sflag:s14] =	ssyncset.done $0x0  }
0x42: {  	s26 =	sadd.s32 $0x80, s25;
	[sflag:s14] =	ssyncadd.s32 $0xFFFFC000  }
0x43: {  	[tilespmem:s18], [sflag:$0x2] =	stream.indirect.gather [hbm4b:s4+s16], $0x80, s26, s16, $0xb8;
	[tilespmem:$0x1E800] =	vst v63  }
0x44: {  	_ =	swait.ge [sflag:s19], $0x4000  }
0x45: {  	[sflag:s19] =	ssyncset.done $0x0  }
0x46: {  	s29 =	sadd.s32 $0x1400, s25;
	[sflag:s19] =	ssyncadd.s32 $0xFFFFC000  }
0x47: {  	[spmem:s1] =	stream.indirect.scatter.add.f32 [tilespmem:s17], [sflag:$0x3], $0x80, s29, s16, $0xb8;
	[tilespmem:$0x1E800] =	vst v63  }
0x48: {  	_ =	swait.ge [sflag:s14], $0x4000  }
0x49: {  	[sflag:s14] =	ssyncset.done $0x0  }
0x4a: {  	s30 =	sadd.s32 $0x100, s25;
	[sflag:s14] =	ssyncadd.s32 $0xFFFFC000  }
0x4b: {  	[tilespmem:s17], [sflag:$0x1] =	stream.indirect.gather [hbm4b:s4+s16], $0x80, s30, s16, $0xb8;
	[tilespmem:$0x1E800] =	vst v63  }
0x4c: {  	_ =	swait.ge [sflag:s20], $0x4000  }
0x4d: {  	[sflag:s20] =	ssyncset.done $0x0  }
0x4e: {  	s31 =	sadd.s32 $0x1480, s25;
	[sflag:s20] =	ssyncadd.s32 $0xFFFFC000  }
0x4f: {  	[spmem:s1] =	stream.indirect.scatter.add.f32 [tilespmem:s18], [sflag:$0x3], $0x80, s31, s16, $0xb8;
	[tilespmem:$0x1E800] =	vst v63  }
0x50: {  	_ =	swait.ge [sflag:s14], $0x4000  }
0x51: {  	[sflag:s14] =	ssyncset.done $0x0  }
0x52: {  	[sflag:s14] =	ssyncadd.s32 $0xFFFFC000  }
0x53: {  	[tilespmem:s18], [sflag:$0x2] =	stream.indirect.gather [hbm4b:s4+s16], $0x80, s21, s16, $0xb8;
	[tilespmem:$0x1E800] =	vst v63  }
0x54: {  	_ =	swait.ge [sflag:s19], $0x4000  }
0x55: {  	[sflag:s19] =	ssyncset.done $0x0  }
0x56: {  	[sflag:s19] =	ssyncadd.s32 $0xFFFFC000  }
0x57: {  	[spmem:s1] =	stream.indirect.scatter.add.f32 [tilespmem:s17], [sflag:$0x3], $0x80, s22, s16, $0xb8;
	[tilespmem:$0x1E800] =	vst v63  }
0x58: {  	_ =	swait.ge [sflag:s14], $0x4000  }
0x59: {  	[sflag:s14] =	ssyncset.done $0x0  }
0x5a: {  	[sflag:s14] =	ssyncadd.s32 $0xFFFFC000  }
0x5b: {  	_ =	swait.ge [sflag:s20], $0x4000  }
0x5c: {  	[sflag:s20] =	ssyncset.done $0x0  }
0x5d: {  	[sflag:s20] =	ssyncadd.s32 $0xFFFFC000  }
0x5e: {  	[spmem:s1] =	stream.indirect.scatter.add.f32 [tilespmem:s18], [sflag:$0x3], $0x80, s23, s16, $0xb8;
	[tilespmem:$0x1E800] =	vst v63  }
0x5f: {  	_ =	swait.ge [sflag:s14], $0x4000  }
0x60: {  	[sflag:s14] =	ssyncset.done $0x0  }
0x61: {  	s26 =	simm.s32 $0x0;
	[sflag:s14] =	ssyncadd.s32 $0xFFFFC000  }
0x62: {  	[tilespmem:s26], [sflag:$0x3] =	stream.linear.gather [hbm4b:s9+s26], $0x1400, $0x38;
	[tilespmem:$0x1E800] =	vst v63  }
0x63: {  	_ =	swait.ge [sflag:s14], $0x1400  }
0x64: {  	[sflag:s14] =	ssyncset.done $0x0  }
0x65: {  	[sflag:s14] =	ssyncadd.s32 $0xFFFFEC00  }
0x66: {  	[tilespmem:s15], [sflag:$0x3] =	stream.linear.gather [hbm4b:s10+s26], $0x1400, $0x38;
	[tilespmem:$0x1E800] =	vst v63  }
0x67: {  	_ =	swait.ge [sflag:s14], $0x1400  }
0x68: {  	[sflag:s14] =	ssyncset.done $0x0  }
0x69: {  	[sflag:s14] =	ssyncadd.s32 $0xFFFFEC00  }
0x6a: {  	[tilespmem:s17], [sflag:$0x1] =	stream.indirect.gather [hbm4b:s4+s16], $0x80, s26, s16, $0xb8;
	[tilespmem:$0x1E800] =	vst v63  }
0x6b: {  	s28 =	simm.s32 $0x80  }
0x6c: {  	[tilespmem:s18], [sflag:$0x2] =	stream.indirect.gather [hbm4b:s4+s16], $0x80, s28, s16, $0xb8;
	[tilespmem:$0x1E800] =	vst v63  }
0x6d: {  	_ =	swait.ge [sflag:s19], $0x4000  }
0x6e: {  	[sflag:s19] =	ssyncset.done $0x0  }
0x6f: {  	s29 =	simm.s32 $0x1400;
	[sflag:s19] =	ssyncadd.s32 $0xFFFFC000  }
0x70: {  	[spmem:s1] =	stream.indirect.scatter.add.f32 [tilespmem:s17], [sflag:$0x3], $0x80, s29, s16, $0xb8;
	[tilespmem:$0x1E800] =	vst v63  }
0x71: {  	_ =	swait.ge [sflag:s14], $0x4000  }
0x72: {  	[sflag:s14] =	ssyncset.done $0x0  }
0x73: {  	s30 =	simm.s32 $0x100;
	[sflag:s14] =	ssyncadd.s32 $0xFFFFC000  }
0x74: {  	[tilespmem:s17], [sflag:$0x1] =	stream.indirect.gather [hbm4b:s4+s16], $0x80, s30, s16, $0xb8;
	[tilespmem:$0x1E800] =	vst v63  }
0x75: {  	_ =	swait.ge [sflag:s20], $0x4000  }
0x76: {  	[sflag:s20] =	ssyncset.done $0x0  }
0x77: {  	s31 =	simm.s32 $0x1480;
	[sflag:s20] =	ssyncadd.s32 $0xFFFFC000  }
0x78: {  	[spmem:s1] =	stream.indirect.scatter.add.f32 [tilespmem:s18], [sflag:$0x3], $0x80, s31, s16, $0xb8;
	[tilespmem:$0x1E800] =	vst v63  }
0x79: {  	_ =	swait.ge [sflag:s14], $0x4000  }
0x7a: {  	s25 =	simm.s32 $0x100;
	s26 =	simm.s32 $0x800;
	[sflag:s14] =	ssyncset.done $0x0  }
.LBB2_4:
0x7b: {  	s28 =	sadd.s32 $0x80, s25  }
0x7c: {  	[sflag:s14] =	ssyncadd.s32 $0xFFFFC000;
	s29 =	smov.u32 s26;
	s30 =	sadd.s32 $0x400, s26  }
0x7d: {  	[tilespmem:s18], [sflag:$0x2] =	stream.indirect.gather [hbm4b:s4+s16], $0x80, s28, s16, $0xb8;
	[tilespmem:$0x1E800] =	vst v63  }
0x7e: {  	p0 =	sne.s32 s26, $0x4800;
	_ =	swait.ge [sflag:s19], $0x4000  }
0x7f: {  	[sflag:s19] =	ssyncset.done $0x0  }
0x80: {  	s26 =	sadd.s32 $0x1400, s25;
	[sflag:s19] =	ssyncadd.s32 $0xFFFFC000  }
0x81: {  	[spmem:s1] =	stream.indirect.scatter.add.f32 [tilespmem:s17], [sflag:$0x3], $0x80, s26, s16, $0xb8;
	[tilespmem:$0x1E800] =	vst v63  }
0x82: {  	_ =	swait.ge [sflag:s14], $0x4000  }
0x83: {  	[sflag:s14] =	ssyncset.done $0x0  }
0x84: {  	s26 =	sadd.s32 $0x100, s25;
	[sflag:s14] =	ssyncadd.s32 $0xFFFFC000  }
0x85: {  	[tilespmem:s17], [sflag:$0x1] =	stream.indirect.gather [hbm4b:s4+s16], $0x80, s26, s16, $0xb8;
	[tilespmem:$0x1E800] =	vst v63  }
0x86: {  	_ =	swait.ge [sflag:s20], $0x4000  }
.Ltmp1:
0x87: {  	[sflag:s20] =	ssyncset.done $0x0;
	(pc) =	sbr.rel @p0 .LBB2_4-.Ltmp1, $4  }
0x88: {  	s25 =	sadd.s32 $0x1480, s25;
	[sflag:s20] =	ssyncadd.s32 $0xFFFFC000  }
0x89: {  	[spmem:s1] =	stream.indirect.scatter.add.f32 [tilespmem:s18], [sflag:$0x3], $0x80, s25, s16, $0xb8;
	[tilespmem:$0x1E800] =	vst v63  }
0x8a: {  	_ =	swait.ge [sflag:s14], $0x4000  }
0x8b: {  	s26 =	smov.u32 s30;
	s25 =	sshra.s32 s29, $0x2;
	[sflag:s14] =	ssyncset.done $0x0  }
0x8c: {  	s26 =	sadd.s32 $0x80, s25;
	[sflag:s14] =	ssyncadd.s32 $0xFFFFC000  }
0x8d: {  	[tilespmem:s18], [sflag:$0x2] =	stream.indirect.gather [hbm4b:s4+s16], $0x80, s26, s16, $0xb8;
	[tilespmem:$0x1E800] =	vst v63  }
0x8e: {  	_ =	swait.ge [sflag:s19], $0x4000  }
0x8f: {  	[sflag:s19] =	ssyncset.done $0x0  }
0x90: {  	s29 =	sadd.s32 $0x1400, s25;
	[sflag:s19] =	ssyncadd.s32 $0xFFFFC000  }
0x91: {  	[spmem:s1] =	stream.indirect.scatter.add.f32 [tilespmem:s17], [sflag:$0x3], $0x80, s29, s16, $0xb8;
	[tilespmem:$0x1E800] =	vst v63  }
0x92: {  	_ =	swait.ge [sflag:s14], $0x4000  }
0x93: {  	[sflag:s14] =	ssyncset.done $0x0  }
0x94: {  	s30 =	sadd.s32 $0x100, s25;
	[sflag:s14] =	ssyncadd.s32 $0xFFFFC000  }
0x95: {  	[tilespmem:s17], [sflag:$0x1] =	stream.indirect.gather [hbm4b:s4+s16], $0x80, s30, s16, $0xb8;
	[tilespmem:$0x1E800] =	vst v63  }
0x96: {  	_ =	swait.ge [sflag:s20], $0x4000  }
0x97: {  	[sflag:s20] =	ssyncset.done $0x0  }
0x98: {  	s31 =	sadd.s32 $0x1480, s25;
	[sflag:s20] =	ssyncadd.s32 $0xFFFFC000  }
0x99: {  	[spmem:s1] =	stream.indirect.scatter.add.f32 [tilespmem:s18], [sflag:$0x3], $0x80, s31, s16, $0xb8;
	[tilespmem:$0x1E800] =	vst v63  }
0x9a: {  	_ =	swait.ge [sflag:s14], $0x4000  }
0x9b: {  	[sflag:s14] =	ssyncset.done $0x0  }
0x9c: {  	[sflag:s14] =	ssyncadd.s32 $0xFFFFC000  }
0x9d: {  	[tilespmem:s18], [sflag:$0x2] =	stream.indirect.gather [hbm4b:s4+s16], $0x80, s21, s16, $0xb8;
	[tilespmem:$0x1E800] =	vst v63  }
0x9e: {  	_ =	swait.ge [sflag:s19], $0x4000  }
0x9f: {  	[sflag:s19] =	ssyncset.done $0x0  }
0xa0: {  	[sflag:s19] =	ssyncadd.s32 $0xFFFFC000  }
0xa1: {  	[spmem:s1] =	stream.indirect.scatter.add.f32 [tilespmem:s17], [sflag:$0x3], $0x80, s22, s16, $0xb8;
	[tilespmem:$0x1E800] =	vst v63  }
0xa2: {  	_ =	swait.ge [sflag:s14], $0x4000  }
0xa3: {  	[sflag:s14] =	ssyncset.done $0x0  }
0xa4: {  	[sflag:s14] =	ssyncadd.s32 $0xFFFFC000  }
0xa5: {  	_ =	swait.ge [sflag:s20], $0x4000  }
0xa6: {  	[sflag:s20] =	ssyncset.done $0x0  }
0xa7: {  	[sflag:s20] =	ssyncadd.s32 $0xFFFFC000  }
0xa8: {  	[spmem:s1] =	stream.indirect.scatter.add.f32 [tilespmem:s18], [sflag:$0x3], $0x80, s23, s16, $0xb8;
	[tilespmem:$0x1E800] =	vst v63  }
0xa9: {  	_ =	swait.ge [sflag:s14], $0x4000  }
0xaa: {  	s24 =	sadd.s32 $0x1, s24;
	[sflag:s14] =	ssyncset.done $0x0  }
0xab: {  	p0 =	sne.s32 s24, s12;
	[sflag:s14] =	ssyncadd.s32 $0xFFFFC000  }
.Ltmp2:
0xac: {  	[bflag:$0x0] =	sbarrier.arrive $0xFFFF;
	(pc) =	sbr.rel @p0 .LBB2_1-.Ltmp2, $4  }
0xad: {  	[hbm:s11], [sflag:s6] =	dma.local [spmem:s13], $0x2800  }
0xae: {  	_ =	swait.ge [sflag:s14], $0x2800  }
0xaf: {  	[sflag:s14] =	ssyncset.done $0x0  }
0xb0: {  	[sflag:s14] =	ssyncadd.s32 $0xFFFFD800  }
0xb1: {  	_ =	sfence.sel $0x180000  }
0xb2: {  	[bflag:$0x0] =	sbarrier.arrive $0xFFFF  }
0xb3: {  	p0 =	sne.s32 s2, $0x0;
	_ =	strace $0x9000004A  }
0xb4: {  	s0 =	sadd.s32 @!p0 $0x100000, s0;
	[bflag:$0x2] =	sbarrier.arrive $0xFFFF  }
0xb5: {  	[sflag:s0] =	ssyncadd.tile.s32 @!p0 $0x1;
	_ =	shalt  }
.Lfunc_end2:
_tile_overlayer_lowered:
.L_overlay_start_2:
0xb6: {  	(tag) =	ssettag $0x2  }
0xb7: {  	s0 =	rddreg [dreg:$0x0];
	s2 =	stileid.u32  }
0xb8: {  	s1 =	rddreg [dreg:$0x1];
	p0 =	sne.s32 s2, $0x0  }
0xb9: {  	s3 =	rddreg [dreg:$0x2];
	[bflag:$0x3] =	sbarrier.arrive $0xFFFF;
	s2 =	simm.s32 @!p0 $0x1C03  }
0xba: {  	[timem:s3], [sflag:s2] =	dma.local @!p0 [hbm:s0], s1  }
0xbb: {  	s0 =	simm.s32 @!p0 $0x3  }
0xbc: {  	_ =	swait.ge @!p0 [sflag:s0], s1  }
0xbd: {  	s1 =	ssub.s32 @!p0 $0x0, s1;
	[sflag:s0] =	ssyncset.done @!p0 $0x0  }
0xbe: {  	[sflag:s0] =	ssyncadd.s32 @!p0 s1  }
0xbf: {  	[bflag:$0x3] =	sbarrier.arrive $0xFFFF  }
0xc0: {  	_ =	shalt  }

// kernel: kernel.15.cloned.1.call-start
scs
__scs_entry_jumppad:
0x0: {  	(pc) =	sbr.rel $0x88, $3  }
0x1: {  	(tag) =	ssettag $0x0;
	lr =	simm.s32 $0x1  }
0x2: {  	[smem:$0x3F85] =	sst lr;
	_ =	strace $0xD0000000  }
0x3: {  	_ = 	snop  }
0x4: {  	_ = 	snop  }
0x5: {  	_ = 	snop  }
0x6: {  	_ = 	snop  }
0x7: {  	_ = 	snop  }
__scs_overlays_trampoline_lowered:
0x8: {  	[smem:$0x3F94] =	sst s0  }
0x9: {  	[smem:$0x3F95] =	sst s1  }
0xa: {  	[smem:$0x3F96] =	sst s2  }
0xb: {  	[smem:$0x3F97] =	sst s3  }
0xc: {  	[smem:$0x3F98] =	sst s4  }
0xd: {  	[smem:$0x3F99] =	sst s5  }
0xe: {  	[smem:$0x3F9A] =	sst s6  }
0xf: {  	[smem:$0x3F9B] =	sst s7  }
0x10: {  	[smem:$0x3F9C] =	sst s8  }
0x11: {  	[smem:$0x3F9D] =	sst s9;
	s0 =	simm.s32 @!p0 $0x0  }
0x12: {  	s1 =	sld [smem:$0x3F83];
	s0 =	simm.s32 @p0 $0x1  }
0x13: {  	[smem:$0x3F9E] =	sst s0;
	s0 =	simm.s32 @!p1 $0x0  }
0x14: {  	s2 =	sld [smem:$0x3F82];
	s0 =	simm.s32 @p1 $0x1  }
0x15: {  	[smem:$0x3F9F] =	sst s0;
	s0 =	simm.s32 @!p2 $0x0  }
0x16: {  	s3 =	sld [smem:$0x3FDB];
	s0 =	simm.s32 @p2 $0x1  }
0x17: {  	s4 =	simm.s32 $0x1BF5;
	[smem:$0x3FA1] =	sst s0  }
0x18: {  	s0 =	sld [smem:$0x3F84];
	_ =	swait.ge [sflag:s4], $0x0  }
0x19: {  	s7 =	sld [smem:$0x3F85]  }
0x1a: {  	s8 =	sadd.s32 $0xFFFFE003, lr  }
0x1b: {  	s9 =	sadd.s32 $0xFFFFFEF7, lr;
	s5 =	simm.s32 $0xFFFFFFFF;
	p2 =	slt.u32 s8, $0xFFFFF086  }
0x1c: {  	p1 =	slt.u32 s9, $0xF7A;
	s5 =	simm.s32 @!p2 $0x0  }
0x1d: {  	s5 =	simm.s32 @p1 $0x1;
	p0 =	seq.s32 s7, s2  }
0x1e: {  	s7 =	smul.u32 @!p0 $0xF7A, s2;
	p2 =	seq.s32 @!p0 s5, $0x0  }
0x1f: {  	s9 =	smul.u32 $0xF7A, s1;
	s8 =	simm.s32 @!p0 $0x1BF5;
	p2 =	por !p2, p0  }
0x20: {  	[sflag:s8] =	ssyncset.s32 @!p0 $0xFFFFF086;
	s6 =	sadd.s32 @!p0 s3, s7;
	s7 =	simm.s32 @!p0 $0x108  }
0x21: {  	s3 =	sadd.s32 s3, s9;
	s6 =	sadd.s32 @!p0 $0x88, s6;
	s7 =	simm.s32 @p2 $0x1082  }
0x22: {  	[simem:s7], [sflag:s8] =	dma.local @!p0 [hbm:s6], $0xF7A  }
0x23: {  	s9 =	sor.u32 $0xD0000000, s2;
	s6 =	simm.s32 $0x108;
	_ =	swait.ge @!p0 [sflag:s8], $0x0  }
0x24: {  	s3 =	sadd.s32 $0x88, s3;
	s6 =	simm.s32 @!p1 $0x1082;
	[sflag:s4] =	ssyncset.s32 $0xFFFFF086  }
0x25: {  	[simem:s6], [sflag:s4] =	dma.local [hbm:s3], $0xF7A  }
0x26: {  	[smem:$0x3F85] =	sst s1;
	(tag) =	ssettag s2;
	_ =	strace s9  }
0x27: {  	s1 =	sld [smem:$0x3F95]  }
0x28: {  	s2 =	sld [smem:$0x3F96]  }
0x29: {  	s4 =	sld [smem:$0x3F98]  }
0x2a: {  	p0 =	seq.s32 s5, $0x0;
	s5 =	sld [smem:$0x3F99]  }
0x2b: {  	s6 =	sld [smem:$0x3F9A]  }
0x2c: {  	s7 =	sld [smem:$0x3F9B]  }
0x2d: {  	s3 =	simm.s32 $0x108;
	s8 =	sld [smem:$0x3F9C]  }
0x2e: {  	s3 =	simm.s32 @!p0 $0x1082;
	s9 =	sld [smem:$0x3F9D]  }
0x2f: {  	lr =	sadd.s32 s0, s3;
	s0 =	sld [smem:$0x3F94]  }
0x30: {  	s3 =	sld [smem:$0x3F97]  }
0x31: {  	[smem:$0x3FA0] =	sst s10  }
0x32: {  	s10 =	sld [smem:$0x3F9E];
	_ =	sdelay $0x3  }
0x33: {  	p0 =	seq.s32 s10, $0x1;
	s10 =	sld [smem:$0x3FA0];
	_ =	sdelay $0x3  }
0x34: {  	[smem:$0x3FA0] =	sst s10  }
0x35: {  	s10 =	sld [smem:$0x3F9F];
	_ =	sdelay $0x3  }
0x36: {  	p1 =	seq.s32 s10, $0x1;
	s10 =	sld [smem:$0x3FA0];
	_ =	sdelay $0x3  }
0x37: {  	[smem:$0x3FA0] =	sst s10  }
0x38: {  	s10 =	sld [smem:$0x3FA1]  }
0x39: {  	_ = 	snop;
	(pc) =	sbr.ind lr, $3  }
0x3a: {  	_ = 	snop  }
0x3b: {  	_ = 	snop  }
0x3c: {  	p2 =	seq.s32 s10, $0x1;
	s10 =	sld [smem:$0x3FA0]  }
0x3d: {  	_ =	shalt  }
0x3e: {  	_ =	shalt  }
0x3f: {  	_ =	shalt  }
0x40: {  	_ =	shalt  }
0x41: {  	_ =	shalt  }
0x42: {  	_ =	shalt  }
0x43: {  	_ =	shalt  }
0x44: {  	_ =	shalt  }
0x45: {  	_ =	shalt  }
0x46: {  	_ =	shalt  }
0x47: {  	_ =	shalt  }
0x48: {  	_ =	shalt  }
0x49: {  	_ =	shalt  }
0x4a: {  	_ =	shalt  }
0x4b: {  	_ =	shalt  }
0x4c: {  	_ =	shalt  }
0x4d: {  	_ =	shalt  }
0x4e: {  	_ =	shalt  }
0x4f: {  	_ =	shalt  }
0x50: {  	_ =	shalt  }
0x51: {  	_ =	shalt  }
0x52: {  	_ =	shalt  }
0x53: {  	_ =	shalt  }
0x54: {  	_ =	shalt  }
0x55: {  	_ =	shalt  }
0x56: {  	_ =	shalt  }
0x57: {  	_ =	shalt  }
0x58: {  	_ =	shalt  }
0x59: {  	_ =	shalt  }
0x5a: {  	_ =	shalt  }
0x5b: {  	_ =	shalt  }
0x5c: {  	_ =	shalt  }
0x5d: {  	_ =	shalt  }
0x5e: {  	_ =	shalt  }
0x5f: {  	_ =	shalt  }
0x60: {  	_ =	shalt  }
0x61: {  	_ =	shalt  }
0x62: {  	_ =	shalt  }
0x63: {  	_ =	shalt  }
0x64: {  	_ =	shalt  }
0x65: {  	_ =	shalt  }
0x66: {  	_ =	shalt  }
0x67: {  	_ =	shalt  }
0x68: {  	_ =	shalt  }
0x69: {  	_ =	shalt  }
0x6a: {  	_ =	shalt  }
0x6b: {  	_ =	shalt  }
0x6c: {  	_ =	shalt  }
0x6d: {  	_ =	shalt  }
0x6e: {  	_ =	shalt  }
0x6f: {  	_ =	shalt  }
0x70: {  	_ =	shalt  }
0x71: {  	_ =	shalt  }
0x72: {  	_ =	shalt  }
0x73: {  	_ =	shalt  }
0x74: {  	_ =	shalt  }
0x75: {  	_ =	shalt  }
0x76: {  	_ =	shalt  }
0x77: {  	_ =	shalt  }
0x78: {  	_ =	shalt  }
0x79: {  	_ =	shalt  }
0x7a: {  	_ =	shalt  }
0x7b: {  	_ =	shalt  }
0x7c: {  	_ =	shalt  }
0x7d: {  	_ =	shalt  }
0x7e: {  	_ =	shalt  }
0x7f: {  	_ =	shalt  }
0x80: {  	_ =	shalt  }
0x81: {  	_ =	shalt  }
0x82: {  	_ =	shalt  }
0x83: {  	_ =	shalt  }
0x84: {  	_ =	shalt  }
0x85: {  	_ =	shalt  }
0x86: {  	_ =	shalt  }
0x87: {  	_ =	shalt  }
.Lfunc_end0:
.L_simem_size_0:
called_computation.2_lowered:
.L_overlay_start_0:
0x88: {  	s2 =	sld [smem:$0x3FD9]  }
0x89: {  	s3 =	sld [smem:$0x3FFE];
	_ =	sdelay $0x1  }
0x8a: {  	s1 =	srdreg.scid  }
0x8b: {  	s0 =	sand.u32 $0x1, s1  }
0x8c: {  	s16 =	sshll.u32 s0, $0xA;
	s2 =	sadd.s32 s3, s2  }
0x8d: {  	s2 =	sadd.s32 s2, s16  }
0x8e: {  	[smem:$0x3FAC] =	sst s2  }
0x8f: {  	_ = 	snop  }
0x90: {  	(tm) =	ssettm $0x1  }
0x91: {  	s17 =	sld [smem:$0x3FFB];
	_ =	sdelay $0x3  }
0x92: {  	_ =	strace s17  }
0x93: {  	s2 =	sld [smem:$0x3FFC];
	_ =	sdelay $0x3  }
0x94: {  	_ =	strace s2  }
0x95: {  	s2 =	sld [smem:$0x3FFD];
	_ =	sdelay $0x3  }
0x96: {  	_ =	strace s2  }
0x97: {  	_ =	strace $0x8FFFFFFF  }
0x98: {  	s18 =	sld [smem:$0x3FDB];
	_ =	sdelay $0x1  }
0x99: {  	s19 =	simm.s32 $_scs_section_size  }
0x9a: {  	s4 =	simm.s32 $_size__tile_overlayer_lowered;
	s5 =	simm.s32 $_tile_overlayer_lowered  }
0x9b: {  	s22 =	simm.s32 $0x1BFF;
	s21 =	sshll.u32 s5, $0x1;
	s2 =	sadd.s32 s19, s18  }
0x9c: {  	s6 =	simm.s32 $0x0;
	s20 =	sshll.u32 s4, $0x1;
	s4 =	sadd.s32 s21, s2  }
0x9d: {  	[timem:s6], [sflag:s22] =	dma.local [hbm:s4], s20  }
0x9e: {  	_ =	swait.ge [sflag:s22], s20  }
0x9f: {  	s3 =	ssub.s32 $0x0, s20;
	[sflag:s22] =	ssyncset.done $0x0  }
0xa0: {  	[sflag:s22] =	ssyncadd.s32 s3;
	_ =	sdelay $0x1  }
0xa1: {  	s23 =	simm.s32 $0x1B8B  }
0xa2: {  	_ =	swait.ge [sflag:s23], $0x1  }
0xa3: {  	[sflag:s23] =	ssyncset.done $0x0  }
0xa4: {  	s25 =	simm.s32 $0x1B8E;
	s24 =	sld [smem:$0x3FFE];
	[sflag:s23] =	ssyncadd.s32 $0xFFFFFFFF  }
0xa5: {  	s26 =	simm.s32 $execute0_lowered;
	[smem:$0x3FD2] =	sst s25  }
0xa6: {  	s4 =	sshll.u32 s26, $0x1;
	_ =	strace $0x8000004C;
	[dreg:$0x1] =	wrdreg $0xFFFFFFFF  }
0xa7: {  	s28 =	simm.s32 $_size_execute0_lowered;
	s2 =	sadd.s32 s2, s4;
	[dreg:$0x0] =	wrdreg $0x0  }
0xa8: {  	s4 =	sshll.u32 s28, $0x1;
	[dreg:$0x2] =	wrdreg s2  }
0xa9: {  	[dreg:$0x3] =	wrdreg s4  }
0xaa: {  	[dreg:$0x4] =	wrdreg $0xC0  }
0xab: {  	_ =	task [dreg:s6], $0x5FFFF  }
0xac: {  	[dreg:$0x1] =	wrdreg $0xFFFFFFFF  }
0xad: {  	[dreg:$0x0] =	wrdreg $0x60  }
0xae: {  	[dreg:$0x2] =	wrdreg s24  }
0xaf: {  	[dreg:$0x3] =	wrdreg $0xA8000  }
0xb0: {  	[dreg:$0x4] =	wrdreg $0x9  }
0xb1: {  	_ =	task.clear_ibuf [dreg:s6], $0x5FFFF;
	_ =	strace $0x9000004C  }
0xb2: {  	s29 =	simm.s32 $0x9;
	_ =	strace $0x8000004E  }
0xb3: {  	_ =	swait.ge [sflag:s29], $0x1  }
0xb4: {  	[sflag:s29] =	ssyncadd.s32 $0xFFFFFFFF  }
0xb5: {  	_ =	strace $0x9000004E  }
0xb6: {  	_ =	sfence  }
0xb7: {  	s30 =	sld [smem:$0x0];
	_ =	sdelay $0x2  }
0xb8: {  	s31 =	sshll.u32 s1, $0xD;
	s1 =	sshrl.u32 s1, $0x2  }
0xb9: {  	s3 =	sand.u32 $0x4000, s31;
	s1 =	sadd.s32 s1, s30  }
0xba: {  	s0 =	sor.u32 s3, s0;
	s1 =	sshll.u32 s1, $0x11  }
0xbb: {  	s0 =	sor.u32 s1, s0  }
0xbc: {  	s0 =	sadd.s32 $0x8F2B, s0  }
0xbd: {  	[sflag:s0] =	ssyncadd.remote.s32 $0x1  }
0xbe: {  	_ =	sfence.sel $0xFFFF  }
0xbf: {  	[dreg:$0x0] =	wrdreg $0xFFFFFFFF;
	(pc) =	sbr.abs _section_cstart, $3  }
0xc0: {  	[dreg:$0x1] =	wrdreg $0xFFFFFFFF  }
0xc1: {  	_ =	task.clear_ibuf [dreg:s6], $0x2FFFF;
	_ =	strace $0x9FFFFFFF  }
0xc2: {  	(tm) =	ssettm $0x7FFFFFFF  }
0xc3: {  	_ =	shalt  }
tec
execute0_lowered:
.L_overlay_start_1:
0x0: {  	(tag) =	ssettag $0x1  }
0x1: {  	s6 =	rddreg [dreg:$0x0]  }
0x2: {  	s1 =	rddreg [dreg:$0x1]  }
0x3: {  	s0 =	rddreg [dreg:$0x2];
	s3 =	simm.s32 $0x0;
	s2 =	srdreg.scid  }
0x4: {  	s16 =	simm.s32 $0x80;
	s17 =	simm.s32 $0x2800;
	s18 =	simm.s32 $0x6800  }
0x5: {  	s19 =	simm.s32 $0x1;
	s20 =	simm.s32 $0x2;
	s21 =	simm.s32 $0x1380  }
0x6: {  	s22 =	simm.s32 $0x2700;
	s23 =	simm.s32 $0x2780;
	[smem:$0x7FF] =	sst s3  }
0x7: {  	s7 =	sand.u32 $0x1, s2;
	s2 =	stileid.u32;
	s4 =	sadd.s32 $0x5000, s6  }
0x8: {  	s10 =	sadd.s32 $0x37000, s6;
	s11 =	sadd.s32 $0x2D000, s6;
	s8 =	smul.u32 $0x140000, s7  }
0x9: {  	s5 =	sadd.s32 $0x41000, s6;
	_ =	strace $0x8000004D;
	s9 =	smul.u32 $0x14000, s2  }
0xa: {  	s24 =	sshll.u32 s2, $0x1;
	s12 =	ssub.s32 $0x2, s7;
	s25 =	smul.u32 $0x50000, s2  }
0xb: {  	s28 =	sshll.u32 s2, $0x6;
	s7 =	sor.u32 s7, s24;
	s13 =	sshrl.u32 s12, $0x1  }
0xc: {  	s24 =	simm.s32 $0x0;
	s8 =	sadd.s32 s9, s8;
	s14 =	smul.u32 $0x2800, s7  }
0xd: {  	s12 =	ssub.s32 s12, s13;
	s26 =	sshrl.u32 s25, $0x2;
	s29 =	smul.u32 $0x500, s7  }
0xe: {  	s8 =	sshrl.u32 s8, $0x3;
	s31 =	sadd.s32 s26, s1;
	s12 =	smax.u32 s12, $0x1  }
0xf: {  	s15 =	sadd.s32 s8, s6;
	s30 =	sshrl.u32 s14, $0x3;
	s6 =	sor.u32 $0x1C03, s28  }
0x10: {  	s7 =	sadd.s32 s10, s29;
	s8 =	sadd.s32 s11, s29;
	s14 =	sadd.s32 $0x280, s30  }
0x11: {  	s13 =	sshrl.u32 s31, $0x3;
	s9 =	sadd.s32 s10, s14;
	s10 =	sadd.s32 s11, s14  }
0x12: {  	s11 =	sadd.s32 $0x43800, s15;
	s14 =	simm.s32 $0x3;
	s15 =	simm.s32 $0x1400  }
.LBB2_1:
0x13: {  	[spmem:s13], [sflag:s6] =	dma.local [hbm:s5], $0x2800  }
0x14: {  	_ =	swait.ge [sflag:s14], $0x2800  }
0x15: {  	[sflag:s14] =	ssyncset.done $0x0  }
0x16: {  	[sflag:s14] =	ssyncadd.s32 $0xFFFFD800  }
0x17: {  	[bflag:$0x0] =	sbarrier.arrive $0xFFFF  }
0x18: {  	[tilespmem:s3], [sflag:$0x3] =	stream.linear.gather [hbm4b:s7+s3], $0x1400, $0x38;
	[tilespmem:$0x1E800] =	vst v63  }
0x19: {  	_ =	swait.ge [sflag:s14], $0x1400  }
0x1a: {  	[sflag:s14] =	ssyncset.done $0x0  }
0x1b: {  	[sflag:s14] =	ssyncadd.s32 $0xFFFFEC00  }
0x1c: {  	[tilespmem:s15], [sflag:$0x3] =	stream.linear.gather [hbm4b:s8+s3], $0x1400, $0x38;
	[tilespmem:$0x1E800] =	vst v63  }
0x1d: {  	_ =	swait.ge [sflag:s14], $0x1400  }
0x1e: {  	[sflag:s14] =	ssyncset.done $0x0  }
0x1f: {  	[sflag:s14] =	ssyncadd.s32 $0xFFFFEC00  }
0x20: {  	[tilespmem:s17], [sflag:$0x1] =	stream.indirect.gather [hbm4b:s4+s16], $0x80, s3, s16, $0xb8;
	[tilespmem:$0x1E800] =	vst v63  }
0x21: {  	s25 =	simm.s32 $0x80  }
0x22: {  	[tilespmem:s18], [sflag:$0x2] =	stream.indirect.gather [hbm4b:s4+s16], $0x80, s25, s16, $0xb8;
	[tilespmem:$0x1E800] =	vst v63  }
0x23: {  	_ =	swait.ge [sflag:s19], $0x4000  }
0x24: {  	[sflag:s19] =	ssyncset.done $0x0  }
0x25: {  	s29 =	simm.s32 $0x1400;
	[sflag:s19] =	ssyncadd.s32 $0xFFFFC000  }
0x26: {  	[spmem:s1] =	stream.indirect.scatter.add.f32 [tilespmem:s17], [sflag:$0x3], $0x80, s29, s16, $0xb8;
	[tilespmem:$0x1E800] =	vst v63  }
0x27: {  	_ =	swait.ge [sflag:s14], $0x4000  }
0x28: {  	[sflag:s14] =	ssyncset.done $0x0  }
0x29: {  	s30 =	simm.s32 $0x100;
	[sflag:s14] =	ssyncadd.s32 $0xFFFFC000  }
0x2a: {  	[tilespmem:s17], [sflag:$0x1] =	stream.indirect.gather [hbm4b:s4+s16], $0x80, s30, s16, $0xb8;
	[tilespmem:$0x1E800] =	vst v63  }
0x2b: {  	_ =	swait.ge [sflag:s20], $0x4000  }
0x2c: {  	[sflag:s20] =	ssyncset.done $0x0  }
0x2d: {  	s31 =	simm.s32 $0x1480;
	[sflag:s20] =	ssyncadd.s32 $0xFFFFC000  }
0x2e: {  	[spmem:s1] =	stream.indirect.scatter.add.f32 [tilespmem:s18], [sflag:$0x3], $0x80, s31, s16, $0xb8;
	[tilespmem:$0x1E800] =	vst v63  }
0x2f: {  	_ =	swait.ge [sflag:s14], $0x4000  }
0x30: {  	s26 =	simm.s32 $0x800;
	s25 =	simm.s32 $0x100;
	[sflag:s14] =	ssyncset.done $0x0  }
.LBB2_2:
0x31: {  	s28 =	sadd.s32 $0x80, s25  }
0x32: {  	[sflag:s14] =	ssyncadd.s32 $0xFFFFC000;
	s29 =	smov.u32 s26;
	s30 =	sadd.s32 $0x400, s26  }
0x33: {  	[tilespmem:s18], [sflag:$0x2] =	stream.indirect.gather [hbm4b:s4+s16], $0x80, s28, s16, $0xb8;
	[tilespmem:$0x1E800] =	vst v63  }
0x34: {  	p0 =	sne.s32 s26, $0x4800;
	_ =	swait.ge [sflag:s19], $0x4000  }
0x35: {  	[sflag:s19] =	ssyncset.done $0x0  }
0x36: {  	s26 =	sadd.s32 $0x1400, s25;
	[sflag:s19] =	ssyncadd.s32 $0xFFFFC000  }
0x37: {  	[spmem:s1] =	stream.indirect.scatter.add.f32 [tilespmem:s17], [sflag:$0x3], $0x80, s26, s16, $0xb8;
	[tilespmem:$0x1E800] =	vst v63  }
0x38: {  	_ =	swait.ge [sflag:s14], $0x4000  }
0x39: {  	[sflag:s14] =	ssyncset.done $0x0  }
0x3a: {  	s26 =	sadd.s32 $0x100, s25;
	[sflag:s14] =	ssyncadd.s32 $0xFFFFC000  }
0x3b: {  	[tilespmem:s17], [sflag:$0x1] =	stream.indirect.gather [hbm4b:s4+s16], $0x80, s26, s16, $0xb8;
	[tilespmem:$0x1E800] =	vst v63  }
0x3c: {  	_ =	swait.ge [sflag:s20], $0x4000  }
.Ltmp0:
0x3d: {  	[sflag:s20] =	ssyncset.done $0x0;
	(pc) =	sbr.rel @p0 .LBB2_2-.Ltmp0, $4  }
0x3e: {  	s25 =	sadd.s32 $0x1480, s25;
	[sflag:s20] =	ssyncadd.s32 $0xFFFFC000  }
0x3f: {  	[spmem:s1] =	stream.indirect.scatter.add.f32 [tilespmem:s18], [sflag:$0x3], $0x80, s25, s16, $0xb8;
	[tilespmem:$0x1E800] =	vst v63  }
0x40: {  	_ =	swait.ge [sflag:s14], $0x4000  }
0x41: {  	s26 =	smov.u32 s30;
	s25 =	sshra.s32 s29, $0x2;
	[sflag:s14] =	ssyncset.done $0x0  }
0x42: {  	s26 =	sadd.s32 $0x80, s25;
	[sflag:s14] =	ssyncadd.s32 $0xFFFFC000  }
0x43: {  	[tilespmem:s18], [sflag:$0x2] =	stream.indirect.gather [hbm4b:s4+s16], $0x80, s26, s16, $0xb8;
	[tilespmem:$0x1E800] =	vst v63  }
0x44: {  	_ =	swait.ge [sflag:s19], $0x4000  }
0x45: {  	[sflag:s19] =	ssyncset.done $0x0  }
0x46: {  	s29 =	sadd.s32 $0x1400, s25;
	[sflag:s19] =	ssyncadd.s32 $0xFFFFC000  }
0x47: {  	[spmem:s1] =	stream.indirect.scatter.add.f32 [tilespmem:s17], [sflag:$0x3], $0x80, s29, s16, $0xb8;
	[tilespmem:$0x1E800] =	vst v63  }
0x48: {  	_ =	swait.ge [sflag:s14], $0x4000  }
0x49: {  	[sflag:s14] =	ssyncset.done $0x0  }
0x4a: {  	s30 =	sadd.s32 $0x100, s25;
	[sflag:s14] =	ssyncadd.s32 $0xFFFFC000  }
0x4b: {  	[tilespmem:s17], [sflag:$0x1] =	stream.indirect.gather [hbm4b:s4+s16], $0x80, s30, s16, $0xb8;
	[tilespmem:$0x1E800] =	vst v63  }
0x4c: {  	_ =	swait.ge [sflag:s20], $0x4000  }
0x4d: {  	[sflag:s20] =	ssyncset.done $0x0  }
0x4e: {  	s31 =	sadd.s32 $0x1480, s25;
	[sflag:s20] =	ssyncadd.s32 $0xFFFFC000  }
0x4f: {  	[spmem:s1] =	stream.indirect.scatter.add.f32 [tilespmem:s18], [sflag:$0x3], $0x80, s31, s16, $0xb8;
	[tilespmem:$0x1E800] =	vst v63  }
0x50: {  	_ =	swait.ge [sflag:s14], $0x4000  }
0x51: {  	[sflag:s14] =	ssyncset.done $0x0  }
0x52: {  	[sflag:s14] =	ssyncadd.s32 $0xFFFFC000  }
0x53: {  	[tilespmem:s18], [sflag:$0x2] =	stream.indirect.gather [hbm4b:s4+s16], $0x80, s21, s16, $0xb8;
	[tilespmem:$0x1E800] =	vst v63  }
0x54: {  	_ =	swait.ge [sflag:s19], $0x4000  }
0x55: {  	[sflag:s19] =	ssyncset.done $0x0  }
0x56: {  	[sflag:s19] =	ssyncadd.s32 $0xFFFFC000  }
0x57: {  	[spmem:s1] =	stream.indirect.scatter.add.f32 [tilespmem:s17], [sflag:$0x3], $0x80, s22, s16, $0xb8;
	[tilespmem:$0x1E800] =	vst v63  }
0x58: {  	_ =	swait.ge [sflag:s14], $0x4000  }
0x59: {  	[sflag:s14] =	ssyncset.done $0x0  }
0x5a: {  	[sflag:s14] =	ssyncadd.s32 $0xFFFFC000  }
0x5b: {  	_ =	swait.ge [sflag:s20], $0x4000  }
0x5c: {  	[sflag:s20] =	ssyncset.done $0x0  }
0x5d: {  	[sflag:s20] =	ssyncadd.s32 $0xFFFFC000  }
0x5e: {  	[spmem:s1] =	stream.indirect.scatter.add.f32 [tilespmem:s18], [sflag:$0x3], $0x80, s23, s16, $0xb8;
	[tilespmem:$0x1E800] =	vst v63  }
0x5f: {  	_ =	swait.ge [sflag:s14], $0x4000  }
0x60: {  	[sflag:s14] =	ssyncset.done $0x0  }
0x61: {  	s26 =	simm.s32 $0x0;
	[sflag:s14] =	ssyncadd.s32 $0xFFFFC000  }
0x62: {  	[tilespmem:s26], [sflag:$0x3] =	stream.linear.gather [hbm4b:s9+s26], $0x1400, $0x38;
	[tilespmem:$0x1E800] =	vst v63  }
0x63: {  	_ =	swait.ge [sflag:s14], $0x1400  }
0x64: {  	[sflag:s14] =	ssyncset.done $0x0  }
0x65: {  	[sflag:s14] =	ssyncadd.s32 $0xFFFFEC00  }
0x66: {  	[tilespmem:s15], [sflag:$0x3] =	stream.linear.gather [hbm4b:s10+s26], $0x1400, $0x38;
	[tilespmem:$0x1E800] =	vst v63  }
0x67: {  	_ =	swait.ge [sflag:s14], $0x1400  }
0x68: {  	[sflag:s14] =	ssyncset.done $0x0  }
0x69: {  	[sflag:s14] =	ssyncadd.s32 $0xFFFFEC00  }
0x6a: {  	[tilespmem:s17], [sflag:$0x1] =	stream.indirect.gather [hbm4b:s4+s16], $0x80, s26, s16, $0xb8;
	[tilespmem:$0x1E800] =	vst v63  }
0x6b: {  	s28 =	simm.s32 $0x80  }
0x6c: {  	[tilespmem:s18], [sflag:$0x2] =	stream.indirect.gather [hbm4b:s4+s16], $0x80, s28, s16, $0xb8;
	[tilespmem:$0x1E800] =	vst v63  }
0x6d: {  	_ =	swait.ge [sflag:s19], $0x4000  }
0x6e: {  	[sflag:s19] =	ssyncset.done $0x0  }
0x6f: {  	s29 =	simm.s32 $0x1400;
	[sflag:s19] =	ssyncadd.s32 $0xFFFFC000  }
0x70: {  	[spmem:s1] =	stream.indirect.scatter.add.f32 [tilespmem:s17], [sflag:$0x3], $0x80, s29, s16, $0xb8;
	[tilespmem:$0x1E800] =	vst v63  }
0x71: {  	_ =	swait.ge [sflag:s14], $0x4000  }
0x72: {  	[sflag:s14] =	ssyncset.done $0x0  }
0x73: {  	s30 =	simm.s32 $0x100;
	[sflag:s14] =	ssyncadd.s32 $0xFFFFC000  }
0x74: {  	[tilespmem:s17], [sflag:$0x1] =	stream.indirect.gather [hbm4b:s4+s16], $0x80, s30, s16, $0xb8;
	[tilespmem:$0x1E800] =	vst v63  }
0x75: {  	_ =	swait.ge [sflag:s20], $0x4000  }
0x76: {  	[sflag:s20] =	ssyncset.done $0x0  }
0x77: {  	s31 =	simm.s32 $0x1480;
	[sflag:s20] =	ssyncadd.s32 $0xFFFFC000  }
0x78: {  	[spmem:s1] =	stream.indirect.scatter.add.f32 [tilespmem:s18], [sflag:$0x3], $0x80, s31, s16, $0xb8;
	[tilespmem:$0x1E800] =	vst v63  }
0x79: {  	_ =	swait.ge [sflag:s14], $0x4000  }
0x7a: {  	s25 =	simm.s32 $0x100;
	s26 =	simm.s32 $0x800;
	[sflag:s14] =	ssyncset.done $0x0  }
.LBB2_4:
0x7b: {  	s28 =	sadd.s32 $0x80, s25  }
0x7c: {  	[sflag:s14] =	ssyncadd.s32 $0xFFFFC000;
	s29 =	smov.u32 s26;
	s30 =	sadd.s32 $0x400, s26  }
0x7d: {  	[tilespmem:s18], [sflag:$0x2] =	stream.indirect.gather [hbm4b:s4+s16], $0x80, s28, s16, $0xb8;
	[tilespmem:$0x1E800] =	vst v63  }
0x7e: {  	p0 =	sne.s32 s26, $0x4800;
	_ =	swait.ge [sflag:s19], $0x4000  }
0x7f: {  	[sflag:s19] =	ssyncset.done $0x0  }
0x80: {  	s26 =	sadd.s32 $0x1400, s25;
	[sflag:s19] =	ssyncadd.s32 $0xFFFFC000  }
0x81: {  	[spmem:s1] =	stream.indirect.scatter.add.f32 [tilespmem:s17], [sflag:$0x3], $0x80, s26, s16, $0xb8;
	[tilespmem:$0x1E800] =	vst v63  }
0x82: {  	_ =	swait.ge [sflag:s14], $0x4000  }
0x83: {  	[sflag:s14] =	ssyncset.done $0x0  }
0x84: {  	s26 =	sadd.s32 $0x100, s25;
	[sflag:s14] =	ssyncadd.s32 $0xFFFFC000  }
0x85: {  	[tilespmem:s17], [sflag:$0x1] =	stream.indirect.gather [hbm4b:s4+s16], $0x80, s26, s16, $0xb8;
	[tilespmem:$0x1E800] =	vst v63  }
0x86: {  	_ =	swait.ge [sflag:s20], $0x4000  }
.Ltmp1:
0x87: {  	[sflag:s20] =	ssyncset.done $0x0;
	(pc) =	sbr.rel @p0 .LBB2_4-.Ltmp1, $4  }
0x88: {  	s25 =	sadd.s32 $0x1480, s25;
	[sflag:s20] =	ssyncadd.s32 $0xFFFFC000  }
0x89: {  	[spmem:s1] =	stream.indirect.scatter.add.f32 [tilespmem:s18], [sflag:$0x3], $0x80, s25, s16, $0xb8;
	[tilespmem:$0x1E800] =	vst v63  }
0x8a: {  	_ =	swait.ge [sflag:s14], $0x4000  }
0x8b: {  	s26 =	smov.u32 s30;
	s25 =	sshra.s32 s29, $0x2;
	[sflag:s14] =	ssyncset.done $0x0  }
0x8c: {  	s26 =	sadd.s32 $0x80, s25;
	[sflag:s14] =	ssyncadd.s32 $0xFFFFC000  }
0x8d: {  	[tilespmem:s18], [sflag:$0x2] =	stream.indirect.gather [hbm4b:s4+s16], $0x80, s26, s16, $0xb8;
	[tilespmem:$0x1E800] =	vst v63  }
0x8e: {  	_ =	swait.ge [sflag:s19], $0x4000  }
0x8f: {  	[sflag:s19] =	ssyncset.done $0x0  }
0x90: {  	s29 =	sadd.s32 $0x1400, s25;
	[sflag:s19] =	ssyncadd.s32 $0xFFFFC000  }
0x91: {  	[spmem:s1] =	stream.indirect.scatter.add.f32 [tilespmem:s17], [sflag:$0x3], $0x80, s29, s16, $0xb8;
	[tilespmem:$0x1E800] =	vst v63  }
0x92: {  	_ =	swait.ge [sflag:s14], $0x4000  }
0x93: {  	[sflag:s14] =	ssyncset.done $0x0  }
0x94: {  	s30 =	sadd.s32 $0x100, s25;
	[sflag:s14] =	ssyncadd.s32 $0xFFFFC000  }
0x95: {  	[tilespmem:s17], [sflag:$0x1] =	stream.indirect.gather [hbm4b:s4+s16], $0x80, s30, s16, $0xb8;
	[tilespmem:$0x1E800] =	vst v63  }
0x96: {  	_ =	swait.ge [sflag:s20], $0x4000  }
0x97: {  	[sflag:s20] =	ssyncset.done $0x0  }
0x98: {  	s31 =	sadd.s32 $0x1480, s25;
	[sflag:s20] =	ssyncadd.s32 $0xFFFFC000  }
0x99: {  	[spmem:s1] =	stream.indirect.scatter.add.f32 [tilespmem:s18], [sflag:$0x3], $0x80, s31, s16, $0xb8;
	[tilespmem:$0x1E800] =	vst v63  }
0x9a: {  	_ =	swait.ge [sflag:s14], $0x4000  }
0x9b: {  	[sflag:s14] =	ssyncset.done $0x0  }
0x9c: {  	[sflag:s14] =	ssyncadd.s32 $0xFFFFC000  }
0x9d: {  	[tilespmem:s18], [sflag:$0x2] =	stream.indirect.gather [hbm4b:s4+s16], $0x80, s21, s16, $0xb8;
	[tilespmem:$0x1E800] =	vst v63  }
0x9e: {  	_ =	swait.ge [sflag:s19], $0x4000  }
0x9f: {  	[sflag:s19] =	ssyncset.done $0x0  }
0xa0: {  	[sflag:s19] =	ssyncadd.s32 $0xFFFFC000  }
0xa1: {  	[spmem:s1] =	stream.indirect.scatter.add.f32 [tilespmem:s17], [sflag:$0x3], $0x80, s22, s16, $0xb8;
	[tilespmem:$0x1E800] =	vst v63  }
0xa2: {  	_ =	swait.ge [sflag:s14], $0x4000  }
0xa3: {  	[sflag:s14] =	ssyncset.done $0x0  }
0xa4: {  	[sflag:s14] =	ssyncadd.s32 $0xFFFFC000  }
0xa5: {  	_ =	swait.ge [sflag:s20], $0x4000  }
0xa6: {  	[sflag:s20] =	ssyncset.done $0x0  }
0xa7: {  	[sflag:s20] =	ssyncadd.s32 $0xFFFFC000  }
0xa8: {  	[spmem:s1] =	stream.indirect.scatter.add.f32 [tilespmem:s18], [sflag:$0x3], $0x80, s23, s16, $0xb8;
	[tilespmem:$0x1E800] =	vst v63  }
0xa9: {  	_ =	swait.ge [sflag:s14], $0x4000  }
0xaa: {  	s24 =	sadd.s32 $0x1, s24;
	[sflag:s14] =	ssyncset.done $0x0  }
0xab: {  	p0 =	sne.s32 s24, s12;
	[sflag:s14] =	ssyncadd.s32 $0xFFFFC000  }
.Ltmp2:
0xac: {  	[bflag:$0x0] =	sbarrier.arrive $0xFFFF;
	(pc) =	sbr.rel @p0 .LBB2_1-.Ltmp2, $4  }
0xad: {  	[hbm:s11], [sflag:s6] =	dma.local [spmem:s13], $0x2800  }
0xae: {  	_ =	swait.ge [sflag:s14], $0x2800  }
0xaf: {  	[sflag:s14] =	ssyncset.done $0x0  }
0xb0: {  	[sflag:s14] =	ssyncadd.s32 $0xFFFFD800  }
0xb1: {  	_ =	sfence.sel $0x180000  }
0xb2: {  	[bflag:$0x0] =	sbarrier.arrive $0xFFFF  }
0xb3: {  	p0 =	sne.s32 s2, $0x0;
	_ =	strace $0x9000004D  }
0xb4: {  	s0 =	sadd.s32 @!p0 $0x100000, s0;
	[bflag:$0x2] =	sbarrier.arrive $0xFFFF  }
0xb5: {  	[sflag:s0] =	ssyncadd.tile.s32 @!p0 $0x1;
	_ =	shalt  }
.Lfunc_end2:
_tile_overlayer_lowered:
.L_overlay_start_2:
0xb6: {  	(tag) =	ssettag $0x2  }
0xb7: {  	s0 =	rddreg [dreg:$0x0];
	s2 =	stileid.u32  }
0xb8: {  	s1 =	rddreg [dreg:$0x1];
	p0 =	sne.s32 s2, $0x0  }
0xb9: {  	s3 =	rddreg [dreg:$0x2];
	[bflag:$0x3] =	sbarrier.arrive $0xFFFF;
	s2 =	simm.s32 @!p0 $0x1C03  }
0xba: {  	[timem:s3], [sflag:s2] =	dma.local @!p0 [hbm:s0], s1  }
0xbb: {  	s0 =	simm.s32 @!p0 $0x3  }
0xbc: {  	_ =	swait.ge @!p0 [sflag:s0], s1  }
0xbd: {  	s1 =	ssub.s32 @!p0 $0x0, s1;
	[sflag:s0] =	ssyncset.done @!p0 $0x0  }
0xbe: {  	[sflag:s0] =	ssyncadd.s32 @!p0 s1  }
0xbf: {  	[bflag:$0x3] =	sbarrier.arrive $0xFFFF  }
0xc0: {  	_ =	shalt  }

// kernel: kernel.9.cloned.1.call-start
scs
__scs_entry_jumppad:
0x0: {  	(pc) =	sbr.rel $0x88, $3  }
0x1: {  	(tag) =	ssettag $0x0;
	lr =	simm.s32 $0x1  }
0x2: {  	[smem:$0x3F85] =	sst lr;
	_ =	strace $0xD0000000  }
0x3: {  	_ = 	snop  }
0x4: {  	_ = 	snop  }
0x5: {  	_ = 	snop  }
0x6: {  	_ = 	snop  }
0x7: {  	_ = 	snop  }
__scs_overlays_trampoline_lowered:
0x8: {  	[smem:$0x3F94] =	sst s0  }
0x9: {  	[smem:$0x3F95] =	sst s1  }
0xa: {  	[smem:$0x3F96] =	sst s2  }
0xb: {  	[smem:$0x3F97] =	sst s3  }
0xc: {  	[smem:$0x3F98] =	sst s4  }
0xd: {  	[smem:$0x3F99] =	sst s5  }
0xe: {  	[smem:$0x3F9A] =	sst s6  }
0xf: {  	[smem:$0x3F9B] =	sst s7  }
0x10: {  	[smem:$0x3F9C] =	sst s8  }
0x11: {  	[smem:$0x3F9D] =	sst s9;
	s0 =	simm.s32 @!p0 $0x0  }
0x12: {  	s1 =	sld [smem:$0x3F83];
	s0 =	simm.s32 @p0 $0x1  }
0x13: {  	[smem:$0x3F9E] =	sst s0;
	s0 =	simm.s32 @!p1 $0x0  }
0x14: {  	s2 =	sld [smem:$0x3F82];
	s0 =	simm.s32 @p1 $0x1  }
0x15: {  	[smem:$0x3F9F] =	sst s0;
	s0 =	simm.s32 @!p2 $0x0  }
0x16: {  	s3 =	sld [smem:$0x3FDB];
	s0 =	simm.s32 @p2 $0x1  }
0x17: {  	s4 =	simm.s32 $0x1BF5;
	[smem:$0x3FA1] =	sst s0  }
0x18: {  	s0 =	sld [smem:$0x3F84];
	_ =	swait.ge [sflag:s4], $0x0  }
0x19: {  	s7 =	sld [smem:$0x3F85]  }
0x1a: {  	s8 =	sadd.s32 $0xFFFFE003, lr  }
0x1b: {  	s9 =	sadd.s32 $0xFFFFFEF7, lr;
	s5 =	simm.s32 $0xFFFFFFFF;
	p2 =	slt.u32 s8, $0xFFFFF086  }
0x1c: {  	p1 =	slt.u32 s9, $0xF7A;
	s5 =	simm.s32 @!p2 $0x0  }
0x1d: {  	s5 =	simm.s32 @p1 $0x1;
	p0 =	seq.s32 s7, s2  }
0x1e: {  	s7 =	smul.u32 @!p0 $0xF7A, s2;
	p2 =	seq.s32 @!p0 s5, $0x0  }
0x1f: {  	s9 =	smul.u32 $0xF7A, s1;
	s8 =	simm.s32 @!p0 $0x1BF5;
	p2 =	por !p2, p0  }
0x20: {  	[sflag:s8] =	ssyncset.s32 @!p0 $0xFFFFF086;
	s6 =	sadd.s32 @!p0 s3, s7;
	s7 =	simm.s32 @!p0 $0x108  }
0x21: {  	s3 =	sadd.s32 s3, s9;
	s6 =	sadd.s32 @!p0 $0x88, s6;
	s7 =	simm.s32 @p2 $0x1082  }
0x22: {  	[simem:s7], [sflag:s8] =	dma.local @!p0 [hbm:s6], $0xF7A  }
0x23: {  	s9 =	sor.u32 $0xD0000000, s2;
	s6 =	simm.s32 $0x108;
	_ =	swait.ge @!p0 [sflag:s8], $0x0  }
0x24: {  	s3 =	sadd.s32 $0x88, s3;
	s6 =	simm.s32 @!p1 $0x1082;
	[sflag:s4] =	ssyncset.s32 $0xFFFFF086  }
0x25: {  	[simem:s6], [sflag:s4] =	dma.local [hbm:s3], $0xF7A  }
0x26: {  	[smem:$0x3F85] =	sst s1;
	(tag) =	ssettag s2;
	_ =	strace s9  }
0x27: {  	s1 =	sld [smem:$0x3F95]  }
0x28: {  	s2 =	sld [smem:$0x3F96]  }
0x29: {  	s4 =	sld [smem:$0x3F98]  }
0x2a: {  	p0 =	seq.s32 s5, $0x0;
	s5 =	sld [smem:$0x3F99]  }
0x2b: {  	s6 =	sld [smem:$0x3F9A]  }
0x2c: {  	s7 =	sld [smem:$0x3F9B]  }
0x2d: {  	s3 =	simm.s32 $0x108;
	s8 =	sld [smem:$0x3F9C]  }
0x2e: {  	s3 =	simm.s32 @!p0 $0x1082;
	s9 =	sld [smem:$0x3F9D]  }
0x2f: {  	lr =	sadd.s32 s0, s3;
	s0 =	sld [smem:$0x3F94]  }
0x30: {  	s3 =	sld [smem:$0x3F97]  }
0x31: {  	[smem:$0x3FA0] =	sst s10  }
0x32: {  	s10 =	sld [smem:$0x3F9E];
	_ =	sdelay $0x3  }
0x33: {  	p0 =	seq.s32 s10, $0x1;
	s10 =	sld [smem:$0x3FA0];
	_ =	sdelay $0x3  }
0x34: {  	[smem:$0x3FA0] =	sst s10  }
0x35: {  	s10 =	sld [smem:$0x3F9F];
	_ =	sdelay $0x3  }
0x36: {  	p1 =	seq.s32 s10, $0x1;
	s10 =	sld [smem:$0x3FA0];
	_ =	sdelay $0x3  }
0x37: {  	[smem:$0x3FA0] =	sst s10  }
0x38: {  	s10 =	sld [smem:$0x3FA1]  }
0x39: {  	_ = 	snop;
	(pc) =	sbr.ind lr, $3  }
0x3a: {  	_ = 	snop  }
0x3b: {  	_ = 	snop  }
0x3c: {  	p2 =	seq.s32 s10, $0x1;
	s10 =	sld [smem:$0x3FA0]  }
0x3d: {  	_ =	shalt  }
0x3e: {  	_ =	shalt  }
0x3f: {  	_ =	shalt  }
0x40: {  	_ =	shalt  }
0x41: {  	_ =	shalt  }
0x42: {  	_ =	shalt  }
0x43: {  	_ =	shalt  }
0x44: {  	_ =	shalt  }
0x45: {  	_ =	shalt  }
0x46: {  	_ =	shalt  }
0x47: {  	_ =	shalt  }
0x48: {  	_ =	shalt  }
0x49: {  	_ =	shalt  }
0x4a: {  	_ =	shalt  }
0x4b: {  	_ =	shalt  }
0x4c: {  	_ =	shalt  }
0x4d: {  	_ =	shalt  }
0x4e: {  	_ =	shalt  }
0x4f: {  	_ =	shalt  }
0x50: {  	_ =	shalt  }
0x51: {  	_ =	shalt  }
0x52: {  	_ =	shalt  }
0x53: {  	_ =	shalt  }
0x54: {  	_ =	shalt  }
0x55: {  	_ =	shalt  }
0x56: {  	_ =	shalt  }
0x57: {  	_ =	shalt  }
0x58: {  	_ =	shalt  }
0x59: {  	_ =	shalt  }
0x5a: {  	_ =	shalt  }
0x5b: {  	_ =	shalt  }
0x5c: {  	_ =	shalt  }
0x5d: {  	_ =	shalt  }
0x5e: {  	_ =	shalt  }
0x5f: {  	_ =	shalt  }
0x60: {  	_ =	shalt  }
0x61: {  	_ =	shalt  }
0x62: {  	_ =	shalt  }
0x63: {  	_ =	shalt  }
0x64: {  	_ =	shalt  }
0x65: {  	_ =	shalt  }
0x66: {  	_ =	shalt  }
0x67: {  	_ =	shalt  }
0x68: {  	_ =	shalt  }
0x69: {  	_ =	shalt  }
0x6a: {  	_ =	shalt  }
0x6b: {  	_ =	shalt  }
0x6c: {  	_ =	shalt  }
0x6d: {  	_ =	shalt  }
0x6e: {  	_ =	shalt  }
0x6f: {  	_ =	shalt  }
0x70: {  	_ =	shalt  }
0x71: {  	_ =	shalt  }
0x72: {  	_ =	shalt  }
0x73: {  	_ =	shalt  }
0x74: {  	_ =	shalt  }
0x75: {  	_ =	shalt  }
0x76: {  	_ =	shalt  }
0x77: {  	_ =	shalt  }
0x78: {  	_ =	shalt  }
0x79: {  	_ =	shalt  }
0x7a: {  	_ =	shalt  }
0x7b: {  	_ =	shalt  }
0x7c: {  	_ =	shalt  }
0x7d: {  	_ =	shalt  }
0x7e: {  	_ =	shalt  }
0x7f: {  	_ =	shalt  }
0x80: {  	_ =	shalt  }
0x81: {  	_ =	shalt  }
0x82: {  	_ =	shalt  }
0x83: {  	_ =	shalt  }
0x84: {  	_ =	shalt  }
0x85: {  	_ =	shalt  }
0x86: {  	_ =	shalt  }
0x87: {  	_ =	shalt  }
.Lfunc_end0:
.L_simem_size_0:
called_computation_lowered:
.L_overlay_start_0:
0x88: {  	s2 =	sld [smem:$0x3FD9]  }
0x89: {  	s3 =	sld [smem:$0x3FFE];
	_ =	sdelay $0x1  }
0x8a: {  	s1 =	srdreg.scid  }
0x8b: {  	s0 =	sand.u32 $0x1, s1  }
0x8c: {  	s16 =	sshll.u32 s0, $0xA;
	s2 =	sadd.s32 s3, s2  }
0x8d: {  	s2 =	sadd.s32 s2, s16  }
0x8e: {  	[smem:$0x3FAC] =	sst s2  }
0x8f: {  	_ = 	snop  }
0x90: {  	(tm) =	ssettm $0x1  }
0x91: {  	s17 =	sld [smem:$0x3FFB];
	_ =	sdelay $0x3  }
0x92: {  	_ =	strace s17  }
0x93: {  	s2 =	sld [smem:$0x3FFC];
	_ =	sdelay $0x3  }
0x94: {  	_ =	strace s2  }
0x95: {  	s2 =	sld [smem:$0x3FFD];
	_ =	sdelay $0x3  }
0x96: {  	_ =	strace s2  }
0x97: {  	_ =	strace $0x8FFFFFFF  }
0x98: {  	s18 =	sld [smem:$0x3FDB];
	_ =	sdelay $0x1  }
0x99: {  	s19 =	simm.s32 $_scs_section_size  }
0x9a: {  	s4 =	simm.s32 $_size__tile_overlayer_lowered;
	s5 =	simm.s32 $_tile_overlayer_lowered  }
0x9b: {  	s22 =	simm.s32 $0x1BFF;
	s21 =	sshll.u32 s5, $0x1;
	s2 =	sadd.s32 s19, s18  }
0x9c: {  	s6 =	simm.s32 $0x0;
	s20 =	sshll.u32 s4, $0x1;
	s4 =	sadd.s32 s21, s2  }
0x9d: {  	[timem:s6], [sflag:s22] =	dma.local [hbm:s4], s20  }
0x9e: {  	_ =	swait.ge [sflag:s22], s20  }
0x9f: {  	s3 =	ssub.s32 $0x0, s20;
	[sflag:s22] =	ssyncset.done $0x0  }
0xa0: {  	[sflag:s22] =	ssyncadd.s32 s3;
	_ =	sdelay $0x1  }
0xa1: {  	s23 =	simm.s32 $0x1B8B  }
0xa2: {  	_ =	swait.ge [sflag:s23], $0x1  }
0xa3: {  	[sflag:s23] =	ssyncset.done $0x0  }
0xa4: {  	s25 =	simm.s32 $0x1B8E;
	s24 =	sld [smem:$0x3FFE];
	[sflag:s23] =	ssyncadd.s32 $0xFFFFFFFF  }
0xa5: {  	s26 =	simm.s32 $execute0_lowered;
	[smem:$0x3FD2] =	sst s25  }
0xa6: {  	s4 =	sshll.u32 s26, $0x1;
	_ =	strace $0x80000046;
	[dreg:$0x1] =	wrdreg $0xFFFFFFFF  }
0xa7: {  	s28 =	simm.s32 $_size_execute0_lowered;
	s2 =	sadd.s32 s2, s4;
	[dreg:$0x0] =	wrdreg $0x0  }
0xa8: {  	s4 =	sshll.u32 s28, $0x1;
	[dreg:$0x2] =	wrdreg s2  }
0xa9: {  	[dreg:$0x3] =	wrdreg s4  }
0xaa: {  	[dreg:$0x4] =	wrdreg $0xC0  }
0xab: {  	_ =	task [dreg:s6], $0x5FFFF  }
0xac: {  	[dreg:$0x1] =	wrdreg $0xFFFFFFFF  }
0xad: {  	[dreg:$0x0] =	wrdreg $0x60  }
0xae: {  	[dreg:$0x2] =	wrdreg s24  }
0xaf: {  	[dreg:$0x3] =	wrdreg $0xA8000  }
0xb0: {  	[dreg:$0x4] =	wrdreg $0x9  }
0xb1: {  	_ =	task.clear_ibuf [dreg:s6], $0x5FFFF;
	_ =	strace $0x90000046  }
0xb2: {  	s29 =	simm.s32 $0x9;
	_ =	strace $0x80000048  }
0xb3: {  	_ =	swait.ge [sflag:s29], $0x1  }
0xb4: {  	[sflag:s29] =	ssyncadd.s32 $0xFFFFFFFF  }
0xb5: {  	_ =	strace $0x90000048  }
0xb6: {  	_ =	sfence  }
0xb7: {  	s30 =	sld [smem:$0x0];
	_ =	sdelay $0x2  }
0xb8: {  	s31 =	sshll.u32 s1, $0xD;
	s1 =	sshrl.u32 s1, $0x2  }
0xb9: {  	s3 =	sand.u32 $0x4000, s31;
	s1 =	sadd.s32 s1, s30  }
0xba: {  	s0 =	sor.u32 s3, s0;
	s1 =	sshll.u32 s1, $0x11  }
0xbb: {  	s0 =	sor.u32 s1, s0  }
0xbc: {  	s0 =	sadd.s32 $0x8F2B, s0  }
0xbd: {  	[sflag:s0] =	ssyncadd.remote.s32 $0x1  }
0xbe: {  	_ =	sfence.sel $0xFFFF  }
0xbf: {  	[dreg:$0x0] =	wrdreg $0xFFFFFFFF;
	(pc) =	sbr.abs _section_cstart, $3  }
0xc0: {  	[dreg:$0x1] =	wrdreg $0xFFFFFFFF  }
0xc1: {  	_ =	task.clear_ibuf [dreg:s6], $0x2FFFF;
	_ =	strace $0x9FFFFFFF  }
0xc2: {  	(tm) =	ssettm $0x7FFFFFFF  }
0xc3: {  	_ =	shalt  }
tec
execute0_lowered:
.L_overlay_start_1:
0x0: {  	(tag) =	ssettag $0x1  }
0x1: {  	s6 =	rddreg [dreg:$0x0]  }
0x2: {  	s1 =	rddreg [dreg:$0x1]  }
0x3: {  	s0 =	rddreg [dreg:$0x2];
	s3 =	simm.s32 $0x0;
	s2 =	srdreg.scid  }
0x4: {  	s16 =	simm.s32 $0x80;
	s17 =	simm.s32 $0x2800;
	s18 =	simm.s32 $0x6800  }
0x5: {  	s19 =	simm.s32 $0x1;
	s20 =	simm.s32 $0x2;
	s21 =	simm.s32 $0x1380  }
0x6: {  	s22 =	simm.s32 $0x2700;
	s23 =	simm.s32 $0x2780;
	[smem:$0x7FF] =	sst s3  }
0x7: {  	s7 =	sand.u32 $0x1, s2;
	s2 =	stileid.u32;
	s4 =	sadd.s32 $0x5000, s6  }
0x8: {  	s10 =	sadd.s32 $0x37000, s6;
	s11 =	sadd.s32 $0x2D000, s6;
	s8 =	smul.u32 $0x140000, s7  }
0x9: {  	s5 =	sadd.s32 $0x41000, s6;
	_ =	strace $0x80000047;
	s9 =	smul.u32 $0x14000, s2  }
0xa: {  	s24 =	sshll.u32 s2, $0x1;
	s12 =	ssub.s32 $0x2, s7;
	s25 =	smul.u32 $0x50000, s2  }
0xb: {  	s28 =	sshll.u32 s2, $0x6;
	s7 =	sor.u32 s7, s24;
	s13 =	sshrl.u32 s12, $0x1  }
0xc: {  	s24 =	simm.s32 $0x0;
	s8 =	sadd.s32 s9, s8;
	s14 =	smul.u32 $0x2800, s7  }
0xd: {  	s12 =	ssub.s32 s12, s13;
	s26 =	sshrl.u32 s25, $0x2;
	s29 =	smul.u32 $0x500, s7  }
0xe: {  	s8 =	sshrl.u32 s8, $0x3;
	s31 =	sadd.s32 s26, s1;
	s12 =	smax.u32 s12, $0x1  }
0xf: {  	s15 =	sadd.s32 s8, s6;
	s30 =	sshrl.u32 s14, $0x3;
	s6 =	sor.u32 $0x1C03, s28  }
0x10: {  	s7 =	sadd.s32 s10, s29;
	s8 =	sadd.s32 s11, s29;
	s14 =	sadd.s32 $0x280, s30  }
0x11: {  	s13 =	sshrl.u32 s31, $0x3;
	s9 =	sadd.s32 s10, s14;
	s10 =	sadd.s32 s11, s14  }
0x12: {  	s11 =	sadd.s32 $0x43800, s15;
	s14 =	simm.s32 $0x3;
	s15 =	simm.s32 $0x1400  }
.LBB2_1:
0x13: {  	[spmem:s13], [sflag:s6] =	dma.local [hbm:s5], $0x2800  }
0x14: {  	_ =	swait.ge [sflag:s14], $0x2800  }
0x15: {  	[sflag:s14] =	ssyncset.done $0x0  }
0x16: {  	[sflag:s14] =	ssyncadd.s32 $0xFFFFD800  }
0x17: {  	[bflag:$0x0] =	sbarrier.arrive $0xFFFF  }
0x18: {  	[tilespmem:s3], [sflag:$0x3] =	stream.linear.gather [hbm4b:s7+s3], $0x1400, $0x38;
	[tilespmem:$0x1E800] =	vst v63  }
0x19: {  	_ =	swait.ge [sflag:s14], $0x1400  }
0x1a: {  	[sflag:s14] =	ssyncset.done $0x0  }
0x1b: {  	[sflag:s14] =	ssyncadd.s32 $0xFFFFEC00  }
0x1c: {  	[tilespmem:s15], [sflag:$0x3] =	stream.linear.gather [hbm4b:s8+s3], $0x1400, $0x38;
	[tilespmem:$0x1E800] =	vst v63  }
0x1d: {  	_ =	swait.ge [sflag:s14], $0x1400  }
0x1e: {  	[sflag:s14] =	ssyncset.done $0x0  }
0x1f: {  	[sflag:s14] =	ssyncadd.s32 $0xFFFFEC00  }
0x20: {  	[tilespmem:s17], [sflag:$0x1] =	stream.indirect.gather [hbm4b:s4+s16], $0x80, s3, s16, $0xb8;
	[tilespmem:$0x1E800] =	vst v63  }
0x21: {  	s25 =	simm.s32 $0x80  }
0x22: {  	[tilespmem:s18], [sflag:$0x2] =	stream.indirect.gather [hbm4b:s4+s16], $0x80, s25, s16, $0xb8;
	[tilespmem:$0x1E800] =	vst v63  }
0x23: {  	_ =	swait.ge [sflag:s19], $0x4000  }
0x24: {  	[sflag:s19] =	ssyncset.done $0x0  }
0x25: {  	s29 =	simm.s32 $0x1400;
	[sflag:s19] =	ssyncadd.s32 $0xFFFFC000  }
0x26: {  	[spmem:s1] =	stream.indirect.scatter.add.f32 [tilespmem:s17], [sflag:$0x3], $0x80, s29, s16, $0xb8;
	[tilespmem:$0x1E800] =	vst v63  }
0x27: {  	_ =	swait.ge [sflag:s14], $0x4000  }
0x28: {  	[sflag:s14] =	ssyncset.done $0x0  }
0x29: {  	s30 =	simm.s32 $0x100;
	[sflag:s14] =	ssyncadd.s32 $0xFFFFC000  }
0x2a: {  	[tilespmem:s17], [sflag:$0x1] =	stream.indirect.gather [hbm4b:s4+s16], $0x80, s30, s16, $0xb8;
	[tilespmem:$0x1E800] =	vst v63  }
0x2b: {  	_ =	swait.ge [sflag:s20], $0x4000  }
0x2c: {  	[sflag:s20] =	ssyncset.done $0x0  }
0x2d: {  	s31 =	simm.s32 $0x1480;
	[sflag:s20] =	ssyncadd.s32 $0xFFFFC000  }
0x2e: {  	[spmem:s1] =	stream.indirect.scatter.add.f32 [tilespmem:s18], [sflag:$0x3], $0x80, s31, s16, $0xb8;
	[tilespmem:$0x1E800] =	vst v63  }
0x2f: {  	_ =	swait.ge [sflag:s14], $0x4000  }
0x30: {  	s26 =	simm.s32 $0x800;
	s25 =	simm.s32 $0x100;
	[sflag:s14] =	ssyncset.done $0x0  }
.LBB2_2:
0x31: {  	s28 =	sadd.s32 $0x80, s25  }
0x32: {  	[sflag:s14] =	ssyncadd.s32 $0xFFFFC000;
	s29 =	smov.u32 s26;
	s30 =	sadd.s32 $0x400, s26  }
0x33: {  	[tilespmem:s18], [sflag:$0x2] =	stream.indirect.gather [hbm4b:s4+s16], $0x80, s28, s16, $0xb8;
	[tilespmem:$0x1E800] =	vst v63  }
0x34: {  	p0 =	sne.s32 s26, $0x4800;
	_ =	swait.ge [sflag:s19], $0x4000  }
0x35: {  	[sflag:s19] =	ssyncset.done $0x0  }
0x36: {  	s26 =	sadd.s32 $0x1400, s25;
	[sflag:s19] =	ssyncadd.s32 $0xFFFFC000  }
0x37: {  	[spmem:s1] =	stream.indirect.scatter.add.f32 [tilespmem:s17], [sflag:$0x3], $0x80, s26, s16, $0xb8;
	[tilespmem:$0x1E800] =	vst v63  }
0x38: {  	_ =	swait.ge [sflag:s14], $0x4000  }
0x39: {  	[sflag:s14] =	ssyncset.done $0x0  }
0x3a: {  	s26 =	sadd.s32 $0x100, s25;
	[sflag:s14] =	ssyncadd.s32 $0xFFFFC000  }
0x3b: {  	[tilespmem:s17], [sflag:$0x1] =	stream.indirect.gather [hbm4b:s4+s16], $0x80, s26, s16, $0xb8;
	[tilespmem:$0x1E800] =	vst v63  }
0x3c: {  	_ =	swait.ge [sflag:s20], $0x4000  }
.Ltmp0:
0x3d: {  	[sflag:s20] =	ssyncset.done $0x0;
	(pc) =	sbr.rel @p0 .LBB2_2-.Ltmp0, $4  }
0x3e: {  	s25 =	sadd.s32 $0x1480, s25;
	[sflag:s20] =	ssyncadd.s32 $0xFFFFC000  }
0x3f: {  	[spmem:s1] =	stream.indirect.scatter.add.f32 [tilespmem:s18], [sflag:$0x3], $0x80, s25, s16, $0xb8;
	[tilespmem:$0x1E800] =	vst v63  }
0x40: {  	_ =	swait.ge [sflag:s14], $0x4000  }
0x41: {  	s26 =	smov.u32 s30;
	s25 =	sshra.s32 s29, $0x2;
	[sflag:s14] =	ssyncset.done $0x0  }
0x42: {  	s26 =	sadd.s32 $0x80, s25;
	[sflag:s14] =	ssyncadd.s32 $0xFFFFC000  }
0x43: {  	[tilespmem:s18], [sflag:$0x2] =	stream.indirect.gather [hbm4b:s4+s16], $0x80, s26, s16, $0xb8;
	[tilespmem:$0x1E800] =	vst v63  }
0x44: {  	_ =	swait.ge [sflag:s19], $0x4000  }
0x45: {  	[sflag:s19] =	ssyncset.done $0x0  }
0x46: {  	s29 =	sadd.s32 $0x1400, s25;
	[sflag:s19] =	ssyncadd.s32 $0xFFFFC000  }
0x47: {  	[spmem:s1] =	stream.indirect.scatter.add.f32 [tilespmem:s17], [sflag:$0x3], $0x80, s29, s16, $0xb8;
	[tilespmem:$0x1E800] =	vst v63  }
0x48: {  	_ =	swait.ge [sflag:s14], $0x4000  }
0x49: {  	[sflag:s14] =	ssyncset.done $0x0  }
0x4a: {  	s30 =	sadd.s32 $0x100, s25;
	[sflag:s14] =	ssyncadd.s32 $0xFFFFC000  }
0x4b: {  	[tilespmem:s17], [sflag:$0x1] =	stream.indirect.gather [hbm4b:s4+s16], $0x80, s30, s16, $0xb8;
	[tilespmem:$0x1E800] =	vst v63  }
0x4c: {  	_ =	swait.ge [sflag:s20], $0x4000  }
0x4d: {  	[sflag:s20] =	ssyncset.done $0x0  }
0x4e: {  	s31 =	sadd.s32 $0x1480, s25;
	[sflag:s20] =	ssyncadd.s32 $0xFFFFC000  }
0x4f: {  	[spmem:s1] =	stream.indirect.scatter.add.f32 [tilespmem:s18], [sflag:$0x3], $0x80, s31, s16, $0xb8;
	[tilespmem:$0x1E800] =	vst v63  }
0x50: {  	_ =	swait.ge [sflag:s14], $0x4000  }
0x51: {  	[sflag:s14] =	ssyncset.done $0x0  }
0x52: {  	[sflag:s14] =	ssyncadd.s32 $0xFFFFC000  }
0x53: {  	[tilespmem:s18], [sflag:$0x2] =	stream.indirect.gather [hbm4b:s4+s16], $0x80, s21, s16, $0xb8;
	[tilespmem:$0x1E800] =	vst v63  }
0x54: {  	_ =	swait.ge [sflag:s19], $0x4000  }
0x55: {  	[sflag:s19] =	ssyncset.done $0x0  }
0x56: {  	[sflag:s19] =	ssyncadd.s32 $0xFFFFC000  }
0x57: {  	[spmem:s1] =	stream.indirect.scatter.add.f32 [tilespmem:s17], [sflag:$0x3], $0x80, s22, s16, $0xb8;
	[tilespmem:$0x1E800] =	vst v63  }
0x58: {  	_ =	swait.ge [sflag:s14], $0x4000  }
0x59: {  	[sflag:s14] =	ssyncset.done $0x0  }
0x5a: {  	[sflag:s14] =	ssyncadd.s32 $0xFFFFC000  }
0x5b: {  	_ =	swait.ge [sflag:s20], $0x4000  }
0x5c: {  	[sflag:s20] =	ssyncset.done $0x0  }
0x5d: {  	[sflag:s20] =	ssyncadd.s32 $0xFFFFC000  }
0x5e: {  	[spmem:s1] =	stream.indirect.scatter.add.f32 [tilespmem:s18], [sflag:$0x3], $0x80, s23, s16, $0xb8;
	[tilespmem:$0x1E800] =	vst v63  }
0x5f: {  	_ =	swait.ge [sflag:s14], $0x4000  }
0x60: {  	[sflag:s14] =	ssyncset.done $0x0  }
0x61: {  	s26 =	simm.s32 $0x0;
	[sflag:s14] =	ssyncadd.s32 $0xFFFFC000  }
0x62: {  	[tilespmem:s26], [sflag:$0x3] =	stream.linear.gather [hbm4b:s9+s26], $0x1400, $0x38;
	[tilespmem:$0x1E800] =	vst v63  }
0x63: {  	_ =	swait.ge [sflag:s14], $0x1400  }
0x64: {  	[sflag:s14] =	ssyncset.done $0x0  }
0x65: {  	[sflag:s14] =	ssyncadd.s32 $0xFFFFEC00  }
0x66: {  	[tilespmem:s15], [sflag:$0x3] =	stream.linear.gather [hbm4b:s10+s26], $0x1400, $0x38;
	[tilespmem:$0x1E800] =	vst v63  }
0x67: {  	_ =	swait.ge [sflag:s14], $0x1400  }
0x68: {  	[sflag:s14] =	ssyncset.done $0x0  }
0x69: {  	[sflag:s14] =	ssyncadd.s32 $0xFFFFEC00  }
0x6a: {  	[tilespmem:s17], [sflag:$0x1] =	stream.indirect.gather [hbm4b:s4+s16], $0x80, s26, s16, $0xb8;
	[tilespmem:$0x1E800] =	vst v63  }
0x6b: {  	s28 =	simm.s32 $0x80  }
0x6c: {  	[tilespmem:s18], [sflag:$0x2] =	stream.indirect.gather [hbm4b:s4+s16], $0x80, s28, s16, $0xb8;
	[tilespmem:$0x1E800] =	vst v63  }
0x6d: {  	_ =	swait.ge [sflag:s19], $0x4000  }
0x6e: {  	[sflag:s19] =	ssyncset.done $0x0  }
0x6f: {  	s29 =	simm.s32 $0x1400;
	[sflag:s19] =	ssyncadd.s32 $0xFFFFC000  }
0x70: {  	[spmem:s1] =	stream.indirect.scatter.add.f32 [tilespmem:s17], [sflag:$0x3], $0x80, s29, s16, $0xb8;
	[tilespmem:$0x1E800] =	vst v63  }
0x71: {  	_ =	swait.ge [sflag:s14], $0x4000  }
0x72: {  	[sflag:s14] =	ssyncset.done $0x0  }
0x73: {  	s30 =	simm.s32 $0x100;
	[sflag:s14] =	ssyncadd.s32 $0xFFFFC000  }
0x74: {  	[tilespmem:s17], [sflag:$0x1] =	stream.indirect.gather [hbm4b:s4+s16], $0x80, s30, s16, $0xb8;
	[tilespmem:$0x1E800] =	vst v63  }
0x75: {  	_ =	swait.ge [sflag:s20], $0x4000  }
0x76: {  	[sflag:s20] =	ssyncset.done $0x0  }
0x77: {  	s31 =	simm.s32 $0x1480;
	[sflag:s20] =	ssyncadd.s32 $0xFFFFC000  }
0x78: {  	[spmem:s1] =	stream.indirect.scatter.add.f32 [tilespmem:s18], [sflag:$0x3], $0x80, s31, s16, $0xb8;
	[tilespmem:$0x1E800] =	vst v63  }
0x79: {  	_ =	swait.ge [sflag:s14], $0x4000  }
0x7a: {  	s25 =	simm.s32 $0x100;
	s26 =	simm.s32 $0x800;
	[sflag:s14] =	ssyncset.done $0x0  }
.LBB2_4:
0x7b: {  	s28 =	sadd.s32 $0x80, s25  }
0x7c: {  	[sflag:s14] =	ssyncadd.s32 $0xFFFFC000;
	s29 =	smov.u32 s26;
	s30 =	sadd.s32 $0x400, s26  }
0x7d: {  	[tilespmem:s18], [sflag:$0x2] =	stream.indirect.gather [hbm4b:s4+s16], $0x80, s28, s16, $0xb8;
	[tilespmem:$0x1E800] =	vst v63  }
0x7e: {  	p0 =	sne.s32 s26, $0x4800;
	_ =	swait.ge [sflag:s19], $0x4000  }
0x7f: {  	[sflag:s19] =	ssyncset.done $0x0  }
0x80: {  	s26 =	sadd.s32 $0x1400, s25;
	[sflag:s19] =	ssyncadd.s32 $0xFFFFC000  }
0x81: {  	[spmem:s1] =	stream.indirect.scatter.add.f32 [tilespmem:s17], [sflag:$0x3], $0x80, s26, s16, $0xb8;
	[tilespmem:$0x1E800] =	vst v63  }
0x82: {  	_ =	swait.ge [sflag:s14], $0x4000  }
0x83: {  	[sflag:s14] =	ssyncset.done $0x0  }
0x84: {  	s26 =	sadd.s32 $0x100, s25;
	[sflag:s14] =	ssyncadd.s32 $0xFFFFC000  }
0x85: {  	[tilespmem:s17], [sflag:$0x1] =	stream.indirect.gather [hbm4b:s4+s16], $0x80, s26, s16, $0xb8;
	[tilespmem:$0x1E800] =	vst v63  }
0x86: {  	_ =	swait.ge [sflag:s20], $0x4000  }
.Ltmp1:
0x87: {  	[sflag:s20] =	ssyncset.done $0x0;
	(pc) =	sbr.rel @p0 .LBB2_4-.Ltmp1, $4  }
0x88: {  	s25 =	sadd.s32 $0x1480, s25;
	[sflag:s20] =	ssyncadd.s32 $0xFFFFC000  }
0x89: {  	[spmem:s1] =	stream.indirect.scatter.add.f32 [tilespmem:s18], [sflag:$0x3], $0x80, s25, s16, $0xb8;
	[tilespmem:$0x1E800] =	vst v63  }
0x8a: {  	_ =	swait.ge [sflag:s14], $0x4000  }
0x8b: {  	s26 =	smov.u32 s30;
	s25 =	sshra.s32 s29, $0x2;
	[sflag:s14] =	ssyncset.done $0x0  }
0x8c: {  	s26 =	sadd.s32 $0x80, s25;
	[sflag:s14] =	ssyncadd.s32 $0xFFFFC000  }
0x8d: {  	[tilespmem:s18], [sflag:$0x2] =	stream.indirect.gather [hbm4b:s4+s16], $0x80, s26, s16, $0xb8;
	[tilespmem:$0x1E800] =	vst v63  }
0x8e: {  	_ =	swait.ge [sflag:s19], $0x4000  }
0x8f: {  	[sflag:s19] =	ssyncset.done $0x0  }
0x90: {  	s29 =	sadd.s32 $0x1400, s25;
	[sflag:s19] =	ssyncadd.s32 $0xFFFFC000  }
0x91: {  	[spmem:s1] =	stream.indirect.scatter.add.f32 [tilespmem:s17], [sflag:$0x3], $0x80, s29, s16, $0xb8;
	[tilespmem:$0x1E800] =	vst v63  }
0x92: {  	_ =	swait.ge [sflag:s14], $0x4000  }
0x93: {  	[sflag:s14] =	ssyncset.done $0x0  }
0x94: {  	s30 =	sadd.s32 $0x100, s25;
	[sflag:s14] =	ssyncadd.s32 $0xFFFFC000  }
0x95: {  	[tilespmem:s17], [sflag:$0x1] =	stream.indirect.gather [hbm4b:s4+s16], $0x80, s30, s16, $0xb8;
	[tilespmem:$0x1E800] =	vst v63  }
0x96: {  	_ =	swait.ge [sflag:s20], $0x4000  }
0x97: {  	[sflag:s20] =	ssyncset.done $0x0  }
0x98: {  	s31 =	sadd.s32 $0x1480, s25;
	[sflag:s20] =	ssyncadd.s32 $0xFFFFC000  }
0x99: {  	[spmem:s1] =	stream.indirect.scatter.add.f32 [tilespmem:s18], [sflag:$0x3], $0x80, s31, s16, $0xb8;
	[tilespmem:$0x1E800] =	vst v63  }
0x9a: {  	_ =	swait.ge [sflag:s14], $0x4000  }
0x9b: {  	[sflag:s14] =	ssyncset.done $0x0  }
0x9c: {  	[sflag:s14] =	ssyncadd.s32 $0xFFFFC000  }
0x9d: {  	[tilespmem:s18], [sflag:$0x2] =	stream.indirect.gather [hbm4b:s4+s16], $0x80, s21, s16, $0xb8;
	[tilespmem:$0x1E800] =	vst v63  }
0x9e: {  	_ =	swait.ge [sflag:s19], $0x4000  }
0x9f: {  	[sflag:s19] =	ssyncset.done $0x0  }
0xa0: {  	[sflag:s19] =	ssyncadd.s32 $0xFFFFC000  }
0xa1: {  	[spmem:s1] =	stream.indirect.scatter.add.f32 [tilespmem:s17], [sflag:$0x3], $0x80, s22, s16, $0xb8;
	[tilespmem:$0x1E800] =	vst v63  }
0xa2: {  	_ =	swait.ge [sflag:s14], $0x4000  }
0xa3: {  	[sflag:s14] =	ssyncset.done $0x0  }
0xa4: {  	[sflag:s14] =	ssyncadd.s32 $0xFFFFC000  }
0xa5: {  	_ =	swait.ge [sflag:s20], $0x4000  }
0xa6: {  	[sflag:s20] =	ssyncset.done $0x0  }
0xa7: {  	[sflag:s20] =	ssyncadd.s32 $0xFFFFC000  }
0xa8: {  	[spmem:s1] =	stream.indirect.scatter.add.f32 [tilespmem:s18], [sflag:$0x3], $0x80, s23, s16, $0xb8;
	[tilespmem:$0x1E800] =	vst v63  }
0xa9: {  	_ =	swait.ge [sflag:s14], $0x4000  }
0xaa: {  	s24 =	sadd.s32 $0x1, s24;
	[sflag:s14] =	ssyncset.done $0x0  }
0xab: {  	p0 =	sne.s32 s24, s12;
	[sflag:s14] =	ssyncadd.s32 $0xFFFFC000  }
.Ltmp2:
0xac: {  	[bflag:$0x0] =	sbarrier.arrive $0xFFFF;
	(pc) =	sbr.rel @p0 .LBB2_1-.Ltmp2, $4  }
0xad: {  	[hbm:s11], [sflag:s6] =	dma.local [spmem:s13], $0x2800  }
0xae: {  	_ =	swait.ge [sflag:s14], $0x2800  }
0xaf: {  	[sflag:s14] =	ssyncset.done $0x0  }
0xb0: {  	[sflag:s14] =	ssyncadd.s32 $0xFFFFD800  }
0xb1: {  	_ =	sfence.sel $0x180000  }
0xb2: {  	[bflag:$0x0] =	sbarrier.arrive $0xFFFF  }
0xb3: {  	p0 =	sne.s32 s2, $0x0;
	_ =	strace $0x90000047  }
0xb4: {  	s0 =	sadd.s32 @!p0 $0x100000, s0;
	[bflag:$0x2] =	sbarrier.arrive $0xFFFF  }
0xb5: {  	[sflag:s0] =	ssyncadd.tile.s32 @!p0 $0x1;
	_ =	shalt  }
.Lfunc_end2:
_tile_overlayer_lowered:
.L_overlay_start_2:
0xb6: {  	(tag) =	ssettag $0x2  }
0xb7: {  	s0 =	rddreg [dreg:$0x0];
	s2 =	stileid.u32  }
0xb8: {  	s1 =	rddreg [dreg:$0x1];
	p0 =	sne.s32 s2, $0x0  }
0xb9: {  	s3 =	rddreg [dreg:$0x2];
	[bflag:$0x3] =	sbarrier.arrive $0xFFFF;
	s2 =	simm.s32 @!p0 $0x1C03  }
0xba: {  	[timem:s3], [sflag:s2] =	dma.local @!p0 [hbm:s0], s1  }
0xbb: {  	s0 =	simm.s32 @!p0 $0x3  }
0xbc: {  	_ =	swait.ge @!p0 [sflag:s0], s1  }
0xbd: {  	s1 =	ssub.s32 @!p0 $0x0, s1;
	[sflag:s0] =	ssyncset.done @!p0 $0x0  }
0xbe: {  	[sflag:s0] =	ssyncadd.s32 @!p0 s1  }
0xbf: {  	[bflag:$0x3] =	sbarrier.arrive $0xFFFF  }
0xc0: {  	_ =	shalt  }

</sc_bundles>
